<compile_context>
chip_gen: v7x
topology: tpu7x:2x2x1
jax: 0.10.2.dev20260603
libtpu: 0.0.44.dev20260713+nightly
codegen_flags: <defaults>
</compile_context>

<pallas_src>
import jax
import jax.numpy as jnp
from jax import lax
from jax.experimental import pallas as pl
from jax.experimental.pallas import tpu as pltpu
from jax.experimental.pallas import tpu_sc as plsc

_L = 16
_CHUNK = 128
_EPS = 1e-5


def _hsum16(v):
    lanes = lax.iota(jnp.int32, _L)
    for sh in (8, 4, 2, 1):
        perm = lanes ^ sh
        v = v + v.at[perm].get(mode="promise_in_bounds")
    return v


def _rsqrt16(x):
    i = plsc.bitcast(x, jnp.int32)
    i = jnp.int32(0x5F3759DF) - (i >> 1)
    y = plsc.bitcast(i, jnp.float32)
    for _ in range(2):
        y = y * (1.5 - 0.5 * x * y * y)
    return y


def _make_body(n_rows, hidden, tokens_per_worker, num_cores, num_subcores,
               pos_rows, type_rows):
    n_chunks = tokens_per_worker // _CHUNK
    n_vec = hidden // _L
    n_idx_vec = _CHUNK // _L
    comb_rows = pos_rows * type_rows
    rows_per_tile = comb_rows // num_subcores

    def body(ids_all, wtab, ptab, ttab, gam, bet, out,
             ia_v, ic_v, w0, p0, w1, p1, o0, o1, ctab_v, tt_v, g_v, b_v,
             wsem0, wsem1, psem0, psem1, osem0, osem1):
        wid = lax.axis_index("s") * num_cores + lax.axis_index("c")
        sid = lax.axis_index("s")
        pltpu.sync_copy(gam, g_v)
        pltpu.sync_copy(bet, b_v)
        pltpu.sync_copy(ttab, tt_v)

        m0 = sid * rows_per_tile
        tt = m0 // pos_rows
        q0 = m0 - tt * pos_rows
        bld = p0.at[pl.ds(0, rows_per_tile)]
        pltpu.sync_copy(ptab.at[pl.ds(q0, rows_per_tile)], bld)

        def build_row(r, bcarry):
            for j in range(n_vec):
                sl = pl.ds(j * _L, _L)
                p0[r, sl] = p0[r, sl] + tt_v[tt, sl]
            return bcarry

        lax.fori_loop(0, rows_per_tile, build_row, 0, unroll=4)
        pltpu.sync_copy(bld, ctab_v.at[pl.ds(m0, rows_per_tile)])
        plsc.subcore_barrier()

        pltpu.sync_copy(
            ids_all.at[:, pl.ds(wid * tokens_per_worker,
                                tokens_per_worker)], ia_v)

        @plsc.parallel_loop(0, tokens_per_worker // _L, unroll=4)
        def _fuse(t):
            sl = pl.ds(t * _L, _L)
            ic_v[sl] = ia_v[1, sl] + ia_v[2, sl] * pos_rows

        gs = [g_v[pl.ds(j * _L, _L)] for j in range(n_vec)]
        bs = [b_v[pl.ds(j * _L, _L)] for j in range(n_vec)]

        bufs = [(w0, p0, o0), (w1, p1, o1)]
        gsems = [(wsem0, psem0), (wsem1, psem1)]
        osems = [osem0, osem1]

        def fire_gather(c, k):
            iw = ia_v.at[0, pl.ds(c * _CHUNK, _CHUNK)]
            ic = ic_v.at[pl.ds(c * _CHUNK, _CHUNK)]
            wv, pv, _ = bufs[k]
            sw, sp = gsems[k]
            pltpu.async_copy(wtab.at[iw], wv, sw)
            pltpu.async_copy(ctab_v.at[ic], pv, sp)

        def wait_gather(k):
            iw = ia_v.at[0, pl.ds(0, _CHUNK)]
            ic = ic_v.at[pl.ds(0, _CHUNK)]
            wv, pv, _ = bufs[k]
            sw, sp = gsems[k]
            pltpu.make_async_copy(wtab.at[iw], wv, sw).wait()
            pltpu.make_async_copy(ctab_v.at[ic], pv, sp).wait()

        def fire_out(c, k):
            base = wid * tokens_per_worker + c * _CHUNK
            pltpu.async_copy(bufs[k][2], out.at[pl.ds(base, _CHUNK)],
                             osems[k])

        def wait_out(k):
            pltpu.make_async_copy(bufs[k][2], out.at[pl.ds(0, _CHUNK)],
                                  osems[k]).wait()

        def compute_chunk(k, gs, bs):
            wv, pv, ov = bufs[k]

            @plsc.parallel_loop(0, _CHUNK, unroll=4, carry=(gs, bs))
            def _rows(r, rcarry):
                gs, bs = rcarry
                vs = [
                    wv[r, pl.ds(j * _L, _L)] + pv[r, pl.ds(j * _L, _L)]
                    for j in range(n_vec)
                ]
                tot = vs[0]
                sq = vs[0] * vs[0]
                for j in range(1, n_vec):
                    tot = tot + vs[j]
                    sq = sq + vs[j] * vs[j]
                mean_v = _hsum16(tot) * (1.0 / hidden)
                msq_v = _hsum16(sq) * (1.0 / hidden)
                var_v = msq_v - mean_v * mean_v
                inv = _rsqrt16(var_v + _EPS)
                for j in range(n_vec):
                    sl = pl.ds(j * _L, _L)
                    ov[r, sl] = (vs[j] - mean_v) * inv * gs[j] + bs[j]
                return gs, bs

            return _rows

        n_super = n_chunks // 2
        fire_gather(0, 0)

        def super_step(i, carry):
            gs, bs = carry
            fire_gather(2 * i + 1, 1)
            wait_gather(0)

            @pl.when(i >= 1)
            def _():
                wait_out(0)

            gs, bs = compute_chunk(0, gs, bs)
            fire_out(2 * i, 0)

            @pl.when(i < n_super - 1)
            def _():
                fire_gather(2 * i + 2, 0)

            wait_gather(1)

            @pl.when(i >= 1)
            def _():
                wait_out(1)

            gs, bs = compute_chunk(1, gs, bs)
            fire_out(2 * i + 1, 1)
            return gs, bs

        lax.fori_loop(0, n_super, super_step, (gs, bs), unroll=False)
        wait_out(0)
        wait_out(1)

    return body


def kernel(input_ids, position_ids, token_type_ids, word_emb, pos_emb,
           type_emb, ln_gamma, ln_beta):
    s_len, batch = input_ids.shape
    hidden = word_emb.shape[1]
    n = s_len * batch

    ids_all = jnp.stack([
        input_ids.reshape(n).astype(jnp.int32),
        position_ids.T.reshape(n).astype(jnp.int32),
        token_type_ids.reshape(n).astype(jnp.int32),
    ])

    mesh = plsc.VectorSubcoreMesh(core_axis_name="c", subcore_axis_name="s")
    num_workers = mesh.num_cores * mesh.num_subcores
    tokens_per_worker = n // num_workers

    pos_rows = pos_emb.shape[0]
    type_rows = type_emb.shape[0]
    body = _make_body(n, hidden, tokens_per_worker, mesh.num_cores,
                      mesh.num_subcores, pos_rows, type_rows)
    run = pl.kernel(
        body,
        out_type=jax.ShapeDtypeStruct((n, hidden), jnp.float32),
        mesh=mesh,
        compiler_params=pltpu.CompilerParams(needs_layout_passes=False),
        scratch_types=(
            [
                pltpu.VMEM((3, tokens_per_worker), jnp.int32),
                pltpu.VMEM((tokens_per_worker,), jnp.int32),
            ]
            + [pltpu.VMEM((_CHUNK, hidden), jnp.float32)] * 6
            + [
                pltpu.VMEM_SHARED((pos_rows * type_rows, hidden),
                                  jnp.float32),
                pltpu.VMEM((type_rows, hidden), jnp.float32),
                pltpu.VMEM((hidden,), jnp.float32),
                pltpu.VMEM((hidden,), jnp.float32),
            ]
            + [pltpu.SemaphoreType.DMA] * 6
        ),
    )
    out = run(ids_all, word_emb, pos_emb, type_emb, ln_gamma, ln_beta)
    return out.reshape(s_len, batch, hidden)

# --- scband reference (transcript-rebuilt; emitter-appended) ---
"""Pipeline reference for scband-bert-embedding-9285719294579 (READ-ONLY COPY).

The authoritative reference and input builder live on the scoring server;
editing this copy changes nothing except your own understanding.
"""

import jax, jax.numpy as jnp
import numpy as np

VOCAB = 100000
HIDDEN = 128
MAX_POS = 512
TYPE_VOCAB = 2
SRC_LEN = 512
BATCH = 128


def setup_inputs(seed: int = 0) -> dict:
    key = jax.random.key(seed)
    k1, k2, k3, k4, k5, k6 = jax.random.split(key, 6)
    input_ids = jax.random.randint(k1, (SRC_LEN, BATCH), 0, VOCAB, dtype=jnp.int64 if jax.config.jax_enable_x64 else jnp.int32)
    position_ids = jax.random.randint(k2, (BATCH, SRC_LEN), 0, MAX_POS, dtype=jnp.int64 if jax.config.jax_enable_x64 else jnp.int32)
    token_type_ids = jax.random.randint(k3, (SRC_LEN, BATCH), 0, TYPE_VOCAB, dtype=jnp.int64 if jax.config.jax_enable_x64 else jnp.int32)
    word_emb = jax.random.normal(k4, (VOCAB, HIDDEN), dtype=jnp.float32) * 0.02
    pos_emb = jax.random.normal(k5, (MAX_POS, HIDDEN), dtype=jnp.float32) * 0.02
    type_emb = jax.random.normal(k6, (TYPE_VOCAB, HIDDEN), dtype=jnp.float32) * 0.02
    ln_gamma = jnp.ones((HIDDEN,), dtype=jnp.float32)
    ln_beta = jnp.zeros((HIDDEN,), dtype=jnp.float32)
    return {
        'input_ids': input_ids,
        'position_ids': position_ids,
        'token_type_ids': token_type_ids,
        'word_emb': word_emb,
        'pos_emb': pos_emb,
        'type_emb': type_emb,
        'ln_gamma': ln_gamma,
        'ln_beta': ln_beta,
    }


def _layer_norm(x, gamma, beta, eps=1e-5):
    mean = jnp.mean(x, axis=-1, keepdims=True)
    var = jnp.mean((x - mean) ** 2, axis=-1, keepdims=True)
    return (x - mean) / jnp.sqrt(var + eps) * gamma + beta


def reference(input_ids, position_ids, token_type_ids, word_emb, pos_emb, type_emb, ln_gamma, ln_beta):
    # word embedding lookup: [src_len, batch, hidden]
    token_embedding = jnp.take(word_emb, input_ids, axis=0)
    # positional embedding: position_ids is [batch, src_len] -> [batch, src_len, hidden] -> transpose(0,1)
    positional_embedding = jnp.swapaxes(jnp.take(pos_emb, position_ids, axis=0), 0, 1)
    # token type / segment embedding: [src_len, batch, hidden]
    segment_embedding = jnp.take(type_emb, token_type_ids, axis=0)
    embeddings = token_embedding + positional_embedding + segment_embedding
    embeddings = _layer_norm(embeddings, ln_gamma, ln_beta)
    # dropout is identity in eval mode
    return embeddings

if __name__ == "__main__":
    import jax
    _d = setup_inputs()
    print(jax.jit(kernel)(*tuple(_d.values())))

</pallas_src>

<mosaic_0001>
#map = affine_map<(d0, d1) -> (0, 0)>
#map1 = affine_map<(d0, d1) -> (0)>
module attributes {stable_mosaic.version = 14 : i64} {
  func.func @body(%arg0: i32, %arg1: i32, %arg2: memref<3x65536xi32, #tpu.memory_space<hbm>>, %arg3: memref<100000x128xf32, #tpu.memory_space<hbm>>, %arg4: memref<512x128xf32, #tpu.memory_space<hbm>>, %arg5: memref<2x128xf32, #tpu.memory_space<hbm>>, %arg6: memref<128xf32, #tpu.memory_space<hbm>>, %arg7: memref<128xf32, #tpu.memory_space<hbm>>, %arg8: memref<65536x128xf32, #tpu.memory_space<hbm>>, %arg9: memref<3x2048xi32, #tpu.memory_space<vmem>>, %arg10: memref<2048xi32, #tpu.memory_space<vmem>>, %arg11: memref<128x128xf32, #tpu.memory_space<vmem>>, %arg12: memref<128x128xf32, #tpu.memory_space<vmem>>, %arg13: memref<128x128xf32, #tpu.memory_space<vmem>>, %arg14: memref<128x128xf32, #tpu.memory_space<vmem>>, %arg15: memref<128x128xf32, #tpu.memory_space<vmem>>, %arg16: memref<128x128xf32, #tpu.memory_space<vmem>>, %arg17: memref<1024x128xf32, #tpu.memory_space<vmem_shared>>, %arg18: memref<2x128xf32, #tpu.memory_space<vmem>>, %arg19: memref<128xf32, #tpu.memory_space<vmem>>, %arg20: memref<128xf32, #tpu.memory_space<vmem>>, %arg21: memref<!tpu.dma_semaphore, #tpu.memory_space<semaphore_mem>>, %arg22: memref<!tpu.dma_semaphore, #tpu.memory_space<semaphore_mem>>, %arg23: memref<!tpu.dma_semaphore, #tpu.memory_space<semaphore_mem>>, %arg24: memref<!tpu.dma_semaphore, #tpu.memory_space<semaphore_mem>>, %arg25: memref<!tpu.dma_semaphore, #tpu.memory_space<semaphore_mem>>, %arg26: memref<!tpu.dma_semaphore, #tpu.memory_space<semaphore_mem>>) attributes {dimension_semantics = [#tpu.dimension_semantics<core_parallel>, #tpu.dimension_semantics<subcore_parallel>], iteration_bounds = array<i64: 2, 16>, scalar_prefetch = 0 : i64, scratch_operands = 18 : i64, tpu.core_type = #tpu.core_type<sc_vector_subcore>, window_params = [{transform_indices = #map}, {transform_indices = #map}, {transform_indices = #map}, {transform_indices = #map}, {transform_indices = #map1}, {transform_indices = #map1}, {transform_indices = #map}]} {
    %mul3A = arith.constant 2 : i32
    %mul3A_0 = arith.muli %arg1, %mul3A : i32
    %add3A = arith.addi %mul3A_0, %arg0 : i32
    "tpu.region"() ({
      %run_scoped3A = tpu.sem_alloc : memref<!tpu.dma_semaphore, #tpu.memory_space<semaphore_mem>>
      tpu.enqueue_dma source(%arg6 : memref<128xf32, #tpu.memory_space<hbm>>) target(%arg19 : memref<128xf32, #tpu.memory_space<vmem>>) target_semaphore(%run_scoped3A : memref<!tpu.dma_semaphore, #tpu.memory_space<semaphore_mem>>)
      tpu.wait_dma2 semaphore(%run_scoped3A : memref<!tpu.dma_semaphore, #tpu.memory_space<semaphore_mem>>) src(%arg6 : memref<128xf32, #tpu.memory_space<hbm>>) dst(%arg19 : memref<128xf32, #tpu.memory_space<vmem>>)
      tpu.yield
    }) : () -> ()
    "tpu.region"() ({
      %run_scoped3A = tpu.sem_alloc : memref<!tpu.dma_semaphore, #tpu.memory_space<semaphore_mem>>
      tpu.enqueue_dma source(%arg7 : memref<128xf32, #tpu.memory_space<hbm>>) target(%arg20 : memref<128xf32, #tpu.memory_space<vmem>>) target_semaphore(%run_scoped3A : memref<!tpu.dma_semaphore, #tpu.memory_space<semaphore_mem>>)
      tpu.wait_dma2 semaphore(%run_scoped3A : memref<!tpu.dma_semaphore, #tpu.memory_space<semaphore_mem>>) src(%arg7 : memref<128xf32, #tpu.memory_space<hbm>>) dst(%arg20 : memref<128xf32, #tpu.memory_space<vmem>>)
      tpu.yield
    }) : () -> ()
    "tpu.region"() ({
      %run_scoped3A = tpu.sem_alloc : memref<!tpu.dma_semaphore, #tpu.memory_space<semaphore_mem>>
      tpu.enqueue_dma source(%arg5 : memref<2x128xf32, #tpu.memory_space<hbm>>) target(%arg18 : memref<2x128xf32, #tpu.memory_space<vmem>>) target_semaphore(%run_scoped3A : memref<!tpu.dma_semaphore, #tpu.memory_space<semaphore_mem>>)
      tpu.wait_dma2 semaphore(%run_scoped3A : memref<!tpu.dma_semaphore, #tpu.memory_space<semaphore_mem>>) src(%arg5 : memref<2x128xf32, #tpu.memory_space<hbm>>) dst(%arg18 : memref<2x128xf32, #tpu.memory_space<vmem>>)
      tpu.yield
    }) : () -> ()
    %mul3A_1 = arith.constant 64 : i32
    %mul3A_2 = arith.muli %arg1, %mul3A_1 : i32
    %jit3A = arith.constant 512 : i32
    %div3A = arith.divsi %mul3A_2, %jit3A : i32
    %sign3A = arith.constant 0 : i32
    %sign3A_3 = arith.cmpi sgt, %mul3A_2, %sign3A : i32
    %sign3A_4 = arith.extui %sign3A_3 : i1 to i32
    %sign3A_5 = arith.constant 0 : i32
    %sign3A_6 = arith.cmpi slt, %mul3A_2, %sign3A_5 : i32
    %sign3A_7 = arith.extui %sign3A_6 : i1 to i32
    %sign3A_8 = arith.subi %sign3A_4, %sign3A_7 : i32
    %sign3A_9 = arith.constant 0 : i32
    %sign3A_10 = arith.cmpi sgt, %jit3A, %sign3A_9 : i32
    %sign3A_11 = arith.extui %sign3A_10 : i1 to i32
    %sign3A_12 = arith.constant 0 : i32
    %sign3A_13 = arith.cmpi slt, %jit3A, %sign3A_12 : i32
    %sign3A_14 = arith.extui %sign3A_13 : i1 to i32
    %sign3A_15 = arith.subi %sign3A_11, %sign3A_14 : i32
    %ne3A = arith.cmpi ne, %sign3A_8, %sign3A_15 : i32
    %rem3A = arith.remsi %mul3A_2, %jit3A : i32
    %ne3A_16 = arith.constant 0 : i32
    %ne3A_17 = arith.cmpi ne, %rem3A, %ne3A_16 : i32
    %and3A = arith.andi %ne3A, %ne3A_17 : i1
    %sub3A = arith.constant 1 : i32
    %sub3A_18 = arith.subi %div3A, %sub3A : i32
    %select_n3A = arith.select %and3A, %sub3A_18, %div3A : i32
    %mul3A_19 = arith.constant 512 : i32
    %mul3A_20 = arith.muli %select_n3A, %mul3A_19 : i32
    %sub3A_21 = arith.subi %mul3A_2, %mul3A_20 : i32
    "tpu.region"() ({
      %run_scoped3A = tpu.sem_alloc : memref<!tpu.dma_semaphore, #tpu.memory_space<semaphore_mem>>
      %dma_start3A_90 = arith.constant 0 : i32
      %dma_start3A_91 = arith.constant 0 : i32
      %dma_start3A_92 = tpu.memref_slice %arg12[%dma_start3A_90, %dma_start3A_91] : memref<128x128xf32, #tpu.memory_space<vmem>> -> memref<64x128xf32, #tpu.memory_space<vmem>>
      %dma_start3A_93 = arith.constant 0 : i32
      %dma_start3A_94 = tpu.memref_slice %arg4[%sub3A_21, %dma_start3A_93] : memref<512x128xf32, #tpu.memory_space<hbm>> -> memref<64x128xf32, #tpu.memory_space<hbm>>
      %dma_start3A_95 = arith.constant 0 : i32
      %dma_start3A_96 = arith.constant 0 : i32
      %dma_start3A_97 = tpu.memref_slice %arg12[%dma_start3A_95, %dma_start3A_96] : memref<128x128xf32, #tpu.memory_space<vmem>> -> memref<64x128xf32, #tpu.memory_space<vmem>>
      %dma_start3A_98 = arith.constant 0 : i32
      %dma_start3A_99 = tpu.memref_slice %arg4[%sub3A_21, %dma_start3A_98] : memref<512x128xf32, #tpu.memory_space<hbm>> -> memref<64x128xf32, #tpu.memory_space<hbm>>
      tpu.enqueue_dma source(%dma_start3A_99 : memref<64x128xf32, #tpu.memory_space<hbm>>) target(%dma_start3A_97 : memref<64x128xf32, #tpu.memory_space<vmem>>) target_semaphore(%run_scoped3A : memref<!tpu.dma_semaphore, #tpu.memory_space<semaphore_mem>>)
      %dma_wait3A_100 = arith.constant 0 : i32
      %dma_wait3A_101 = arith.constant 0 : i32
      %dma_wait3A_102 = tpu.memref_slice %arg12[%dma_wait3A_100, %dma_wait3A_101] : memref<128x128xf32, #tpu.memory_space<vmem>> -> memref<64x128xf32, #tpu.memory_space<vmem>>
      %dma_wait3A_103 = arith.constant 0 : i32
      %dma_wait3A_104 = tpu.memref_slice %arg4[%sub3A_21, %dma_wait3A_103] : memref<512x128xf32, #tpu.memory_space<hbm>> -> memref<64x128xf32, #tpu.memory_space<hbm>>
      %dma_wait3A_105 = arith.constant 0 : i32
      %dma_wait3A_106 = arith.constant 0 : i32
      %dma_wait3A_107 = tpu.memref_slice %arg12[%dma_wait3A_105, %dma_wait3A_106] : memref<128x128xf32, #tpu.memory_space<vmem>> -> memref<64x128xf32, #tpu.memory_space<vmem>>
      %dma_wait3A_108 = arith.constant 0 : i32
      %dma_wait3A_109 = tpu.memref_slice %arg4[%sub3A_21, %dma_wait3A_108] : memref<512x128xf32, #tpu.memory_space<hbm>> -> memref<64x128xf32, #tpu.memory_space<hbm>>
      tpu.wait_dma2 semaphore(%run_scoped3A : memref<!tpu.dma_semaphore, #tpu.memory_space<semaphore_mem>>) src(%dma_wait3A_109 : memref<64x128xf32, #tpu.memory_space<hbm>>) dst(%dma_wait3A_107 : memref<64x128xf32, #tpu.memory_space<vmem>>)
      tpu.yield
    }) : () -> ()
    %scan3A = arith.constant 0 : i32
    %scan3A_22 = arith.constant 0 : i32
    %scan3A_23 = arith.constant 64 : i32
    %scan3A_24 = arith.addi %scan3A_22, %scan3A_23 : i32
    %scan3A_25 = arith.constant 4 : i32
    scf.for %scan3A_90 = %scan3A_22 to %scan3A_24 step %scan3A_25  : i32 {
      %get3A_91 = arith.index_cast %scan3A_90 : i32 to index
      %get3A_92 = arith.constant 0 : index
      %get3A_93 = tpu.vector_load %arg12[%get3A_91, %get3A_92] {strides = array<i32>} : memref<128x128xf32, #tpu.memory_space<vmem>>, vector<16xf32>,
      %get3A_94 = arith.index_cast %select_n3A : i32 to index
      %get3A_95 = arith.constant 0 : index
      %get3A_96 = tpu.vector_load %arg18[%get3A_94, %get3A_95] {strides = array<i32>} : memref<2x128xf32, #tpu.memory_space<vmem>>, vector<16xf32>,
      %add3A_97 = arith.addf %get3A_93, %get3A_96 : vector<16xf32>
      %swap3A = arith.index_cast %scan3A_90 : i32 to index
      %swap3A_98 = arith.constant 0 : index
      %swap3A_99 = tpu.vector_load %arg12[%swap3A, %swap3A_98] {strides = array<i32>} : memref<128x128xf32, #tpu.memory_space<vmem>>, vector<16xf32>,
      tpu.vector_store %arg12[%swap3A, %swap3A_98], %add3A_97 {strides = array<i32>} : memref<128x128xf32, #tpu.memory_space<vmem>>, vector<16xf32>,
      %get3A_100 = arith.index_cast %scan3A_90 : i32 to index
      %get3A_101 = arith.constant 16 : index
      %get3A_102 = tpu.vector_load %arg12[%get3A_100, %get3A_101] {strides = array<i32>} : memref<128x128xf32, #tpu.memory_space<vmem>>, vector<16xf32>,
      %get3A_103 = arith.index_cast %select_n3A : i32 to index
      %get3A_104 = arith.constant 16 : index
      %get3A_105 = tpu.vector_load %arg18[%get3A_103, %get3A_104] {strides = array<i32>} : memref<2x128xf32, #tpu.memory_space<vmem>>, vector<16xf32>,
      %add3A_106 = arith.addf %get3A_102, %get3A_105 : vector<16xf32>
      %swap3A_107 = arith.index_cast %scan3A_90 : i32 to index
      %swap3A_108 = arith.constant 16 : index
      %swap3A_109 = tpu.vector_load %arg12[%swap3A_107, %swap3A_108] {strides = array<i32>} : memref<128x128xf32, #tpu.memory_space<vmem>>, vector<16xf32>,
      tpu.vector_store %arg12[%swap3A_107, %swap3A_108], %add3A_106 {strides = array<i32>} : memref<128x128xf32, #tpu.memory_space<vmem>>, vector<16xf32>,
      %get3A_110 = arith.index_cast %scan3A_90 : i32 to index
      %get3A_111 = arith.constant 32 : index
      %get3A_112 = tpu.vector_load %arg12[%get3A_110, %get3A_111] {strides = array<i32>} : memref<128x128xf32, #tpu.memory_space<vmem>>, vector<16xf32>,
      %get3A_113 = arith.index_cast %select_n3A : i32 to index
      %get3A_114 = arith.constant 32 : index
      %get3A_115 = tpu.vector_load %arg18[%get3A_113, %get3A_114] {strides = array<i32>} : memref<2x128xf32, #tpu.memory_space<vmem>>, vector<16xf32>,
      %add3A_116 = arith.addf %get3A_112, %get3A_115 : vector<16xf32>
      %swap3A_117 = arith.index_cast %scan3A_90 : i32 to index
      %swap3A_118 = arith.constant 32 : index
      %swap3A_119 = tpu.vector_load %arg12[%swap3A_117, %swap3A_118] {strides = array<i32>} : memref<128x128xf32, #tpu.memory_space<vmem>>, vector<16xf32>,
      tpu.vector_store %arg12[%swap3A_117, %swap3A_118], %add3A_116 {strides = array<i32>} : memref<128x128xf32, #tpu.memory_space<vmem>>, vector<16xf32>,
      %get3A_120 = arith.index_cast %scan3A_90 : i32 to index
      %get3A_121 = arith.constant 48 : index
      %get3A_122 = tpu.vector_load %arg12[%get3A_120, %get3A_121] {strides = array<i32>} : memref<128x128xf32, #tpu.memory_space<vmem>>, vector<16xf32>,
      %get3A_123 = arith.index_cast %select_n3A : i32 to index
      %get3A_124 = arith.constant 48 : index
      %get3A_125 = tpu.vector_load %arg18[%get3A_123, %get3A_124] {strides = array<i32>} : memref<2x128xf32, #tpu.memory_space<vmem>>, vector<16xf32>,
      %add3A_126 = arith.addf %get3A_122, %get3A_125 : vector<16xf32>
      %swap3A_127 = arith.index_cast %scan3A_90 : i32 to index
      %swap3A_128 = arith.constant 48 : index
      %swap3A_129 = tpu.vector_load %arg12[%swap3A_127, %swap3A_128] {strides = array<i32>} : memref<128x128xf32, #tpu.memory_space<vmem>>, vector<16xf32>,
      tpu.vector_store %arg12[%swap3A_127, %swap3A_128], %add3A_126 {strides = array<i32>} : memref<128x128xf32, #tpu.memory_space<vmem>>, vector<16xf32>,
      %get3A_130 = arith.index_cast %scan3A_90 : i32 to index
      %get3A_131 = arith.constant 64 : index
      %get3A_132 = tpu.vector_load %arg12[%get3A_130, %get3A_131] {strides = array<i32>} : memref<128x128xf32, #tpu.memory_space<vmem>>, vector<16xf32>,
      %get3A_133 = arith.index_cast %select_n3A : i32 to index
      %get3A_134 = arith.constant 64 : index
      %get3A_135 = tpu.vector_load %arg18[%get3A_133, %get3A_134] {strides = array<i32>} : memref<2x128xf32, #tpu.memory_space<vmem>>, vector<16xf32>,
      %add3A_136 = arith.addf %get3A_132, %get3A_135 : vector<16xf32>
      %swap3A_137 = arith.index_cast %scan3A_90 : i32 to index
      %swap3A_138 = arith.constant 64 : index
      %swap3A_139 = tpu.vector_load %arg12[%swap3A_137, %swap3A_138] {strides = array<i32>} : memref<128x128xf32, #tpu.memory_space<vmem>>, vector<16xf32>,
      tpu.vector_store %arg12[%swap3A_137, %swap3A_138], %add3A_136 {strides = array<i32>} : memref<128x128xf32, #tpu.memory_space<vmem>>, vector<16xf32>,
      %get3A_140 = arith.index_cast %scan3A_90 : i32 to index
      %get3A_141 = arith.constant 80 : index
      %get3A_142 = tpu.vector_load %arg12[%get3A_140, %get3A_141] {strides = array<i32>} : memref<128x128xf32, #tpu.memory_space<vmem>>, vector<16xf32>,
      %get3A_143 = arith.index_cast %select_n3A : i32 to index
      %get3A_144 = arith.constant 80 : index
      %get3A_145 = tpu.vector_load %arg18[%get3A_143, %get3A_144] {strides = array<i32>} : memref<2x128xf32, #tpu.memory_space<vmem>>, vector<16xf32>,
      %add3A_146 = arith.addf %get3A_142, %get3A_145 : vector<16xf32>
      %swap3A_147 = arith.index_cast %scan3A_90 : i32 to index
      %swap3A_148 = arith.constant 80 : index
      %swap3A_149 = tpu.vector_load %arg12[%swap3A_147, %swap3A_148] {strides = array<i32>} : memref<128x128xf32, #tpu.memory_space<vmem>>, vector<16xf32>,
      tpu.vector_store %arg12[%swap3A_147, %swap3A_148], %add3A_146 {strides = array<i32>} : memref<128x128xf32, #tpu.memory_space<vmem>>, vector<16xf32>,
      %get3A_150 = arith.index_cast %scan3A_90 : i32 to index
      %get3A_151 = arith.constant 96 : index
      %get3A_152 = tpu.vector_load %arg12[%get3A_150, %get3A_151] {strides = array<i32>} : memref<128x128xf32, #tpu.memory_space<vmem>>, vector<16xf32>,
      %get3A_153 = arith.index_cast %select_n3A : i32 to index
      %get3A_154 = arith.constant 96 : index
      %get3A_155 = tpu.vector_load %arg18[%get3A_153, %get3A_154] {strides = array<i32>} : memref<2x128xf32, #tpu.memory_space<vmem>>, vector<16xf32>,
      %add3A_156 = arith.addf %get3A_152, %get3A_155 : vector<16xf32>
      %swap3A_157 = arith.index_cast %scan3A_90 : i32 to index
      %swap3A_158 = arith.constant 96 : index
      %swap3A_159 = tpu.vector_load %arg12[%swap3A_157, %swap3A_158] {strides = array<i32>} : memref<128x128xf32, #tpu.memory_space<vmem>>, vector<16xf32>,
      tpu.vector_store %arg12[%swap3A_157, %swap3A_158], %add3A_156 {strides = array<i32>} : memref<128x128xf32, #tpu.memory_space<vmem>>, vector<16xf32>,
      %get3A_160 = arith.index_cast %scan3A_90 : i32 to index
      %get3A_161 = arith.constant 112 : index
      %get3A_162 = tpu.vector_load %arg12[%get3A_160, %get3A_161] {strides = array<i32>} : memref<128x128xf32, #tpu.memory_space<vmem>>, vector<16xf32>,
      %get3A_163 = arith.index_cast %select_n3A : i32 to index
      %get3A_164 = arith.constant 112 : index
      %get3A_165 = tpu.vector_load %arg18[%get3A_163, %get3A_164] {strides = array<i32>} : memref<2x128xf32, #tpu.memory_space<vmem>>, vector<16xf32>,
      %add3A_166 = arith.addf %get3A_162, %get3A_165 : vector<16xf32>
      %swap3A_167 = arith.index_cast %scan3A_90 : i32 to index
      %swap3A_168 = arith.constant 112 : index
      %swap3A_169 = tpu.vector_load %arg12[%swap3A_167, %swap3A_168] {strides = array<i32>} : memref<128x128xf32, #tpu.memory_space<vmem>>, vector<16xf32>,
      tpu.vector_store %arg12[%swap3A_167, %swap3A_168], %add3A_166 {strides = array<i32>} : memref<128x128xf32, #tpu.memory_space<vmem>>, vector<16xf32>,
      %scan3A_170 = arith.constant 1 : i32
      %scan3A_171 = arith.addi %scan3A_90, %scan3A_170 : i32
      %get3A_172 = arith.index_cast %scan3A_171 : i32 to index
      %get3A_173 = arith.constant 0 : index
      %get3A_174 = tpu.vector_load %arg12[%get3A_172, %get3A_173] {strides = array<i32>} : memref<128x128xf32, #tpu.memory_space<vmem>>, vector<16xf32>,
      %get3A_175 = arith.index_cast %select_n3A : i32 to index
      %get3A_176 = arith.constant 0 : index
      %get3A_177 = tpu.vector_load %arg18[%get3A_175, %get3A_176] {strides = array<i32>} : memref<2x128xf32, #tpu.memory_space<vmem>>, vector<16xf32>,
      %add3A_178 = arith.addf %get3A_174, %get3A_177 : vector<16xf32>
      %swap3A_179 = arith.index_cast %scan3A_171 : i32 to index
      %swap3A_180 = arith.constant 0 : index
      %swap3A_181 = tpu.vector_load %arg12[%swap3A_179, %swap3A_180] {strides = array<i32>} : memref<128x128xf32, #tpu.memory_space<vmem>>, vector<16xf32>,
      tpu.vector_store %arg12[%swap3A_179, %swap3A_180], %add3A_178 {strides = array<i32>} : memref<128x128xf32, #tpu.memory_space<vmem>>, vector<16xf32>,
      %get3A_182 = arith.index_cast %scan3A_171 : i32 to index
      %get3A_183 = arith.constant 16 : index
      %get3A_184 = tpu.vector_load %arg12[%get3A_182, %get3A_183] {strides = array<i32>} : memref<128x128xf32, #tpu.memory_space<vmem>>, vector<16xf32>,
      %get3A_185 = arith.index_cast %select_n3A : i32 to index
      %get3A_186 = arith.constant 16 : index
      %get3A_187 = tpu.vector_load %arg18[%get3A_185, %get3A_186] {strides = array<i32>} : memref<2x128xf32, #tpu.memory_space<vmem>>, vector<16xf32>,
      %add3A_188 = arith.addf %get3A_184, %get3A_187 : vector<16xf32>
      %swap3A_189 = arith.index_cast %scan3A_171 : i32 to index
      %swap3A_190 = arith.constant 16 : index
      %swap3A_191 = tpu.vector_load %arg12[%swap3A_189, %swap3A_190] {strides = array<i32>} : memref<128x128xf32, #tpu.memory_space<vmem>>, vector<16xf32>,
      tpu.vector_store %arg12[%swap3A_189, %swap3A_190], %add3A_188 {strides = array<i32>} : memref<128x128xf32, #tpu.memory_space<vmem>>, vector<16xf32>,
      %get3A_192 = arith.index_cast %scan3A_171 : i32 to index
      %get3A_193 = arith.constant 32 : index
      %get3A_194 = tpu.vector_load %arg12[%get3A_192, %get3A_193] {strides = array<i32>} : memref<128x128xf32, #tpu.memory_space<vmem>>, vector<16xf32>,
      %get3A_195 = arith.index_cast %select_n3A : i32 to index
      %get3A_196 = arith.constant 32 : index
      %get3A_197 = tpu.vector_load %arg18[%get3A_195, %get3A_196] {strides = array<i32>} : memref<2x128xf32, #tpu.memory_space<vmem>>, vector<16xf32>,
      %add3A_198 = arith.addf %get3A_194, %get3A_197 : vector<16xf32>
      %swap3A_199 = arith.index_cast %scan3A_171 : i32 to index
      %swap3A_200 = arith.constant 32 : index
      %swap3A_201 = tpu.vector_load %arg12[%swap3A_199, %swap3A_200] {strides = array<i32>} : memref<128x128xf32, #tpu.memory_space<vmem>>, vector<16xf32>,
      tpu.vector_store %arg12[%swap3A_199, %swap3A_200], %add3A_198 {strides = array<i32>} : memref<128x128xf32, #tpu.memory_space<vmem>>, vector<16xf32>,
      %get3A_202 = arith.index_cast %scan3A_171 : i32 to index
      %get3A_203 = arith.constant 48 : index
      %get3A_204 = tpu.vector_load %arg12[%get3A_202, %get3A_203] {strides = array<i32>} : memref<128x128xf32, #tpu.memory_space<vmem>>, vector<16xf32>,
      %get3A_205 = arith.index_cast %select_n3A : i32 to index
      %get3A_206 = arith.constant 48 : index
      %get3A_207 = tpu.vector_load %arg18[%get3A_205, %get3A_206] {strides = array<i32>} : memref<2x128xf32, #tpu.memory_space<vmem>>, vector<16xf32>,
      %add3A_208 = arith.addf %get3A_204, %get3A_207 : vector<16xf32>
      %swap3A_209 = arith.index_cast %scan3A_171 : i32 to index
      %swap3A_210 = arith.constant 48 : index
      %swap3A_211 = tpu.vector_load %arg12[%swap3A_209, %swap3A_210] {strides = array<i32>} : memref<128x128xf32, #tpu.memory_space<vmem>>, vector<16xf32>,
      tpu.vector_store %arg12[%swap3A_209, %swap3A_210], %add3A_208 {strides = array<i32>} : memref<128x128xf32, #tpu.memory_space<vmem>>, vector<16xf32>,
      %get3A_212 = arith.index_cast %scan3A_171 : i32 to index
      %get3A_213 = arith.constant 64 : index
      %get3A_214 = tpu.vector_load %arg12[%get3A_212, %get3A_213] {strides = array<i32>} : memref<128x128xf32, #tpu.memory_space<vmem>>, vector<16xf32>,
      %get3A_215 = arith.index_cast %select_n3A : i32 to index
      %get3A_216 = arith.constant 64 : index
      %get3A_217 = tpu.vector_load %arg18[%get3A_215, %get3A_216] {strides = array<i32>} : memref<2x128xf32, #tpu.memory_space<vmem>>, vector<16xf32>,
      %add3A_218 = arith.addf %get3A_214, %get3A_217 : vector<16xf32>
      %swap3A_219 = arith.index_cast %scan3A_171 : i32 to index
      %swap3A_220 = arith.constant 64 : index
      %swap3A_221 = tpu.vector_load %arg12[%swap3A_219, %swap3A_220] {strides = array<i32>} : memref<128x128xf32, #tpu.memory_space<vmem>>, vector<16xf32>,
      tpu.vector_store %arg12[%swap3A_219, %swap3A_220], %add3A_218 {strides = array<i32>} : memref<128x128xf32, #tpu.memory_space<vmem>>, vector<16xf32>,
      %get3A_222 = arith.index_cast %scan3A_171 : i32 to index
      %get3A_223 = arith.constant 80 : index
      %get3A_224 = tpu.vector_load %arg12[%get3A_222, %get3A_223] {strides = array<i32>} : memref<128x128xf32, #tpu.memory_space<vmem>>, vector<16xf32>,
      %get3A_225 = arith.index_cast %select_n3A : i32 to index
      %get3A_226 = arith.constant 80 : index
      %get3A_227 = tpu.vector_load %arg18[%get3A_225, %get3A_226] {strides = array<i32>} : memref<2x128xf32, #tpu.memory_space<vmem>>, vector<16xf32>,
      %add3A_228 = arith.addf %get3A_224, %get3A_227 : vector<16xf32>
      %swap3A_229 = arith.index_cast %scan3A_171 : i32 to index
      %swap3A_230 = arith.constant 80 : index
      %swap3A_231 = tpu.vector_load %arg12[%swap3A_229, %swap3A_230] {strides = array<i32>} : memref<128x128xf32, #tpu.memory_space<vmem>>, vector<16xf32>,
      tpu.vector_store %arg12[%swap3A_229, %swap3A_230], %add3A_228 {strides = array<i32>} : memref<128x128xf32, #tpu.memory_space<vmem>>, vector<16xf32>,
      %get3A_232 = arith.index_cast %scan3A_171 : i32 to index
      %get3A_233 = arith.constant 96 : index
      %get3A_234 = tpu.vector_load %arg12[%get3A_232, %get3A_233] {strides = array<i32>} : memref<128x128xf32, #tpu.memory_space<vmem>>, vector<16xf32>,
      %get3A_235 = arith.index_cast %select_n3A : i32 to index
      %get3A_236 = arith.constant 96 : index
      %get3A_237 = tpu.vector_load %arg18[%get3A_235, %get3A_236] {strides = array<i32>} : memref<2x128xf32, #tpu.memory_space<vmem>>, vector<16xf32>,
      %add3A_238 = arith.addf %get3A_234, %get3A_237 : vector<16xf32>
      %swap3A_239 = arith.index_cast %scan3A_171 : i32 to index
      %swap3A_240 = arith.constant 96 : index
      %swap3A_241 = tpu.vector_load %arg12[%swap3A_239, %swap3A_240] {strides = array<i32>} : memref<128x128xf32, #tpu.memory_space<vmem>>, vector<16xf32>,
      tpu.vector_store %arg12[%swap3A_239, %swap3A_240], %add3A_238 {strides = array<i32>} : memref<128x128xf32, #tpu.memory_space<vmem>>, vector<16xf32>,
      %get3A_242 = arith.index_cast %scan3A_171 : i32 to index
      %get3A_243 = arith.constant 112 : index
      %get3A_244 = tpu.vector_load %arg12[%get3A_242, %get3A_243] {strides = array<i32>} : memref<128x128xf32, #tpu.memory_space<vmem>>, vector<16xf32>,
      %get3A_245 = arith.index_cast %select_n3A : i32 to index
      %get3A_246 = arith.constant 112 : index
      %get3A_247 = tpu.vector_load %arg18[%get3A_245, %get3A_246] {strides = array<i32>} : memref<2x128xf32, #tpu.memory_space<vmem>>, vector<16xf32>,
      %add3A_248 = arith.addf %get3A_244, %get3A_247 : vector<16xf32>
      %swap3A_249 = arith.index_cast %scan3A_171 : i32 to index
      %swap3A_250 = arith.constant 112 : index
      %swap3A_251 = tpu.vector_load %arg12[%swap3A_249, %swap3A_250] {strides = array<i32>} : memref<128x128xf32, #tpu.memory_space<vmem>>, vector<16xf32>,
      tpu.vector_store %arg12[%swap3A_249, %swap3A_250], %add3A_248 {strides = array<i32>} : memref<128x128xf32, #tpu.memory_space<vmem>>, vector<16xf32>,
      %scan3A_252 = arith.constant 2 : i32
      %scan3A_253 = arith.addi %scan3A_90, %scan3A_252 : i32
      %get3A_254 = arith.index_cast %scan3A_253 : i32 to index
      %get3A_255 = arith.constant 0 : index
      %get3A_256 = tpu.vector_load %arg12[%get3A_254, %get3A_255] {strides = array<i32>} : memref<128x128xf32, #tpu.memory_space<vmem>>, vector<16xf32>,
      %get3A_257 = arith.index_cast %select_n3A : i32 to index
      %get3A_258 = arith.constant 0 : index
      %get3A_259 = tpu.vector_load %arg18[%get3A_257, %get3A_258] {strides = array<i32>} : memref<2x128xf32, #tpu.memory_space<vmem>>, vector<16xf32>,
      %add3A_260 = arith.addf %get3A_256, %get3A_259 : vector<16xf32>
      %swap3A_261 = arith.index_cast %scan3A_253 : i32 to index
      %swap3A_262 = arith.constant 0 : index
      %swap3A_263 = tpu.vector_load %arg12[%swap3A_261, %swap3A_262] {strides = array<i32>} : memref<128x128xf32, #tpu.memory_space<vmem>>, vector<16xf32>,
      tpu.vector_store %arg12[%swap3A_261, %swap3A_262], %add3A_260 {strides = array<i32>} : memref<128x128xf32, #tpu.memory_space<vmem>>, vector<16xf32>,
      %get3A_264 = arith.index_cast %scan3A_253 : i32 to index
      %get3A_265 = arith.constant 16 : index
      %get3A_266 = tpu.vector_load %arg12[%get3A_264, %get3A_265] {strides = array<i32>} : memref<128x128xf32, #tpu.memory_space<vmem>>, vector<16xf32>,
      %get3A_267 = arith.index_cast %select_n3A : i32 to index
      %get3A_268 = arith.constant 16 : index
      %get3A_269 = tpu.vector_load %arg18[%get3A_267, %get3A_268] {strides = array<i32>} : memref<2x128xf32, #tpu.memory_space<vmem>>, vector<16xf32>,
      %add3A_270 = arith.addf %get3A_266, %get3A_269 : vector<16xf32>
      %swap3A_271 = arith.index_cast %scan3A_253 : i32 to index
      %swap3A_272 = arith.constant 16 : index
      %swap3A_273 = tpu.vector_load %arg12[%swap3A_271, %swap3A_272] {strides = array<i32>} : memref<128x128xf32, #tpu.memory_space<vmem>>, vector<16xf32>,
      tpu.vector_store %arg12[%swap3A_271, %swap3A_272], %add3A_270 {strides = array<i32>} : memref<128x128xf32, #tpu.memory_space<vmem>>, vector<16xf32>,
      %get3A_274 = arith.index_cast %scan3A_253 : i32 to index
      %get3A_275 = arith.constant 32 : index
      %get3A_276 = tpu.vector_load %arg12[%get3A_274, %get3A_275] {strides = array<i32>} : memref<128x128xf32, #tpu.memory_space<vmem>>, vector<16xf32>,
      %get3A_277 = arith.index_cast %select_n3A : i32 to index
      %get3A_278 = arith.constant 32 : index
      %get3A_279 = tpu.vector_load %arg18[%get3A_277, %get3A_278] {strides = array<i32>} : memref<2x128xf32, #tpu.memory_space<vmem>>, vector<16xf32>,
      %add3A_280 = arith.addf %get3A_276, %get3A_279 : vector<16xf32>
      %swap3A_281 = arith.index_cast %scan3A_253 : i32 to index
      %swap3A_282 = arith.constant 32 : index
      %swap3A_283 = tpu.vector_load %arg12[%swap3A_281, %swap3A_282] {strides = array<i32>} : memref<128x128xf32, #tpu.memory_space<vmem>>, vector<16xf32>,
      tpu.vector_store %arg12[%swap3A_281, %swap3A_282], %add3A_280 {strides = array<i32>} : memref<128x128xf32, #tpu.memory_space<vmem>>, vector<16xf32>,
      %get3A_284 = arith.index_cast %scan3A_253 : i32 to index
      %get3A_285 = arith.constant 48 : index
      %get3A_286 = tpu.vector_load %arg12[%get3A_284, %get3A_285] {strides = array<i32>} : memref<128x128xf32, #tpu.memory_space<vmem>>, vector<16xf32>,
      %get3A_287 = arith.index_cast %select_n3A : i32 to index
      %get3A_288 = arith.constant 48 : index
      %get3A_289 = tpu.vector_load %arg18[%get3A_287, %get3A_288] {strides = array<i32>} : memref<2x128xf32, #tpu.memory_space<vmem>>, vector<16xf32>,
      %add3A_290 = arith.addf %get3A_286, %get3A_289 : vector<16xf32>
      %swap3A_291 = arith.index_cast %scan3A_253 : i32 to index
      %swap3A_292 = arith.constant 48 : index
      %swap3A_293 = tpu.vector_load %arg12[%swap3A_291, %swap3A_292] {strides = array<i32>} : memref<128x128xf32, #tpu.memory_space<vmem>>, vector<16xf32>,
      tpu.vector_store %arg12[%swap3A_291, %swap3A_292], %add3A_290 {strides = array<i32>} : memref<128x128xf32, #tpu.memory_space<vmem>>, vector<16xf32>,
      %get3A_294 = arith.index_cast %scan3A_253 : i32 to index
      %get3A_295 = arith.constant 64 : index
      %get3A_296 = tpu.vector_load %arg12[%get3A_294, %get3A_295] {strides = array<i32>} : memref<128x128xf32, #tpu.memory_space<vmem>>, vector<16xf32>,
      %get3A_297 = arith.index_cast %select_n3A : i32 to index
      %get3A_298 = arith.constant 64 : index
      %get3A_299 = tpu.vector_load %arg18[%get3A_297, %get3A_298] {strides = array<i32>} : memref<2x128xf32, #tpu.memory_space<vmem>>, vector<16xf32>,
      %add3A_300 = arith.addf %get3A_296, %get3A_299 : vector<16xf32>
      %swap3A_301 = arith.index_cast %scan3A_253 : i32 to index
      %swap3A_302 = arith.constant 64 : index
      %swap3A_303 = tpu.vector_load %arg12[%swap3A_301, %swap3A_302] {strides = array<i32>} : memref<128x128xf32, #tpu.memory_space<vmem>>, vector<16xf32>,
      tpu.vector_store %arg12[%swap3A_301, %swap3A_302], %add3A_300 {strides = array<i32>} : memref<128x128xf32, #tpu.memory_space<vmem>>, vector<16xf32>,
      %get3A_304 = arith.index_cast %scan3A_253 : i32 to index
      %get3A_305 = arith.constant 80 : index
      %get3A_306 = tpu.vector_load %arg12[%get3A_304, %get3A_305] {strides = array<i32>} : memref<128x128xf32, #tpu.memory_space<vmem>>, vector<16xf32>,
      %get3A_307 = arith.index_cast %select_n3A : i32 to index
      %get3A_308 = arith.constant 80 : index
      %get3A_309 = tpu.vector_load %arg18[%get3A_307, %get3A_308] {strides = array<i32>} : memref<2x128xf32, #tpu.memory_space<vmem>>, vector<16xf32>,
      %add3A_310 = arith.addf %get3A_306, %get3A_309 : vector<16xf32>
      %swap3A_311 = arith.index_cast %scan3A_253 : i32 to index
      %swap3A_312 = arith.constant 80 : index
      %swap3A_313 = tpu.vector_load %arg12[%swap3A_311, %swap3A_312] {strides = array<i32>} : memref<128x128xf32, #tpu.memory_space<vmem>>, vector<16xf32>,
      tpu.vector_store %arg12[%swap3A_311, %swap3A_312], %add3A_310 {strides = array<i32>} : memref<128x128xf32, #tpu.memory_space<vmem>>, vector<16xf32>,
      %get3A_314 = arith.index_cast %scan3A_253 : i32 to index
      %get3A_315 = arith.constant 96 : index
      %get3A_316 = tpu.vector_load %arg12[%get3A_314, %get3A_315] {strides = array<i32>} : memref<128x128xf32, #tpu.memory_space<vmem>>, vector<16xf32>,
      %get3A_317 = arith.index_cast %select_n3A : i32 to index
      %get3A_318 = arith.constant 96 : index
      %get3A_319 = tpu.vector_load %arg18[%get3A_317, %get3A_318] {strides = array<i32>} : memref<2x128xf32, #tpu.memory_space<vmem>>, vector<16xf32>,
      %add3A_320 = arith.addf %get3A_316, %get3A_319 : vector<16xf32>
      %swap3A_321 = arith.index_cast %scan3A_253 : i32 to index
      %swap3A_322 = arith.constant 96 : index
      %swap3A_323 = tpu.vector_load %arg12[%swap3A_321, %swap3A_322] {strides = array<i32>} : memref<128x128xf32, #tpu.memory_space<vmem>>, vector<16xf32>,
      tpu.vector_store %arg12[%swap3A_321, %swap3A_322], %add3A_320 {strides = array<i32>} : memref<128x128xf32, #tpu.memory_space<vmem>>, vector<16xf32>,
      %get3A_324 = arith.index_cast %scan3A_253 : i32 to index
      %get3A_325 = arith.constant 112 : index
      %get3A_326 = tpu.vector_load %arg12[%get3A_324, %get3A_325] {strides = array<i32>} : memref<128x128xf32, #tpu.memory_space<vmem>>, vector<16xf32>,
      %get3A_327 = arith.index_cast %select_n3A : i32 to index
      %get3A_328 = arith.constant 112 : index
      %get3A_329 = tpu.vector_load %arg18[%get3A_327, %get3A_328] {strides = array<i32>} : memref<2x128xf32, #tpu.memory_space<vmem>>, vector<16xf32>,
      %add3A_330 = arith.addf %get3A_326, %get3A_329 : vector<16xf32>
      %swap3A_331 = arith.index_cast %scan3A_253 : i32 to index
      %swap3A_332 = arith.constant 112 : index
      %swap3A_333 = tpu.vector_load %arg12[%swap3A_331, %swap3A_332] {strides = array<i32>} : memref<128x128xf32, #tpu.memory_space<vmem>>, vector<16xf32>,
      tpu.vector_store %arg12[%swap3A_331, %swap3A_332], %add3A_330 {strides = array<i32>} : memref<128x128xf32, #tpu.memory_space<vmem>>, vector<16xf32>,
      %scan3A_334 = arith.constant 3 : i32
      %scan3A_335 = arith.addi %scan3A_90, %scan3A_334 : i32
      %get3A_336 = arith.index_cast %scan3A_335 : i32 to index
      %get3A_337 = arith.constant 0 : index
      %get3A_338 = tpu.vector_load %arg12[%get3A_336, %get3A_337] {strides = array<i32>} : memref<128x128xf32, #tpu.memory_space<vmem>>, vector<16xf32>,
      %get3A_339 = arith.index_cast %select_n3A : i32 to index
      %get3A_340 = arith.constant 0 : index
      %get3A_341 = tpu.vector_load %arg18[%get3A_339, %get3A_340] {strides = array<i32>} : memref<2x128xf32, #tpu.memory_space<vmem>>, vector<16xf32>,
      %add3A_342 = arith.addf %get3A_338, %get3A_341 : vector<16xf32>
      %swap3A_343 = arith.index_cast %scan3A_335 : i32 to index
      %swap3A_344 = arith.constant 0 : index
      %swap3A_345 = tpu.vector_load %arg12[%swap3A_343, %swap3A_344] {strides = array<i32>} : memref<128x128xf32, #tpu.memory_space<vmem>>, vector<16xf32>,
      tpu.vector_store %arg12[%swap3A_343, %swap3A_344], %add3A_342 {strides = array<i32>} : memref<128x128xf32, #tpu.memory_space<vmem>>, vector<16xf32>,
      %get3A_346 = arith.index_cast %scan3A_335 : i32 to index
      %get3A_347 = arith.constant 16 : index
      %get3A_348 = tpu.vector_load %arg12[%get3A_346, %get3A_347] {strides = array<i32>} : memref<128x128xf32, #tpu.memory_space<vmem>>, vector<16xf32>,
      %get3A_349 = arith.index_cast %select_n3A : i32 to index
      %get3A_350 = arith.constant 16 : index
      %get3A_351 = tpu.vector_load %arg18[%get3A_349, %get3A_350] {strides = array<i32>} : memref<2x128xf32, #tpu.memory_space<vmem>>, vector<16xf32>,
      %add3A_352 = arith.addf %get3A_348, %get3A_351 : vector<16xf32>
      %swap3A_353 = arith.index_cast %scan3A_335 : i32 to index
      %swap3A_354 = arith.constant 16 : index
      %swap3A_355 = tpu.vector_load %arg12[%swap3A_353, %swap3A_354] {strides = array<i32>} : memref<128x128xf32, #tpu.memory_space<vmem>>, vector<16xf32>,
      tpu.vector_store %arg12[%swap3A_353, %swap3A_354], %add3A_352 {strides = array<i32>} : memref<128x128xf32, #tpu.memory_space<vmem>>, vector<16xf32>,
      %get3A_356 = arith.index_cast %scan3A_335 : i32 to index
      %get3A_357 = arith.constant 32 : index
      %get3A_358 = tpu.vector_load %arg12[%get3A_356, %get3A_357] {strides = array<i32>} : memref<128x128xf32, #tpu.memory_space<vmem>>, vector<16xf32>,
      %get3A_359 = arith.index_cast %select_n3A : i32 to index
      %get3A_360 = arith.constant 32 : index
      %get3A_361 = tpu.vector_load %arg18[%get3A_359, %get3A_360] {strides = array<i32>} : memref<2x128xf32, #tpu.memory_space<vmem>>, vector<16xf32>,
      %add3A_362 = arith.addf %get3A_358, %get3A_361 : vector<16xf32>
      %swap3A_363 = arith.index_cast %scan3A_335 : i32 to index
      %swap3A_364 = arith.constant 32 : index
      %swap3A_365 = tpu.vector_load %arg12[%swap3A_363, %swap3A_364] {strides = array<i32>} : memref<128x128xf32, #tpu.memory_space<vmem>>, vector<16xf32>,
      tpu.vector_store %arg12[%swap3A_363, %swap3A_364], %add3A_362 {strides = array<i32>} : memref<128x128xf32, #tpu.memory_space<vmem>>, vector<16xf32>,
      %get3A_366 = arith.index_cast %scan3A_335 : i32 to index
      %get3A_367 = arith.constant 48 : index
      %get3A_368 = tpu.vector_load %arg12[%get3A_366, %get3A_367] {strides = array<i32>} : memref<128x128xf32, #tpu.memory_space<vmem>>, vector<16xf32>,
      %get3A_369 = arith.index_cast %select_n3A : i32 to index
      %get3A_370 = arith.constant 48 : index
      %get3A_371 = tpu.vector_load %arg18[%get3A_369, %get3A_370] {strides = array<i32>} : memref<2x128xf32, #tpu.memory_space<vmem>>, vector<16xf32>,
      %add3A_372 = arith.addf %get3A_368, %get3A_371 : vector<16xf32>
      %swap3A_373 = arith.index_cast %scan3A_335 : i32 to index
      %swap3A_374 = arith.constant 48 : index
      %swap3A_375 = tpu.vector_load %arg12[%swap3A_373, %swap3A_374] {strides = array<i32>} : memref<128x128xf32, #tpu.memory_space<vmem>>, vector<16xf32>,
      tpu.vector_store %arg12[%swap3A_373, %swap3A_374], %add3A_372 {strides = array<i32>} : memref<128x128xf32, #tpu.memory_space<vmem>>, vector<16xf32>,
      %get3A_376 = arith.index_cast %scan3A_335 : i32 to index
      %get3A_377 = arith.constant 64 : index
      %get3A_378 = tpu.vector_load %arg12[%get3A_376, %get3A_377] {strides = array<i32>} : memref<128x128xf32, #tpu.memory_space<vmem>>, vector<16xf32>,
      %get3A_379 = arith.index_cast %select_n3A : i32 to index
      %get3A_380 = arith.constant 64 : index
      %get3A_381 = tpu.vector_load %arg18[%get3A_379, %get3A_380] {strides = array<i32>} : memref<2x128xf32, #tpu.memory_space<vmem>>, vector<16xf32>,
      %add3A_382 = arith.addf %get3A_378, %get3A_381 : vector<16xf32>
      %swap3A_383 = arith.index_cast %scan3A_335 : i32 to index
      %swap3A_384 = arith.constant 64 : index
      %swap3A_385 = tpu.vector_load %arg12[%swap3A_383, %swap3A_384] {strides = array<i32>} : memref<128x128xf32, #tpu.memory_space<vmem>>, vector<16xf32>,
      tpu.vector_store %arg12[%swap3A_383, %swap3A_384], %add3A_382 {strides = array<i32>} : memref<128x128xf32, #tpu.memory_space<vmem>>, vector<16xf32>,
      %get3A_386 = arith.index_cast %scan3A_335 : i32 to index
      %get3A_387 = arith.constant 80 : index
      %get3A_388 = tpu.vector_load %arg12[%get3A_386, %get3A_387] {strides = array<i32>} : memref<128x128xf32, #tpu.memory_space<vmem>>, vector<16xf32>,
      %get3A_389 = arith.index_cast %select_n3A : i32 to index
      %get3A_390 = arith.constant 80 : index
      %get3A_391 = tpu.vector_load %arg18[%get3A_389, %get3A_390] {strides = array<i32>} : memref<2x128xf32, #tpu.memory_space<vmem>>, vector<16xf32>,
      %add3A_392 = arith.addf %get3A_388, %get3A_391 : vector<16xf32>
      %swap3A_393 = arith.index_cast %scan3A_335 : i32 to index
      %swap3A_394 = arith.constant 80 : index
      %swap3A_395 = tpu.vector_load %arg12[%swap3A_393, %swap3A_394] {strides = array<i32>} : memref<128x128xf32, #tpu.memory_space<vmem>>, vector<16xf32>,
      tpu.vector_store %arg12[%swap3A_393, %swap3A_394], %add3A_392 {strides = array<i32>} : memref<128x128xf32, #tpu.memory_space<vmem>>, vector<16xf32>,
      %get3A_396 = arith.index_cast %scan3A_335 : i32 to index
      %get3A_397 = arith.constant 96 : index
      %get3A_398 = tpu.vector_load %arg12[%get3A_396, %get3A_397] {strides = array<i32>} : memref<128x128xf32, #tpu.memory_space<vmem>>, vector<16xf32>,
      %get3A_399 = arith.index_cast %select_n3A : i32 to index
      %get3A_400 = arith.constant 96 : index
      %get3A_401 = tpu.vector_load %arg18[%get3A_399, %get3A_400] {strides = array<i32>} : memref<2x128xf32, #tpu.memory_space<vmem>>, vector<16xf32>,
      %add3A_402 = arith.addf %get3A_398, %get3A_401 : vector<16xf32>
      %swap3A_403 = arith.index_cast %scan3A_335 : i32 to index
      %swap3A_404 = arith.constant 96 : index
      %swap3A_405 = tpu.vector_load %arg12[%swap3A_403, %swap3A_404] {strides = array<i32>} : memref<128x128xf32, #tpu.memory_space<vmem>>, vector<16xf32>,
      tpu.vector_store %arg12[%swap3A_403, %swap3A_404], %add3A_402 {strides = array<i32>} : memref<128x128xf32, #tpu.memory_space<vmem>>, vector<16xf32>,
      %get3A_406 = arith.index_cast %scan3A_335 : i32 to index
      %get3A_407 = arith.constant 112 : index
      %get3A_408 = tpu.vector_load %arg12[%get3A_406, %get3A_407] {strides = array<i32>} : memref<128x128xf32, #tpu.memory_space<vmem>>, vector<16xf32>,
      %get3A_409 = arith.index_cast %select_n3A : i32 to index
      %get3A_410 = arith.constant 112 : index
      %get3A_411 = tpu.vector_load %arg18[%get3A_409, %get3A_410] {strides = array<i32>} : memref<2x128xf32, #tpu.memory_space<vmem>>, vector<16xf32>,
      %add3A_412 = arith.addf %get3A_408, %get3A_411 : vector<16xf32>
      %swap3A_413 = arith.index_cast %scan3A_335 : i32 to index
      %swap3A_414 = arith.constant 112 : index
      %swap3A_415 = tpu.vector_load %arg12[%swap3A_413, %swap3A_414] {strides = array<i32>} : memref<128x128xf32, #tpu.memory_space<vmem>>, vector<16xf32>,
      tpu.vector_store %arg12[%swap3A_413, %swap3A_414], %add3A_412 {strides = array<i32>} : memref<128x128xf32, #tpu.memory_space<vmem>>, vector<16xf32>,
    }
    %scan3A_26 = arith.constant 64 : i32
    "tpu.region"() ({
      %run_scoped3A = tpu.sem_alloc : memref<!tpu.dma_semaphore, #tpu.memory_space<semaphore_mem>>
      %dma_start3A_90 = arith.constant 0 : i32
      %dma_start3A_91 = arith.constant 0 : i32
      %dma_start3A_92 = tpu.memref_slice %arg12[%dma_start3A_90, %dma_start3A_91] : memref<128x128xf32, #tpu.memory_space<vmem>> -> memref<64x128xf32, #tpu.memory_space<vmem>>
      %dma_start3A_93 = arith.constant 0 : i32
      %dma_start3A_94 = tpu.memref_slice %arg17[%mul3A_2, %dma_start3A_93] : memref<1024x128xf32, #tpu.memory_space<vmem_shared>> -> memref<64x128xf32, #tpu.memory_space<vmem_shared>>
      %dma_start3A_95 = arith.constant 0 : i32
      %dma_start3A_96 = tpu.memref_slice %arg17[%mul3A_2, %dma_start3A_95] : memref<1024x128xf32, #tpu.memory_space<vmem_shared>> -> memref<64x128xf32, #tpu.memory_space<vmem_shared>>
      %dma_start3A_97 = arith.constant 0 : i32
      %dma_start3A_98 = arith.constant 0 : i32
      %dma_start3A_99 = tpu.memref_slice %arg12[%dma_start3A_97, %dma_start3A_98] : memref<128x128xf32, #tpu.memory_space<vmem>> -> memref<64x128xf32, #tpu.memory_space<vmem>>
      tpu.enqueue_dma source(%dma_start3A_99 : memref<64x128xf32, #tpu.memory_space<vmem>>) target(%dma_start3A_96 : memref<64x128xf32, #tpu.memory_space<vmem_shared>>) target_semaphore(%run_scoped3A : memref<!tpu.dma_semaphore, #tpu.memory_space<semaphore_mem>>)
      %dma_wait3A_100 = arith.constant 0 : i32
      %dma_wait3A_101 = arith.constant 0 : i32
      %dma_wait3A_102 = tpu.memref_slice %arg12[%dma_wait3A_100, %dma_wait3A_101] : memref<128x128xf32, #tpu.memory_space<vmem>> -> memref<64x128xf32, #tpu.memory_space<vmem>>
      %dma_wait3A_103 = arith.constant 0 : i32
      %dma_wait3A_104 = tpu.memref_slice %arg17[%mul3A_2, %dma_wait3A_103] : memref<1024x128xf32, #tpu.memory_space<vmem_shared>> -> memref<64x128xf32, #tpu.memory_space<vmem_shared>>
      %dma_wait3A_105 = arith.constant 0 : i32
      %dma_wait3A_106 = tpu.memref_slice %arg17[%mul3A_2, %dma_wait3A_105] : memref<1024x128xf32, #tpu.memory_space<vmem_shared>> -> memref<64x128xf32, #tpu.memory_space<vmem_shared>>
      %dma_wait3A_107 = arith.constant 0 : i32
      %dma_wait3A_108 = arith.constant 0 : i32
      %dma_wait3A_109 = tpu.memref_slice %arg12[%dma_wait3A_107, %dma_wait3A_108] : memref<128x128xf32, #tpu.memory_space<vmem>> -> memref<64x128xf32, #tpu.memory_space<vmem>>
      tpu.wait_dma2 semaphore(%run_scoped3A : memref<!tpu.dma_semaphore, #tpu.memory_space<semaphore_mem>>) src(%dma_wait3A_109 : memref<64x128xf32, #tpu.memory_space<vmem>>) dst(%dma_wait3A_106 : memref<64x128xf32, #tpu.memory_space<vmem_shared>>)
      tpu.yield
    }) : () -> ()
    %barrier3A = arith.constant 0 : index
    tpu.barrier barrier_id(%barrier3A)
    %mul3A_27 = arith.constant 2048 : i32
    %mul3A_28 = arith.muli %add3A, %mul3A_27 : i32
    "tpu.region"() ({
      %run_scoped3A = tpu.sem_alloc : memref<!tpu.dma_semaphore, #tpu.memory_space<semaphore_mem>>
      %dma_start3A_90 = arith.constant 0 : i32
      %dma_start3A_91 = tpu.memref_slice %arg2[%dma_start3A_90, %mul3A_28] : memref<3x65536xi32, #tpu.memory_space<hbm>> -> memref<3x2048xi32, #tpu.memory_space<hbm>>
      %dma_start3A_92 = arith.constant 0 : i32
      %dma_start3A_93 = tpu.memref_slice %arg2[%dma_start3A_92, %mul3A_28] : memref<3x65536xi32, #tpu.memory_space<hbm>> -> memref<3x2048xi32, #tpu.memory_space<hbm>>
      tpu.enqueue_dma source(%dma_start3A_93 : memref<3x2048xi32, #tpu.memory_space<hbm>>) target(%arg9 : memref<3x2048xi32, #tpu.memory_space<vmem>>) target_semaphore(%run_scoped3A : memref<!tpu.dma_semaphore, #tpu.memory_space<semaphore_mem>>)
      %dma_wait3A_94 = arith.constant 0 : i32
      %dma_wait3A_95 = tpu.memref_slice %arg2[%dma_wait3A_94, %mul3A_28] : memref<3x65536xi32, #tpu.memory_space<hbm>> -> memref<3x2048xi32, #tpu.memory_space<hbm>>
      %dma_wait3A_96 = arith.constant 0 : i32
      %dma_wait3A_97 = tpu.memref_slice %arg2[%dma_wait3A_96, %mul3A_28] : memref<3x65536xi32, #tpu.memory_space<hbm>> -> memref<3x2048xi32, #tpu.memory_space<hbm>>
      tpu.wait_dma2 semaphore(%run_scoped3A : memref<!tpu.dma_semaphore, #tpu.memory_space<semaphore_mem>>) src(%dma_wait3A_97 : memref<3x2048xi32, #tpu.memory_space<hbm>>) dst(%arg9 : memref<3x2048xi32, #tpu.memory_space<vmem>>)
      tpu.yield
    }) : () -> ()
    %parallel_loop3A = arith.constant 0 : i32
    %parallel_loop3A_29 = arith.constant 128 : i32
    %parallel_loop3A_30 = arith.constant 1 : i32
    scf.for %parallel_loop3A_90 = %parallel_loop3A to %parallel_loop3A_29 step %parallel_loop3A_30  : i32 {
      %parallel_loop3A_91 = arith.constant 16 : i32
      %parallel_loop3A_92 = arith.muli %parallel_loop3A_90, %parallel_loop3A_91 : i32
      %parallel_loop3A_93 = arith.constant 1 : i32
      %parallel_loop3A_94 = arith.index_cast %parallel_loop3A_93 : i32 to index
      %parallel_loop3A_95 = arith.index_cast %parallel_loop3A_92 : i32 to index
      %parallel_loop3A_96 = tpu.vector_load %arg9[%parallel_loop3A_94, %parallel_loop3A_95] {strides = array<i32>} : memref<3x2048xi32, #tpu.memory_space<vmem>>, vector<16xi32>,
      %parallel_loop3A_97 = arith.constant 2 : i32
      %parallel_loop3A_98 = arith.index_cast %parallel_loop3A_97 : i32 to index
      %parallel_loop3A_99 = arith.index_cast %parallel_loop3A_92 : i32 to index
      %parallel_loop3A_100 = tpu.vector_load %arg9[%parallel_loop3A_98, %parallel_loop3A_99] {strides = array<i32>} : memref<3x2048xi32, #tpu.memory_space<vmem>>, vector<16xi32>,
      %parallel_loop3A_101 = arith.constant 512 : i32
      %parallel_loop3A_102 = vector.broadcast %parallel_loop3A_101 : i32 to vector<16xi32>
      %parallel_loop3A_103 = arith.muli %parallel_loop3A_100, %parallel_loop3A_102 : vector<16xi32>
      %parallel_loop3A_104 = arith.addi %parallel_loop3A_96, %parallel_loop3A_103 : vector<16xi32>
      %parallel_loop3A_105 = arith.index_cast %parallel_loop3A_92 : i32 to index
      %parallel_loop3A_106 = tpu.vector_load %arg10[%parallel_loop3A_105] {strides = array<i32>} : memref<2048xi32, #tpu.memory_space<vmem>>, vector<16xi32>,
      tpu.vector_store %arg10[%parallel_loop3A_105], %parallel_loop3A_104 {strides = array<i32>} : memref<2048xi32, #tpu.memory_space<vmem>>, vector<16xi32>,
    } {sc.loop_unroll_factor = 4 : i64, sc.parallel_access}
    %get3A = arith.constant 0 : index
    %get3A_31 = tpu.vector_load %arg19[%get3A] {strides = array<i32>} : memref<128xf32, #tpu.memory_space<vmem>>, vector<16xf32>,
    %get3A_32 = arith.constant 16 : index
    %get3A_33 = tpu.vector_load %arg19[%get3A_32] {strides = array<i32>} : memref<128xf32, #tpu.memory_space<vmem>>, vector<16xf32>,
    %get3A_34 = arith.constant 32 : index
    %get3A_35 = tpu.vector_load %arg19[%get3A_34] {strides = array<i32>} : memref<128xf32, #tpu.memory_space<vmem>>, vector<16xf32>,
    %get3A_36 = arith.constant 48 : index
    %get3A_37 = tpu.vector_load %arg19[%get3A_36] {strides = array<i32>} : memref<128xf32, #tpu.memory_space<vmem>>, vector<16xf32>,
    %get3A_38 = arith.constant 64 : index
    %get3A_39 = tpu.vector_load %arg19[%get3A_38] {strides = array<i32>} : memref<128xf32, #tpu.memory_space<vmem>>, vector<16xf32>,
    %get3A_40 = arith.constant 80 : index
    %get3A_41 = tpu.vector_load %arg19[%get3A_40] {strides = array<i32>} : memref<128xf32, #tpu.memory_space<vmem>>, vector<16xf32>,
    %get3A_42 = arith.constant 96 : index
    %get3A_43 = tpu.vector_load %arg19[%get3A_42] {strides = array<i32>} : memref<128xf32, #tpu.memory_space<vmem>>, vector<16xf32>,
    %get3A_44 = arith.constant 112 : index
    %get3A_45 = tpu.vector_load %arg19[%get3A_44] {strides = array<i32>} : memref<128xf32, #tpu.memory_space<vmem>>, vector<16xf32>,
    %get3A_46 = arith.constant 0 : index
    %get3A_47 = tpu.vector_load %arg20[%get3A_46] {strides = array<i32>} : memref<128xf32, #tpu.memory_space<vmem>>, vector<16xf32>,
    %get3A_48 = arith.constant 16 : index
    %get3A_49 = tpu.vector_load %arg20[%get3A_48] {strides = array<i32>} : memref<128xf32, #tpu.memory_space<vmem>>, vector<16xf32>,
    %get3A_50 = arith.constant 32 : index
    %get3A_51 = tpu.vector_load %arg20[%get3A_50] {strides = array<i32>} : memref<128xf32, #tpu.memory_space<vmem>>, vector<16xf32>,
    %get3A_52 = arith.constant 48 : index
    %get3A_53 = tpu.vector_load %arg20[%get3A_52] {strides = array<i32>} : memref<128xf32, #tpu.memory_space<vmem>>, vector<16xf32>,
    %get3A_54 = arith.constant 64 : index
    %get3A_55 = tpu.vector_load %arg20[%get3A_54] {strides = array<i32>} : memref<128xf32, #tpu.memory_space<vmem>>, vector<16xf32>,
    %get3A_56 = arith.constant 80 : index
    %get3A_57 = tpu.vector_load %arg20[%get3A_56] {strides = array<i32>} : memref<128xf32, #tpu.memory_space<vmem>>, vector<16xf32>,
    %get3A_58 = arith.constant 96 : index
    %get3A_59 = tpu.vector_load %arg20[%get3A_58] {strides = array<i32>} : memref<128xf32, #tpu.memory_space<vmem>>, vector<16xf32>,
    %get3A_60 = arith.constant 112 : index
    %get3A_61 = tpu.vector_load %arg20[%get3A_60] {strides = array<i32>} : memref<128xf32, #tpu.memory_space<vmem>>, vector<16xf32>,
    %dma_start3A = arith.constant 0 : i32
    %dma_start3A_62 = arith.constant 0 : i32
    %dma_start3A_63 = tpu.memref_slice %arg9[%dma_start3A, %dma_start3A_62] : memref<3x2048xi32, #tpu.memory_space<vmem>> -> memref<1x128xi32, #tpu.memory_space<vmem>>
    %dma_start3A_64 = tpu.memref_squeeze %dma_start3A_63 : memref<1x128xi32, #tpu.memory_space<vmem>> -> memref<128xi32, #tpu.memory_space<vmem>>
    %dma_start3A_65 = arith.constant 0 : i32
    %dma_start3A_66 = arith.constant 0 : i32
    %dma_start3A_67 = tpu.memref_slice %arg3[%dma_start3A_65, %dma_start3A_66] : memref<100000x128xf32, #tpu.memory_space<hbm>> -> memref<100000x128xf32, #tpu.memory_space<hbm>>
    tpu.enqueue_indirect_dma source(%dma_start3A_67 : memref<100000x128xf32, #tpu.memory_space<hbm>>) target(%arg11 : memref<128x128xf32, #tpu.memory_space<vmem>>) offsets(%dma_start3A_64 : memref<128xi32, #tpu.memory_space<vmem>>) semaphore(%arg21 : memref<!tpu.dma_semaphore, #tpu.memory_space<semaphore_mem>>)
    %dma_start3A_68 = arith.constant 0 : i32
    %dma_start3A_69 = tpu.memref_slice %arg10[%dma_start3A_68] : memref<2048xi32, #tpu.memory_space<vmem>> -> memref<128xi32, #tpu.memory_space<vmem>>
    %dma_start3A_70 = arith.constant 0 : i32
    %dma_start3A_71 = arith.constant 0 : i32
    %dma_start3A_72 = tpu.memref_slice %arg17[%dma_start3A_70, %dma_start3A_71] : memref<1024x128xf32, #tpu.memory_space<vmem_shared>> -> memref<1024x128xf32, #tpu.memory_space<vmem_shared>>
    tpu.enqueue_indirect_dma source(%dma_start3A_72 : memref<1024x128xf32, #tpu.memory_space<vmem_shared>>) target(%arg12 : memref<128x128xf32, #tpu.memory_space<vmem>>) offsets(%dma_start3A_69 : memref<128xi32, #tpu.memory_space<vmem>>) semaphore(%arg23 : memref<!tpu.dma_semaphore, #tpu.memory_space<semaphore_mem>>)
    %scan3A_73 = arith.constant 0 : i32
    %scan3A_74 = arith.constant 8 : i32
    %scan3A_75 = arith.addi %scan3A_73, %scan3A_74 : i32
    %scan3A_76 = arith.constant 1 : i32
    %scan3A_77:16 = scf.for %scan3A_90 = %scan3A_73 to %scan3A_75 step %scan3A_76 iter_args(%scan3A_91 = %get3A_31, %scan3A_92 = %get3A_33, %scan3A_93 = %get3A_35, %scan3A_94 = %get3A_37, %scan3A_95 = %get3A_39, %scan3A_96 = %get3A_41, %scan3A_97 = %get3A_43, %scan3A_98 = %get3A_45, %scan3A_99 = %get3A_47, %scan3A_100 = %get3A_49, %scan3A_101 = %get3A_51, %scan3A_102 = %get3A_53, %scan3A_103 = %get3A_55, %scan3A_104 = %get3A_57, %scan3A_105 = %get3A_59, %scan3A_106 = %get3A_61) -> (vector<16xf32>, vector<16xf32>, vector<16xf32>, vector<16xf32>, vector<16xf32>, vector<16xf32>, vector<16xf32>, vector<16xf32>, vector<16xf32>, vector<16xf32>, vector<16xf32>, vector<16xf32>, vector<16xf32>, vector<16xf32>, vector<16xf32>, vector<16xf32>)  : i32 {
      %mul3A_107 = arith.constant 2 : i32
      %mul3A_108 = arith.muli %mul3A_107, %scan3A_90 : i32
      %add3A_109 = arith.constant 1 : i32
      %add3A_110 = arith.addi %mul3A_108, %add3A_109 : i32
      %mul3A_111 = arith.constant 128 : i32
      %mul3A_112 = arith.muli %add3A_110, %mul3A_111 : i32
      %mul3A_113 = arith.constant 128 : i32
      %mul3A_114 = arith.muli %add3A_110, %mul3A_113 : i32
      %dma_start3A_115 = arith.constant 0 : i32
      %dma_start3A_116 = tpu.memref_slice %arg9[%dma_start3A_115, %mul3A_112] : memref<3x2048xi32, #tpu.memory_space<vmem>> -> memref<1x128xi32, #tpu.memory_space<vmem>>
      %dma_start3A_117 = tpu.memref_squeeze %dma_start3A_116 : memref<1x128xi32, #tpu.memory_space<vmem>> -> memref<128xi32, #tpu.memory_space<vmem>>
      %dma_start3A_118 = arith.constant 0 : i32
      %dma_start3A_119 = arith.constant 0 : i32
      %dma_start3A_120 = tpu.memref_slice %arg3[%dma_start3A_118, %dma_start3A_119] : memref<100000x128xf32, #tpu.memory_space<hbm>> -> memref<100000x128xf32, #tpu.memory_space<hbm>>
      tpu.enqueue_indirect_dma source(%dma_start3A_120 : memref<100000x128xf32, #tpu.memory_space<hbm>>) target(%arg13 : memref<128x128xf32, #tpu.memory_space<vmem>>) offsets(%dma_start3A_117 : memref<128xi32, #tpu.memory_space<vmem>>) semaphore(%arg22 : memref<!tpu.dma_semaphore, #tpu.memory_space<semaphore_mem>>)
      %dma_start3A_121 = tpu.memref_slice %arg10[%mul3A_114] : memref<2048xi32, #tpu.memory_space<vmem>> -> memref<128xi32, #tpu.memory_space<vmem>>
      %dma_start3A_122 = arith.constant 0 : i32
      %dma_start3A_123 = arith.constant 0 : i32
      %dma_start3A_124 = tpu.memref_slice %arg17[%dma_start3A_122, %dma_start3A_123] : memref<1024x128xf32, #tpu.memory_space<vmem_shared>> -> memref<1024x128xf32, #tpu.memory_space<vmem_shared>>
      tpu.enqueue_indirect_dma source(%dma_start3A_124 : memref<1024x128xf32, #tpu.memory_space<vmem_shared>>) target(%arg14 : memref<128x128xf32, #tpu.memory_space<vmem>>) offsets(%dma_start3A_121 : memref<128xi32, #tpu.memory_space<vmem>>) semaphore(%arg24 : memref<!tpu.dma_semaphore, #tpu.memory_space<semaphore_mem>>)
      %dma_wait3A_125 = arith.constant 0 : i32
      %dma_wait3A_126 = arith.constant 0 : i32
      %dma_wait3A_127 = tpu.memref_slice %arg9[%dma_wait3A_125, %dma_wait3A_126] : memref<3x2048xi32, #tpu.memory_space<vmem>> -> memref<1x128xi32, #tpu.memory_space<vmem>>
      %dma_wait3A_128 = tpu.memref_squeeze %dma_wait3A_127 : memref<1x128xi32, #tpu.memory_space<vmem>> -> memref<128xi32, #tpu.memory_space<vmem>>
      %dma_wait3A_129 = arith.constant 0 : i32
      %dma_wait3A_130 = arith.constant 0 : i32
      %dma_wait3A_131 = tpu.memref_slice %arg3[%dma_wait3A_129, %dma_wait3A_130] : memref<100000x128xf32, #tpu.memory_space<hbm>> -> memref<100000x128xf32, #tpu.memory_space<hbm>>
      tpu.wait_indirect_dma semaphore(%arg21 : memref<!tpu.dma_semaphore, #tpu.memory_space<semaphore_mem>>) src(%dma_wait3A_131 : memref<100000x128xf32, #tpu.memory_space<hbm>>) dst(%arg11 : memref<128x128xf32, #tpu.memory_space<vmem>>)
      %dma_wait3A_132 = arith.constant 0 : i32
      %dma_wait3A_133 = tpu.memref_slice %arg10[%dma_wait3A_132] : memref<2048xi32, #tpu.memory_space<vmem>> -> memref<128xi32, #tpu.memory_space<vmem>>
      %dma_wait3A_134 = arith.constant 0 : i32
      %dma_wait3A_135 = arith.constant 0 : i32
      %dma_wait3A_136 = tpu.memref_slice %arg17[%dma_wait3A_134, %dma_wait3A_135] : memref<1024x128xf32, #tpu.memory_space<vmem_shared>> -> memref<1024x128xf32, #tpu.memory_space<vmem_shared>>
      tpu.wait_indirect_dma semaphore(%arg23 : memref<!tpu.dma_semaphore, #tpu.memory_space<semaphore_mem>>) src(%dma_wait3A_136 : memref<1024x128xf32, #tpu.memory_space<vmem_shared>>) dst(%arg12 : memref<128x128xf32, #tpu.memory_space<vmem>>)
      %ge3A = arith.constant 1 : i32
      %ge3A_137 = arith.cmpi sge, %scan3A_90, %ge3A : i32
      %convert_element_type3A = arith.extui %ge3A_137 : i1 to i32
      %cond3A = arith.constant 0 : i32
      %cond3A_138 = arith.cmpi ne, %convert_element_type3A, %cond3A : i32
      scf.if %cond3A_138 {
        %dma_wait3A_192 = arith.constant 0 : i32
        %dma_wait3A_193 = arith.constant 0 : i32
        %dma_wait3A_194 = tpu.memref_slice %arg8[%dma_wait3A_192, %dma_wait3A_193] : memref<65536x128xf32, #tpu.memory_space<hbm>> -> memref<128x128xf32, #tpu.memory_space<hbm>>
        %dma_wait3A_195 = arith.constant 0 : i32
        %dma_wait3A_196 = arith.constant 0 : i32
        %dma_wait3A_197 = tpu.memref_slice %arg8[%dma_wait3A_195, %dma_wait3A_196] : memref<65536x128xf32, #tpu.memory_space<hbm>> -> memref<128x128xf32, #tpu.memory_space<hbm>>
        tpu.wait_dma2 semaphore(%arg25 : memref<!tpu.dma_semaphore, #tpu.memory_space<semaphore_mem>>) src(%arg15 : memref<128x128xf32, #tpu.memory_space<vmem>>) dst(%dma_wait3A_197 : memref<128x128xf32, #tpu.memory_space<hbm>>)
      } else {
      }
      %parallel_loop3A_139 = arith.constant 0 : i32
      %parallel_loop3A_140 = arith.constant 128 : i32
      %parallel_loop3A_141 = arith.constant 1 : i32
      %parallel_loop3A_142:16 = scf.for %parallel_loop3A_192 = %parallel_loop3A_139 to %parallel_loop3A_140 step %parallel_loop3A_141 iter_args(%parallel_loop3A_193 = %scan3A_91, %parallel_loop3A_194 = %scan3A_92, %parallel_loop3A_195 = %scan3A_93, %parallel_loop3A_196 = %scan3A_94, %parallel_loop3A_197 = %scan3A_95, %parallel_loop3A_198 = %scan3A_96, %parallel_loop3A_199 = %scan3A_97, %parallel_loop3A_200 = %scan3A_98, %parallel_loop3A_201 = %scan3A_99, %parallel_loop3A_202 = %scan3A_100, %parallel_loop3A_203 = %scan3A_101, %parallel_loop3A_204 = %scan3A_102, %parallel_loop3A_205 = %scan3A_103, %parallel_loop3A_206 = %scan3A_104, %parallel_loop3A_207 = %scan3A_105, %parallel_loop3A_208 = %scan3A_106) -> (vector<16xf32>, vector<16xf32>, vector<16xf32>, vector<16xf32>, vector<16xf32>, vector<16xf32>, vector<16xf32>, vector<16xf32>, vector<16xf32>, vector<16xf32>, vector<16xf32>, vector<16xf32>, vector<16xf32>, vector<16xf32>, vector<16xf32>, vector<16xf32>)  : i32 {
        %parallel_loop3A_209 = arith.index_cast %parallel_loop3A_192 : i32 to index
        %parallel_loop3A_210 = arith.constant 0 : index
        %parallel_loop3A_211 = tpu.vector_load %arg11[%parallel_loop3A_209, %parallel_loop3A_210] {strides = array<i32>} : memref<128x128xf32, #tpu.memory_space<vmem>>, vector<16xf32>,
        %parallel_loop3A_212 = arith.index_cast %parallel_loop3A_192 : i32 to index
        %parallel_loop3A_213 = arith.constant 0 : index
        %parallel_loop3A_214 = tpu.vector_load %arg12[%parallel_loop3A_212, %parallel_loop3A_213] {strides = array<i32>} : memref<128x128xf32, #tpu.memory_space<vmem>>, vector<16xf32>,
        %parallel_loop3A_215 = arith.addf %parallel_loop3A_211, %parallel_loop3A_214 : vector<16xf32>
        %parallel_loop3A_216 = arith.index_cast %parallel_loop3A_192 : i32 to index
        %parallel_loop3A_217 = arith.constant 16 : index
        %parallel_loop3A_218 = tpu.vector_load %arg11[%parallel_loop3A_216, %parallel_loop3A_217] {strides = array<i32>} : memref<128x128xf32, #tpu.memory_space<vmem>>, vector<16xf32>,
        %parallel_loop3A_219 = arith.index_cast %parallel_loop3A_192 : i32 to index
        %parallel_loop3A_220 = arith.constant 16 : index
        %parallel_loop3A_221 = tpu.vector_load %arg12[%parallel_loop3A_219, %parallel_loop3A_220] {strides = array<i32>} : memref<128x128xf32, #tpu.memory_space<vmem>>, vector<16xf32>,
        %parallel_loop3A_222 = arith.addf %parallel_loop3A_218, %parallel_loop3A_221 : vector<16xf32>
        %parallel_loop3A_223 = arith.index_cast %parallel_loop3A_192 : i32 to index
        %parallel_loop3A_224 = arith.constant 32 : index
        %parallel_loop3A_225 = tpu.vector_load %arg11[%parallel_loop3A_223, %parallel_loop3A_224] {strides = array<i32>} : memref<128x128xf32, #tpu.memory_space<vmem>>, vector<16xf32>,
        %parallel_loop3A_226 = arith.index_cast %parallel_loop3A_192 : i32 to index
        %parallel_loop3A_227 = arith.constant 32 : index
        %parallel_loop3A_228 = tpu.vector_load %arg12[%parallel_loop3A_226, %parallel_loop3A_227] {strides = array<i32>} : memref<128x128xf32, #tpu.memory_space<vmem>>, vector<16xf32>,
        %parallel_loop3A_229 = arith.addf %parallel_loop3A_225, %parallel_loop3A_228 : vector<16xf32>
        %parallel_loop3A_230 = arith.index_cast %parallel_loop3A_192 : i32 to index
        %parallel_loop3A_231 = arith.constant 48 : index
        %parallel_loop3A_232 = tpu.vector_load %arg11[%parallel_loop3A_230, %parallel_loop3A_231] {strides = array<i32>} : memref<128x128xf32, #tpu.memory_space<vmem>>, vector<16xf32>,
        %parallel_loop3A_233 = arith.index_cast %parallel_loop3A_192 : i32 to index
        %parallel_loop3A_234 = arith.constant 48 : index
        %parallel_loop3A_235 = tpu.vector_load %arg12[%parallel_loop3A_233, %parallel_loop3A_234] {strides = array<i32>} : memref<128x128xf32, #tpu.memory_space<vmem>>, vector<16xf32>,
        %parallel_loop3A_236 = arith.addf %parallel_loop3A_232, %parallel_loop3A_235 : vector<16xf32>
        %parallel_loop3A_237 = arith.index_cast %parallel_loop3A_192 : i32 to index
        %parallel_loop3A_238 = arith.constant 64 : index
        %parallel_loop3A_239 = tpu.vector_load %arg11[%parallel_loop3A_237, %parallel_loop3A_238] {strides = array<i32>} : memref<128x128xf32, #tpu.memory_space<vmem>>, vector<16xf32>,
        %parallel_loop3A_240 = arith.index_cast %parallel_loop3A_192 : i32 to index
        %parallel_loop3A_241 = arith.constant 64 : index
        %parallel_loop3A_242 = tpu.vector_load %arg12[%parallel_loop3A_240, %parallel_loop3A_241] {strides = array<i32>} : memref<128x128xf32, #tpu.memory_space<vmem>>, vector<16xf32>,
        %parallel_loop3A_243 = arith.addf %parallel_loop3A_239, %parallel_loop3A_242 : vector<16xf32>
        %parallel_loop3A_244 = arith.index_cast %parallel_loop3A_192 : i32 to index
        %parallel_loop3A_245 = arith.constant 80 : index
        %parallel_loop3A_246 = tpu.vector_load %arg11[%parallel_loop3A_244, %parallel_loop3A_245] {strides = array<i32>} : memref<128x128xf32, #tpu.memory_space<vmem>>, vector<16xf32>,
        %parallel_loop3A_247 = arith.index_cast %parallel_loop3A_192 : i32 to index
        %parallel_loop3A_248 = arith.constant 80 : index
        %parallel_loop3A_249 = tpu.vector_load %arg12[%parallel_loop3A_247, %parallel_loop3A_248] {strides = array<i32>} : memref<128x128xf32, #tpu.memory_space<vmem>>, vector<16xf32>,
        %parallel_loop3A_250 = arith.addf %parallel_loop3A_246, %parallel_loop3A_249 : vector<16xf32>
        %parallel_loop3A_251 = arith.index_cast %parallel_loop3A_192 : i32 to index
        %parallel_loop3A_252 = arith.constant 96 : index
        %parallel_loop3A_253 = tpu.vector_load %arg11[%parallel_loop3A_251, %parallel_loop3A_252] {strides = array<i32>} : memref<128x128xf32, #tpu.memory_space<vmem>>, vector<16xf32>,
        %parallel_loop3A_254 = arith.index_cast %parallel_loop3A_192 : i32 to index
        %parallel_loop3A_255 = arith.constant 96 : index
        %parallel_loop3A_256 = tpu.vector_load %arg12[%parallel_loop3A_254, %parallel_loop3A_255] {strides = array<i32>} : memref<128x128xf32, #tpu.memory_space<vmem>>, vector<16xf32>,
        %parallel_loop3A_257 = arith.addf %parallel_loop3A_253, %parallel_loop3A_256 : vector<16xf32>
        %parallel_loop3A_258 = arith.index_cast %parallel_loop3A_192 : i32 to index
        %parallel_loop3A_259 = arith.constant 112 : index
        %parallel_loop3A_260 = tpu.vector_load %arg11[%parallel_loop3A_258, %parallel_loop3A_259] {strides = array<i32>} : memref<128x128xf32, #tpu.memory_space<vmem>>, vector<16xf32>,
        %parallel_loop3A_261 = arith.index_cast %parallel_loop3A_192 : i32 to index
        %parallel_loop3A_262 = arith.constant 112 : index
        %parallel_loop3A_263 = tpu.vector_load %arg12[%parallel_loop3A_261, %parallel_loop3A_262] {strides = array<i32>} : memref<128x128xf32, #tpu.memory_space<vmem>>, vector<16xf32>,
        %parallel_loop3A_264 = arith.addf %parallel_loop3A_260, %parallel_loop3A_263 : vector<16xf32>
        %parallel_loop3A_265 = arith.mulf %parallel_loop3A_215, %parallel_loop3A_215 : vector<16xf32>
        %parallel_loop3A_266 = arith.addf %parallel_loop3A_215, %parallel_loop3A_222 : vector<16xf32>
        %parallel_loop3A_267 = arith.mulf %parallel_loop3A_222, %parallel_loop3A_222 : vector<16xf32>
        %parallel_loop3A_268 = arith.addf %parallel_loop3A_265, %parallel_loop3A_267 : vector<16xf32>
        %parallel_loop3A_269 = arith.addf %parallel_loop3A_266, %parallel_loop3A_229 : vector<16xf32>
        %parallel_loop3A_270 = arith.mulf %parallel_loop3A_229, %parallel_loop3A_229 : vector<16xf32>
        %parallel_loop3A_271 = arith.addf %parallel_loop3A_268, %parallel_loop3A_270 : vector<16xf32>
        %parallel_loop3A_272 = arith.addf %parallel_loop3A_269, %parallel_loop3A_236 : vector<16xf32>
        %parallel_loop3A_273 = arith.mulf %parallel_loop3A_236, %parallel_loop3A_236 : vector<16xf32>
        %parallel_loop3A_274 = arith.addf %parallel_loop3A_271, %parallel_loop3A_273 : vector<16xf32>
        %parallel_loop3A_275 = arith.addf %parallel_loop3A_272, %parallel_loop3A_243 : vector<16xf32>
        %parallel_loop3A_276 = arith.mulf %parallel_loop3A_243, %parallel_loop3A_243 : vector<16xf32>
        %parallel_loop3A_277 = arith.addf %parallel_loop3A_274, %parallel_loop3A_276 : vector<16xf32>
        %parallel_loop3A_278 = arith.addf %parallel_loop3A_275, %parallel_loop3A_250 : vector<16xf32>
        %parallel_loop3A_279 = arith.mulf %parallel_loop3A_250, %parallel_loop3A_250 : vector<16xf32>
        %parallel_loop3A_280 = arith.addf %parallel_loop3A_277, %parallel_loop3A_279 : vector<16xf32>
        %parallel_loop3A_281 = arith.addf %parallel_loop3A_278, %parallel_loop3A_257 : vector<16xf32>
        %parallel_loop3A_282 = arith.mulf %parallel_loop3A_257, %parallel_loop3A_257 : vector<16xf32>
        %parallel_loop3A_283 = arith.addf %parallel_loop3A_280, %parallel_loop3A_282 : vector<16xf32>
        %parallel_loop3A_284 = arith.addf %parallel_loop3A_281, %parallel_loop3A_264 : vector<16xf32>
        %parallel_loop3A_285 = arith.mulf %parallel_loop3A_264, %parallel_loop3A_264 : vector<16xf32>
        %parallel_loop3A_286 = arith.addf %parallel_loop3A_283, %parallel_loop3A_285 : vector<16xf32>
        %parallel_loop3A_287 = tpu.iota {dimensions = array<i32: 0>} : vector<16xi32>
        %parallel_loop3A_288 = arith.constant 8 : i32
        %parallel_loop3A_289 = vector.broadcast %parallel_loop3A_288 : i32 to vector<16xi32>
        %parallel_loop3A_290 = arith.xori %parallel_loop3A_287, %parallel_loop3A_289 : vector<16xi32>
        %parallel_loop3A_291 = arith.constant 0 : i32
        %parallel_loop3A_292 = vector.broadcast %parallel_loop3A_291 : i32 to vector<16xi32>
        %parallel_loop3A_293 = arith.cmpi slt, %parallel_loop3A_290, %parallel_loop3A_292 : vector<16xi32>
        %parallel_loop3A_294 = arith.constant 16 : i32
        %parallel_loop3A_295 = vector.broadcast %parallel_loop3A_294 : i32 to vector<16xi32>
        %parallel_loop3A_296 = arith.addi %parallel_loop3A_290, %parallel_loop3A_295 : vector<16xi32>
        %parallel_loop3A_297 = arith.select %parallel_loop3A_293, %parallel_loop3A_296, %parallel_loop3A_290 : vector<16xi1>, vector<16xi32>
        %parallel_loop3A_298 = vector.shape_cast %parallel_loop3A_297 : vector<16xi32> to vector<16x1xi32>
        %parallel_loop3A_299 = vector.shape_cast %parallel_loop3A_298 : vector<16x1xi32> to vector<16xi32>
        %parallel_loop3A_300 = tpu.dynamic_gather %parallel_loop3A_284[%parallel_loop3A_299] in [0] : vector<16xf32>, vector<16xi32> -> vector<16xf32>
        %parallel_loop3A_301 = arith.addf %parallel_loop3A_284, %parallel_loop3A_300 : vector<16xf32>
        %parallel_loop3A_302 = arith.constant 4 : i32
        %parallel_loop3A_303 = vector.broadcast %parallel_loop3A_302 : i32 to vector<16xi32>
        %parallel_loop3A_304 = arith.xori %parallel_loop3A_287, %parallel_loop3A_303 : vector<16xi32>
        %parallel_loop3A_305 = arith.constant 0 : i32
        %parallel_loop3A_306 = vector.broadcast %parallel_loop3A_305 : i32 to vector<16xi32>
        %parallel_loop3A_307 = arith.cmpi slt, %parallel_loop3A_304, %parallel_loop3A_306 : vector<16xi32>
        %parallel_loop3A_308 = arith.constant 16 : i32
        %parallel_loop3A_309 = vector.broadcast %parallel_loop3A_308 : i32 to vector<16xi32>
        %parallel_loop3A_310 = arith.addi %parallel_loop3A_304, %parallel_loop3A_309 : vector<16xi32>
        %parallel_loop3A_311 = arith.select %parallel_loop3A_307, %parallel_loop3A_310, %parallel_loop3A_304 : vector<16xi1>, vector<16xi32>
        %parallel_loop3A_312 = vector.shape_cast %parallel_loop3A_311 : vector<16xi32> to vector<16x1xi32>
        %parallel_loop3A_313 = vector.shape_cast %parallel_loop3A_312 : vector<16x1xi32> to vector<16xi32>
        %parallel_loop3A_314 = tpu.dynamic_gather %parallel_loop3A_301[%parallel_loop3A_313] in [0] : vector<16xf32>, vector<16xi32> -> vector<16xf32>
        %parallel_loop3A_315 = arith.addf %parallel_loop3A_301, %parallel_loop3A_314 : vector<16xf32>
        %parallel_loop3A_316 = arith.constant 2 : i32
        %parallel_loop3A_317 = vector.broadcast %parallel_loop3A_316 : i32 to vector<16xi32>
        %parallel_loop3A_318 = arith.xori %parallel_loop3A_287, %parallel_loop3A_317 : vector<16xi32>
        %parallel_loop3A_319 = arith.constant 0 : i32
        %parallel_loop3A_320 = vector.broadcast %parallel_loop3A_319 : i32 to vector<16xi32>
        %parallel_loop3A_321 = arith.cmpi slt, %parallel_loop3A_318, %parallel_loop3A_320 : vector<16xi32>
        %parallel_loop3A_322 = arith.constant 16 : i32
        %parallel_loop3A_323 = vector.broadcast %parallel_loop3A_322 : i32 to vector<16xi32>
        %parallel_loop3A_324 = arith.addi %parallel_loop3A_318, %parallel_loop3A_323 : vector<16xi32>
        %parallel_loop3A_325 = arith.select %parallel_loop3A_321, %parallel_loop3A_324, %parallel_loop3A_318 : vector<16xi1>, vector<16xi32>
        %parallel_loop3A_326 = vector.shape_cast %parallel_loop3A_325 : vector<16xi32> to vector<16x1xi32>
        %parallel_loop3A_327 = vector.shape_cast %parallel_loop3A_326 : vector<16x1xi32> to vector<16xi32>
        %parallel_loop3A_328 = tpu.dynamic_gather %parallel_loop3A_315[%parallel_loop3A_327] in [0] : vector<16xf32>, vector<16xi32> -> vector<16xf32>
        %parallel_loop3A_329 = arith.addf %parallel_loop3A_315, %parallel_loop3A_328 : vector<16xf32>
        %parallel_loop3A_330 = arith.constant 1 : i32
        %parallel_loop3A_331 = vector.broadcast %parallel_loop3A_330 : i32 to vector<16xi32>
        %parallel_loop3A_332 = arith.xori %parallel_loop3A_287, %parallel_loop3A_331 : vector<16xi32>
        %parallel_loop3A_333 = arith.constant 0 : i32
        %parallel_loop3A_334 = vector.broadcast %parallel_loop3A_333 : i32 to vector<16xi32>
        %parallel_loop3A_335 = arith.cmpi slt, %parallel_loop3A_332, %parallel_loop3A_334 : vector<16xi32>
        %parallel_loop3A_336 = arith.constant 16 : i32
        %parallel_loop3A_337 = vector.broadcast %parallel_loop3A_336 : i32 to vector<16xi32>
        %parallel_loop3A_338 = arith.addi %parallel_loop3A_332, %parallel_loop3A_337 : vector<16xi32>
        %parallel_loop3A_339 = arith.select %parallel_loop3A_335, %parallel_loop3A_338, %parallel_loop3A_332 : vector<16xi1>, vector<16xi32>
        %parallel_loop3A_340 = vector.shape_cast %parallel_loop3A_339 : vector<16xi32> to vector<16x1xi32>
        %parallel_loop3A_341 = vector.shape_cast %parallel_loop3A_340 : vector<16x1xi32> to vector<16xi32>
        %parallel_loop3A_342 = tpu.dynamic_gather %parallel_loop3A_329[%parallel_loop3A_341] in [0] : vector<16xf32>, vector<16xi32> -> vector<16xf32>
        %parallel_loop3A_343 = arith.addf %parallel_loop3A_329, %parallel_loop3A_342 : vector<16xf32>
        %parallel_loop3A_344 = arith.constant 7.812500e-03 : f32
        %parallel_loop3A_345 = vector.broadcast %parallel_loop3A_344 : f32 to vector<16xf32>
        %parallel_loop3A_346 = arith.mulf %parallel_loop3A_343, %parallel_loop3A_345 : vector<16xf32>
        %parallel_loop3A_347 = tpu.iota {dimensions = array<i32: 0>} : vector<16xi32>
        %parallel_loop3A_348 = arith.constant 8 : i32
        %parallel_loop3A_349 = vector.broadcast %parallel_loop3A_348 : i32 to vector<16xi32>
        %parallel_loop3A_350 = arith.xori %parallel_loop3A_347, %parallel_loop3A_349 : vector<16xi32>
        %parallel_loop3A_351 = arith.constant 0 : i32
        %parallel_loop3A_352 = vector.broadcast %parallel_loop3A_351 : i32 to vector<16xi32>
        %parallel_loop3A_353 = arith.cmpi slt, %parallel_loop3A_350, %parallel_loop3A_352 : vector<16xi32>
        %parallel_loop3A_354 = arith.constant 16 : i32
        %parallel_loop3A_355 = vector.broadcast %parallel_loop3A_354 : i32 to vector<16xi32>
        %parallel_loop3A_356 = arith.addi %parallel_loop3A_350, %parallel_loop3A_355 : vector<16xi32>
        %parallel_loop3A_357 = arith.select %parallel_loop3A_353, %parallel_loop3A_356, %parallel_loop3A_350 : vector<16xi1>, vector<16xi32>
        %parallel_loop3A_358 = vector.shape_cast %parallel_loop3A_357 : vector<16xi32> to vector<16x1xi32>
        %parallel_loop3A_359 = vector.shape_cast %parallel_loop3A_358 : vector<16x1xi32> to vector<16xi32>
        %parallel_loop3A_360 = tpu.dynamic_gather %parallel_loop3A_286[%parallel_loop3A_359] in [0] : vector<16xf32>, vector<16xi32> -> vector<16xf32>
        %parallel_loop3A_361 = arith.addf %parallel_loop3A_286, %parallel_loop3A_360 : vector<16xf32>
        %parallel_loop3A_362 = arith.constant 4 : i32
        %parallel_loop3A_363 = vector.broadcast %parallel_loop3A_362 : i32 to vector<16xi32>
        %parallel_loop3A_364 = arith.xori %parallel_loop3A_347, %parallel_loop3A_363 : vector<16xi32>
        %parallel_loop3A_365 = arith.constant 0 : i32
        %parallel_loop3A_366 = vector.broadcast %parallel_loop3A_365 : i32 to vector<16xi32>
        %parallel_loop3A_367 = arith.cmpi slt, %parallel_loop3A_364, %parallel_loop3A_366 : vector<16xi32>
        %parallel_loop3A_368 = arith.constant 16 : i32
        %parallel_loop3A_369 = vector.broadcast %parallel_loop3A_368 : i32 to vector<16xi32>
        %parallel_loop3A_370 = arith.addi %parallel_loop3A_364, %parallel_loop3A_369 : vector<16xi32>
        %parallel_loop3A_371 = arith.select %parallel_loop3A_367, %parallel_loop3A_370, %parallel_loop3A_364 : vector<16xi1>, vector<16xi32>
        %parallel_loop3A_372 = vector.shape_cast %parallel_loop3A_371 : vector<16xi32> to vector<16x1xi32>
        %parallel_loop3A_373 = vector.shape_cast %parallel_loop3A_372 : vector<16x1xi32> to vector<16xi32>
        %parallel_loop3A_374 = tpu.dynamic_gather %parallel_loop3A_361[%parallel_loop3A_373] in [0] : vector<16xf32>, vector<16xi32> -> vector<16xf32>
        %parallel_loop3A_375 = arith.addf %parallel_loop3A_361, %parallel_loop3A_374 : vector<16xf32>
        %parallel_loop3A_376 = arith.constant 2 : i32
        %parallel_loop3A_377 = vector.broadcast %parallel_loop3A_376 : i32 to vector<16xi32>
        %parallel_loop3A_378 = arith.xori %parallel_loop3A_347, %parallel_loop3A_377 : vector<16xi32>
        %parallel_loop3A_379 = arith.constant 0 : i32
        %parallel_loop3A_380 = vector.broadcast %parallel_loop3A_379 : i32 to vector<16xi32>
        %parallel_loop3A_381 = arith.cmpi slt, %parallel_loop3A_378, %parallel_loop3A_380 : vector<16xi32>
        %parallel_loop3A_382 = arith.constant 16 : i32
        %parallel_loop3A_383 = vector.broadcast %parallel_loop3A_382 : i32 to vector<16xi32>
        %parallel_loop3A_384 = arith.addi %parallel_loop3A_378, %parallel_loop3A_383 : vector<16xi32>
        %parallel_loop3A_385 = arith.select %parallel_loop3A_381, %parallel_loop3A_384, %parallel_loop3A_378 : vector<16xi1>, vector<16xi32>
        %parallel_loop3A_386 = vector.shape_cast %parallel_loop3A_385 : vector<16xi32> to vector<16x1xi32>
        %parallel_loop3A_387 = vector.shape_cast %parallel_loop3A_386 : vector<16x1xi32> to vector<16xi32>
        %parallel_loop3A_388 = tpu.dynamic_gather %parallel_loop3A_375[%parallel_loop3A_387] in [0] : vector<16xf32>, vector<16xi32> -> vector<16xf32>
        %parallel_loop3A_389 = arith.addf %parallel_loop3A_375, %parallel_loop3A_388 : vector<16xf32>
        %parallel_loop3A_390 = arith.constant 1 : i32
        %parallel_loop3A_391 = vector.broadcast %parallel_loop3A_390 : i32 to vector<16xi32>
        %parallel_loop3A_392 = arith.xori %parallel_loop3A_347, %parallel_loop3A_391 : vector<16xi32>
        %parallel_loop3A_393 = arith.constant 0 : i32
        %parallel_loop3A_394 = vector.broadcast %parallel_loop3A_393 : i32 to vector<16xi32>
        %parallel_loop3A_395 = arith.cmpi slt, %parallel_loop3A_392, %parallel_loop3A_394 : vector<16xi32>
        %parallel_loop3A_396 = arith.constant 16 : i32
        %parallel_loop3A_397 = vector.broadcast %parallel_loop3A_396 : i32 to vector<16xi32>
        %parallel_loop3A_398 = arith.addi %parallel_loop3A_392, %parallel_loop3A_397 : vector<16xi32>
        %parallel_loop3A_399 = arith.select %parallel_loop3A_395, %parallel_loop3A_398, %parallel_loop3A_392 : vector<16xi1>, vector<16xi32>
        %parallel_loop3A_400 = vector.shape_cast %parallel_loop3A_399 : vector<16xi32> to vector<16x1xi32>
        %parallel_loop3A_401 = vector.shape_cast %parallel_loop3A_400 : vector<16x1xi32> to vector<16xi32>
        %parallel_loop3A_402 = tpu.dynamic_gather %parallel_loop3A_389[%parallel_loop3A_401] in [0] : vector<16xf32>, vector<16xi32> -> vector<16xf32>
        %parallel_loop3A_403 = arith.addf %parallel_loop3A_389, %parallel_loop3A_402 : vector<16xf32>
        %parallel_loop3A_404 = arith.constant 7.812500e-03 : f32
        %parallel_loop3A_405 = vector.broadcast %parallel_loop3A_404 : f32 to vector<16xf32>
        %parallel_loop3A_406 = arith.mulf %parallel_loop3A_403, %parallel_loop3A_405 : vector<16xf32>
        %parallel_loop3A_407 = arith.mulf %parallel_loop3A_346, %parallel_loop3A_346 : vector<16xf32>
        %parallel_loop3A_408 = arith.subf %parallel_loop3A_406, %parallel_loop3A_407 : vector<16xf32>
        %parallel_loop3A_409 = arith.constant 9.99999974E-6 : f32
        %parallel_loop3A_410 = vector.broadcast %parallel_loop3A_409 : f32 to vector<16xf32>
        %parallel_loop3A_411 = arith.addf %parallel_loop3A_408, %parallel_loop3A_410 : vector<16xf32>
        %parallel_loop3A_412 = vector.bitcast %parallel_loop3A_411 : vector<16xf32> to vector<16xi32>
        %parallel_loop3A_413 = arith.constant 1 : i32
        %parallel_loop3A_414 = vector.broadcast %parallel_loop3A_413 : i32 to vector<16xi32>
        %parallel_loop3A_415 = arith.shrsi %parallel_loop3A_412, %parallel_loop3A_414 : vector<16xi32>
        %parallel_loop3A_416 = arith.constant 1597463007 : i32
        %parallel_loop3A_417 = vector.broadcast %parallel_loop3A_416 : i32 to vector<16xi32>
        %parallel_loop3A_418 = arith.subi %parallel_loop3A_417, %parallel_loop3A_415 : vector<16xi32>
        %parallel_loop3A_419 = vector.bitcast %parallel_loop3A_418 : vector<16xi32> to vector<16xf32>
        %parallel_loop3A_420 = arith.constant 5.000000e-01 : f32
        %parallel_loop3A_421 = vector.broadcast %parallel_loop3A_420 : f32 to vector<16xf32>
        %parallel_loop3A_422 = arith.mulf %parallel_loop3A_421, %parallel_loop3A_411 : vector<16xf32>
        %parallel_loop3A_423 = arith.mulf %parallel_loop3A_422, %parallel_loop3A_419 : vector<16xf32>
        %parallel_loop3A_424 = arith.mulf %parallel_loop3A_423, %parallel_loop3A_419 : vector<16xf32>
        %parallel_loop3A_425 = arith.constant 1.500000e+00 : f32
        %parallel_loop3A_426 = vector.broadcast %parallel_loop3A_425 : f32 to vector<16xf32>
        %parallel_loop3A_427 = arith.subf %parallel_loop3A_426, %parallel_loop3A_424 : vector<16xf32>
        %parallel_loop3A_428 = arith.mulf %parallel_loop3A_419, %parallel_loop3A_427 : vector<16xf32>
        %parallel_loop3A_429 = arith.constant 5.000000e-01 : f32
        %parallel_loop3A_430 = vector.broadcast %parallel_loop3A_429 : f32 to vector<16xf32>
        %parallel_loop3A_431 = arith.mulf %parallel_loop3A_430, %parallel_loop3A_411 : vector<16xf32>
        %parallel_loop3A_432 = arith.mulf %parallel_loop3A_431, %parallel_loop3A_428 : vector<16xf32>
        %parallel_loop3A_433 = arith.mulf %parallel_loop3A_432, %parallel_loop3A_428 : vector<16xf32>
        %parallel_loop3A_434 = arith.constant 1.500000e+00 : f32
        %parallel_loop3A_435 = vector.broadcast %parallel_loop3A_434 : f32 to vector<16xf32>
        %parallel_loop3A_436 = arith.subf %parallel_loop3A_435, %parallel_loop3A_433 : vector<16xf32>
        %parallel_loop3A_437 = arith.mulf %parallel_loop3A_428, %parallel_loop3A_436 : vector<16xf32>
        %parallel_loop3A_438 = arith.subf %parallel_loop3A_215, %parallel_loop3A_346 : vector<16xf32>
        %parallel_loop3A_439 = arith.mulf %parallel_loop3A_438, %parallel_loop3A_437 : vector<16xf32>
        %parallel_loop3A_440 = arith.mulf %parallel_loop3A_439, %parallel_loop3A_193 : vector<16xf32>
        %parallel_loop3A_441 = arith.addf %parallel_loop3A_440, %parallel_loop3A_201 : vector<16xf32>
        %parallel_loop3A_442 = arith.index_cast %parallel_loop3A_192 : i32 to index
        %parallel_loop3A_443 = arith.constant 0 : index
        %parallel_loop3A_444 = tpu.vector_load %arg15[%parallel_loop3A_442, %parallel_loop3A_443] {strides = array<i32>} : memref<128x128xf32, #tpu.memory_space<vmem>>, vector<16xf32>,
        tpu.vector_store %arg15[%parallel_loop3A_442, %parallel_loop3A_443], %parallel_loop3A_441 {strides = array<i32>} : memref<128x128xf32, #tpu.memory_space<vmem>>, vector<16xf32>,
        %parallel_loop3A_445 = arith.subf %parallel_loop3A_222, %parallel_loop3A_346 : vector<16xf32>
        %parallel_loop3A_446 = arith.mulf %parallel_loop3A_445, %parallel_loop3A_437 : vector<16xf32>
        %parallel_loop3A_447 = arith.mulf %parallel_loop3A_446, %parallel_loop3A_194 : vector<16xf32>
        %parallel_loop3A_448 = arith.addf %parallel_loop3A_447, %parallel_loop3A_202 : vector<16xf32>
        %parallel_loop3A_449 = arith.index_cast %parallel_loop3A_192 : i32 to index
        %parallel_loop3A_450 = arith.constant 16 : index
        %parallel_loop3A_451 = tpu.vector_load %arg15[%parallel_loop3A_449, %parallel_loop3A_450] {strides = array<i32>} : memref<128x128xf32, #tpu.memory_space<vmem>>, vector<16xf32>,
        tpu.vector_store %arg15[%parallel_loop3A_449, %parallel_loop3A_450], %parallel_loop3A_448 {strides = array<i32>} : memref<128x128xf32, #tpu.memory_space<vmem>>, vector<16xf32>,
        %parallel_loop3A_452 = arith.subf %parallel_loop3A_229, %parallel_loop3A_346 : vector<16xf32>
        %parallel_loop3A_453 = arith.mulf %parallel_loop3A_452, %parallel_loop3A_437 : vector<16xf32>
        %parallel_loop3A_454 = arith.mulf %parallel_loop3A_453, %parallel_loop3A_195 : vector<16xf32>
        %parallel_loop3A_455 = arith.addf %parallel_loop3A_454, %parallel_loop3A_203 : vector<16xf32>
        %parallel_loop3A_456 = arith.index_cast %parallel_loop3A_192 : i32 to index
        %parallel_loop3A_457 = arith.constant 32 : index
        %parallel_loop3A_458 = tpu.vector_load %arg15[%parallel_loop3A_456, %parallel_loop3A_457] {strides = array<i32>} : memref<128x128xf32, #tpu.memory_space<vmem>>, vector<16xf32>,
        tpu.vector_store %arg15[%parallel_loop3A_456, %parallel_loop3A_457], %parallel_loop3A_455 {strides = array<i32>} : memref<128x128xf32, #tpu.memory_space<vmem>>, vector<16xf32>,
        %parallel_loop3A_459 = arith.subf %parallel_loop3A_236, %parallel_loop3A_346 : vector<16xf32>
        %parallel_loop3A_460 = arith.mulf %parallel_loop3A_459, %parallel_loop3A_437 : vector<16xf32>
        %parallel_loop3A_461 = arith.mulf %parallel_loop3A_460, %parallel_loop3A_196 : vector<16xf32>
        %parallel_loop3A_462 = arith.addf %parallel_loop3A_461, %parallel_loop3A_204 : vector<16xf32>
        %parallel_loop3A_463 = arith.index_cast %parallel_loop3A_192 : i32 to index
        %parallel_loop3A_464 = arith.constant 48 : index
        %parallel_loop3A_465 = tpu.vector_load %arg15[%parallel_loop3A_463, %parallel_loop3A_464] {strides = array<i32>} : memref<128x128xf32, #tpu.memory_space<vmem>>, vector<16xf32>,
        tpu.vector_store %arg15[%parallel_loop3A_463, %parallel_loop3A_464], %parallel_loop3A_462 {strides = array<i32>} : memref<128x128xf32, #tpu.memory_space<vmem>>, vector<16xf32>,
        %parallel_loop3A_466 = arith.subf %parallel_loop3A_243, %parallel_loop3A_346 : vector<16xf32>
        %parallel_loop3A_467 = arith.mulf %parallel_loop3A_466, %parallel_loop3A_437 : vector<16xf32>
        %parallel_loop3A_468 = arith.mulf %parallel_loop3A_467, %parallel_loop3A_197 : vector<16xf32>
        %parallel_loop3A_469 = arith.addf %parallel_loop3A_468, %parallel_loop3A_205 : vector<16xf32>
        %parallel_loop3A_470 = arith.index_cast %parallel_loop3A_192 : i32 to index
        %parallel_loop3A_471 = arith.constant 64 : index
        %parallel_loop3A_472 = tpu.vector_load %arg15[%parallel_loop3A_470, %parallel_loop3A_471] {strides = array<i32>} : memref<128x128xf32, #tpu.memory_space<vmem>>, vector<16xf32>,
        tpu.vector_store %arg15[%parallel_loop3A_470, %parallel_loop3A_471], %parallel_loop3A_469 {strides = array<i32>} : memref<128x128xf32, #tpu.memory_space<vmem>>, vector<16xf32>,
        %parallel_loop3A_473 = arith.subf %parallel_loop3A_250, %parallel_loop3A_346 : vector<16xf32>
        %parallel_loop3A_474 = arith.mulf %parallel_loop3A_473, %parallel_loop3A_437 : vector<16xf32>
        %parallel_loop3A_475 = arith.mulf %parallel_loop3A_474, %parallel_loop3A_198 : vector<16xf32>
        %parallel_loop3A_476 = arith.addf %parallel_loop3A_475, %parallel_loop3A_206 : vector<16xf32>
        %parallel_loop3A_477 = arith.index_cast %parallel_loop3A_192 : i32 to index
        %parallel_loop3A_478 = arith.constant 80 : index
        %parallel_loop3A_479 = tpu.vector_load %arg15[%parallel_loop3A_477, %parallel_loop3A_478] {strides = array<i32>} : memref<128x128xf32, #tpu.memory_space<vmem>>, vector<16xf32>,
        tpu.vector_store %arg15[%parallel_loop3A_477, %parallel_loop3A_478], %parallel_loop3A_476 {strides = array<i32>} : memref<128x128xf32, #tpu.memory_space<vmem>>, vector<16xf32>,
        %parallel_loop3A_480 = arith.subf %parallel_loop3A_257, %parallel_loop3A_346 : vector<16xf32>
        %parallel_loop3A_481 = arith.mulf %parallel_loop3A_480, %parallel_loop3A_437 : vector<16xf32>
        %parallel_loop3A_482 = arith.mulf %parallel_loop3A_481, %parallel_loop3A_199 : vector<16xf32>
        %parallel_loop3A_483 = arith.addf %parallel_loop3A_482, %parallel_loop3A_207 : vector<16xf32>
        %parallel_loop3A_484 = arith.index_cast %parallel_loop3A_192 : i32 to index
        %parallel_loop3A_485 = arith.constant 96 : index
        %parallel_loop3A_486 = tpu.vector_load %arg15[%parallel_loop3A_484, %parallel_loop3A_485] {strides = array<i32>} : memref<128x128xf32, #tpu.memory_space<vmem>>, vector<16xf32>,
        tpu.vector_store %arg15[%parallel_loop3A_484, %parallel_loop3A_485], %parallel_loop3A_483 {strides = array<i32>} : memref<128x128xf32, #tpu.memory_space<vmem>>, vector<16xf32>,
        %parallel_loop3A_487 = arith.subf %parallel_loop3A_264, %parallel_loop3A_346 : vector<16xf32>
        %parallel_loop3A_488 = arith.mulf %parallel_loop3A_487, %parallel_loop3A_437 : vector<16xf32>
        %parallel_loop3A_489 = arith.mulf %parallel_loop3A_488, %parallel_loop3A_200 : vector<16xf32>
        %parallel_loop3A_490 = arith.addf %parallel_loop3A_489, %parallel_loop3A_208 : vector<16xf32>
        %parallel_loop3A_491 = arith.index_cast %parallel_loop3A_192 : i32 to index
        %parallel_loop3A_492 = arith.constant 112 : index
        %parallel_loop3A_493 = tpu.vector_load %arg15[%parallel_loop3A_491, %parallel_loop3A_492] {strides = array<i32>} : memref<128x128xf32, #tpu.memory_space<vmem>>, vector<16xf32>,
        tpu.vector_store %arg15[%parallel_loop3A_491, %parallel_loop3A_492], %parallel_loop3A_490 {strides = array<i32>} : memref<128x128xf32, #tpu.memory_space<vmem>>, vector<16xf32>,
        scf.yield %parallel_loop3A_193, %parallel_loop3A_194, %parallel_loop3A_195, %parallel_loop3A_196, %parallel_loop3A_197, %parallel_loop3A_198, %parallel_loop3A_199, %parallel_loop3A_200, %parallel_loop3A_201, %parallel_loop3A_202, %parallel_loop3A_203, %parallel_loop3A_204, %parallel_loop3A_205, %parallel_loop3A_206, %parallel_loop3A_207, %parallel_loop3A_208 : vector<16xf32>, vector<16xf32>, vector<16xf32>, vector<16xf32>, vector<16xf32>, vector<16xf32>, vector<16xf32>, vector<16xf32>, vector<16xf32>, vector<16xf32>, vector<16xf32>, vector<16xf32>, vector<16xf32>, vector<16xf32>, vector<16xf32>, vector<16xf32>
      } {sc.loop_unroll_factor = 4 : i64, sc.parallel_access}
      %mul3A_143 = arith.constant 2 : i32
      %mul3A_144 = arith.muli %mul3A_143, %scan3A_90 : i32
      %mul3A_145 = arith.constant 2048 : i32
      %mul3A_146 = arith.muli %add3A, %mul3A_145 : i32
      %mul3A_147 = arith.constant 128 : i32
      %mul3A_148 = arith.muli %mul3A_144, %mul3A_147 : i32
      %add3A_149 = arith.addi %mul3A_146, %mul3A_148 : i32
      %dma_start3A_150 = arith.constant 0 : i32
      %dma_start3A_151 = tpu.memref_slice %arg8[%add3A_149, %dma_start3A_150] : memref<65536x128xf32, #tpu.memory_space<hbm>> -> memref<128x128xf32, #tpu.memory_space<hbm>>
      %dma_start3A_152 = arith.constant 0 : i32
      %dma_start3A_153 = tpu.memref_slice %arg8[%add3A_149, %dma_start3A_152] : memref<65536x128xf32, #tpu.memory_space<hbm>> -> memref<128x128xf32, #tpu.memory_space<hbm>>
      tpu.enqueue_dma source(%arg15 : memref<128x128xf32, #tpu.memory_space<vmem>>) target(%dma_start3A_153 : memref<128x128xf32, #tpu.memory_space<hbm>>) target_semaphore(%arg25 : memref<!tpu.dma_semaphore, #tpu.memory_space<semaphore_mem>>)
      %lt3A = arith.constant 7 : i32
      %lt3A_154 = arith.cmpi slt, %scan3A_90, %lt3A : i32
      %convert_element_type3A_155 = arith.extui %lt3A_154 : i1 to i32
      %cond3A_156 = arith.constant 0 : i32
      %cond3A_157 = arith.cmpi ne, %convert_element_type3A_155, %cond3A_156 : i32
      scf.if %cond3A_157 {
        %mul3A_192 = arith.constant 2 : i32
        %mul3A_193 = arith.muli %mul3A_192, %scan3A_90 : i32
        %add3A_194 = arith.constant 2 : i32
        %add3A_195 = arith.addi %mul3A_193, %add3A_194 : i32
        %mul3A_196 = arith.constant 128 : i32
        %mul3A_197 = arith.muli %add3A_195, %mul3A_196 : i32
        %mul3A_198 = arith.constant 128 : i32
        %mul3A_199 = arith.muli %add3A_195, %mul3A_198 : i32
        %dma_start3A_200 = arith.constant 0 : i32
        %dma_start3A_201 = tpu.memref_slice %arg9[%dma_start3A_200, %mul3A_197] : memref<3x2048xi32, #tpu.memory_space<vmem>> -> memref<1x128xi32, #tpu.memory_space<vmem>>
        %dma_start3A_202 = tpu.memref_squeeze %dma_start3A_201 : memref<1x128xi32, #tpu.memory_space<vmem>> -> memref<128xi32, #tpu.memory_space<vmem>>
        %dma_start3A_203 = arith.constant 0 : i32
        %dma_start3A_204 = arith.constant 0 : i32
        %dma_start3A_205 = tpu.memref_slice %arg3[%dma_start3A_203, %dma_start3A_204] : memref<100000x128xf32, #tpu.memory_space<hbm>> -> memref<100000x128xf32, #tpu.memory_space<hbm>>
        tpu.enqueue_indirect_dma source(%dma_start3A_205 : memref<100000x128xf32, #tpu.memory_space<hbm>>) target(%arg11 : memref<128x128xf32, #tpu.memory_space<vmem>>) offsets(%dma_start3A_202 : memref<128xi32, #tpu.memory_space<vmem>>) semaphore(%arg21 : memref<!tpu.dma_semaphore, #tpu.memory_space<semaphore_mem>>)
        %dma_start3A_206 = tpu.memref_slice %arg10[%mul3A_199] : memref<2048xi32, #tpu.memory_space<vmem>> -> memref<128xi32, #tpu.memory_space<vmem>>
        %dma_start3A_207 = arith.constant 0 : i32
        %dma_start3A_208 = arith.constant 0 : i32
        %dma_start3A_209 = tpu.memref_slice %arg17[%dma_start3A_207, %dma_start3A_208] : memref<1024x128xf32, #tpu.memory_space<vmem_shared>> -> memref<1024x128xf32, #tpu.memory_space<vmem_shared>>
        tpu.enqueue_indirect_dma source(%dma_start3A_209 : memref<1024x128xf32, #tpu.memory_space<vmem_shared>>) target(%arg12 : memref<128x128xf32, #tpu.memory_space<vmem>>) offsets(%dma_start3A_206 : memref<128xi32, #tpu.memory_space<vmem>>) semaphore(%arg23 : memref<!tpu.dma_semaphore, #tpu.memory_space<semaphore_mem>>)
      } else {
      }
      %dma_wait3A_158 = arith.constant 0 : i32
      %dma_wait3A_159 = arith.constant 0 : i32
      %dma_wait3A_160 = tpu.memref_slice %arg9[%dma_wait3A_158, %dma_wait3A_159] : memref<3x2048xi32, #tpu.memory_space<vmem>> -> memref<1x128xi32, #tpu.memory_space<vmem>>
      %dma_wait3A_161 = tpu.memref_squeeze %dma_wait3A_160 : memref<1x128xi32, #tpu.memory_space<vmem>> -> memref<128xi32, #tpu.memory_space<vmem>>
      %dma_wait3A_162 = arith.constant 0 : i32
      %dma_wait3A_163 = arith.constant 0 : i32
      %dma_wait3A_164 = tpu.memref_slice %arg3[%dma_wait3A_162, %dma_wait3A_163] : memref<100000x128xf32, #tpu.memory_space<hbm>> -> memref<100000x128xf32, #tpu.memory_space<hbm>>
      tpu.wait_indirect_dma semaphore(%arg22 : memref<!tpu.dma_semaphore, #tpu.memory_space<semaphore_mem>>) src(%dma_wait3A_164 : memref<100000x128xf32, #tpu.memory_space<hbm>>) dst(%arg13 : memref<128x128xf32, #tpu.memory_space<vmem>>)
      %dma_wait3A_165 = arith.constant 0 : i32
      %dma_wait3A_166 = tpu.memref_slice %arg10[%dma_wait3A_165] : memref<2048xi32, #tpu.memory_space<vmem>> -> memref<128xi32, #tpu.memory_space<vmem>>
      %dma_wait3A_167 = arith.constant 0 : i32
      %dma_wait3A_168 = arith.constant 0 : i32
      %dma_wait3A_169 = tpu.memref_slice %arg17[%dma_wait3A_167, %dma_wait3A_168] : memref<1024x128xf32, #tpu.memory_space<vmem_shared>> -> memref<1024x128xf32, #tpu.memory_space<vmem_shared>>
      tpu.wait_indirect_dma semaphore(%arg24 : memref<!tpu.dma_semaphore, #tpu.memory_space<semaphore_mem>>) src(%dma_wait3A_169 : memref<1024x128xf32, #tpu.memory_space<vmem_shared>>) dst(%arg14 : memref<128x128xf32, #tpu.memory_space<vmem>>)
      %ge3A_170 = arith.constant 1 : i32
      %ge3A_171 = arith.cmpi sge, %scan3A_90, %ge3A_170 : i32
      %convert_element_type3A_172 = arith.extui %ge3A_171 : i1 to i32
      %cond3A_173 = arith.constant 0 : i32
      %cond3A_174 = arith.cmpi ne, %convert_element_type3A_172, %cond3A_173 : i32
      scf.if %cond3A_174 {
        %dma_wait3A_192 = arith.constant 0 : i32
        %dma_wait3A_193 = arith.constant 0 : i32
        %dma_wait3A_194 = tpu.memref_slice %arg8[%dma_wait3A_192, %dma_wait3A_193] : memref<65536x128xf32, #tpu.memory_space<hbm>> -> memref<128x128xf32, #tpu.memory_space<hbm>>
        %dma_wait3A_195 = arith.constant 0 : i32
        %dma_wait3A_196 = arith.constant 0 : i32
        %dma_wait3A_197 = tpu.memref_slice %arg8[%dma_wait3A_195, %dma_wait3A_196] : memref<65536x128xf32, #tpu.memory_space<hbm>> -> memref<128x128xf32, #tpu.memory_space<hbm>>
        tpu.wait_dma2 semaphore(%arg26 : memref<!tpu.dma_semaphore, #tpu.memory_space<semaphore_mem>>) src(%arg16 : memref<128x128xf32, #tpu.memory_space<vmem>>) dst(%dma_wait3A_197 : memref<128x128xf32, #tpu.memory_space<hbm>>)
      } else {
      }
      %parallel_loop3A_175 = arith.constant 0 : i32
      %parallel_loop3A_176 = arith.constant 128 : i32
      %parallel_loop3A_177 = arith.constant 1 : i32
      %parallel_loop3A_178:16 = scf.for %parallel_loop3A_192 = %parallel_loop3A_175 to %parallel_loop3A_176 step %parallel_loop3A_177 iter_args(%parallel_loop3A_193 = %parallel_loop3A_142#0, %parallel_loop3A_194 = %parallel_loop3A_142#1, %parallel_loop3A_195 = %parallel_loop3A_142#2, %parallel_loop3A_196 = %parallel_loop3A_142#3, %parallel_loop3A_197 = %parallel_loop3A_142#4, %parallel_loop3A_198 = %parallel_loop3A_142#5, %parallel_loop3A_199 = %parallel_loop3A_142#6, %parallel_loop3A_200 = %parallel_loop3A_142#7, %parallel_loop3A_201 = %parallel_loop3A_142#8, %parallel_loop3A_202 = %parallel_loop3A_142#9, %parallel_loop3A_203 = %parallel_loop3A_142#10, %parallel_loop3A_204 = %parallel_loop3A_142#11, %parallel_loop3A_205 = %parallel_loop3A_142#12, %parallel_loop3A_206 = %parallel_loop3A_142#13, %parallel_loop3A_207 = %parallel_loop3A_142#14, %parallel_loop3A_208 = %parallel_loop3A_142#15) -> (vector<16xf32>, vector<16xf32>, vector<16xf32>, vector<16xf32>, vector<16xf32>, vector<16xf32>, vector<16xf32>, vector<16xf32>, vector<16xf32>, vector<16xf32>, vector<16xf32>, vector<16xf32>, vector<16xf32>, vector<16xf32>, vector<16xf32>, vector<16xf32>)  : i32 {
        %parallel_loop3A_209 = arith.index_cast %parallel_loop3A_192 : i32 to index
        %parallel_loop3A_210 = arith.constant 0 : index
        %parallel_loop3A_211 = tpu.vector_load %arg13[%parallel_loop3A_209, %parallel_loop3A_210] {strides = array<i32>} : memref<128x128xf32, #tpu.memory_space<vmem>>, vector<16xf32>,
        %parallel_loop3A_212 = arith.index_cast %parallel_loop3A_192 : i32 to index
        %parallel_loop3A_213 = arith.constant 0 : index
        %parallel_loop3A_214 = tpu.vector_load %arg14[%parallel_loop3A_212, %parallel_loop3A_213] {strides = array<i32>} : memref<128x128xf32, #tpu.memory_space<vmem>>, vector<16xf32>,
        %parallel_loop3A_215 = arith.addf %parallel_loop3A_211, %parallel_loop3A_214 : vector<16xf32>
        %parallel_loop3A_216 = arith.index_cast %parallel_loop3A_192 : i32 to index
        %parallel_loop3A_217 = arith.constant 16 : index
        %parallel_loop3A_218 = tpu.vector_load %arg13[%parallel_loop3A_216, %parallel_loop3A_217] {strides = array<i32>} : memref<128x128xf32, #tpu.memory_space<vmem>>, vector<16xf32>,
        %parallel_loop3A_219 = arith.index_cast %parallel_loop3A_192 : i32 to index
        %parallel_loop3A_220 = arith.constant 16 : index
        %parallel_loop3A_221 = tpu.vector_load %arg14[%parallel_loop3A_219, %parallel_loop3A_220] {strides = array<i32>} : memref<128x128xf32, #tpu.memory_space<vmem>>, vector<16xf32>,
        %parallel_loop3A_222 = arith.addf %parallel_loop3A_218, %parallel_loop3A_221 : vector<16xf32>
        %parallel_loop3A_223 = arith.index_cast %parallel_loop3A_192 : i32 to index
        %parallel_loop3A_224 = arith.constant 32 : index
        %parallel_loop3A_225 = tpu.vector_load %arg13[%parallel_loop3A_223, %parallel_loop3A_224] {strides = array<i32>} : memref<128x128xf32, #tpu.memory_space<vmem>>, vector<16xf32>,
        %parallel_loop3A_226 = arith.index_cast %parallel_loop3A_192 : i32 to index
        %parallel_loop3A_227 = arith.constant 32 : index
        %parallel_loop3A_228 = tpu.vector_load %arg14[%parallel_loop3A_226, %parallel_loop3A_227] {strides = array<i32>} : memref<128x128xf32, #tpu.memory_space<vmem>>, vector<16xf32>,
        %parallel_loop3A_229 = arith.addf %parallel_loop3A_225, %parallel_loop3A_228 : vector<16xf32>
        %parallel_loop3A_230 = arith.index_cast %parallel_loop3A_192 : i32 to index
        %parallel_loop3A_231 = arith.constant 48 : index
        %parallel_loop3A_232 = tpu.vector_load %arg13[%parallel_loop3A_230, %parallel_loop3A_231] {strides = array<i32>} : memref<128x128xf32, #tpu.memory_space<vmem>>, vector<16xf32>,
        %parallel_loop3A_233 = arith.index_cast %parallel_loop3A_192 : i32 to index
        %parallel_loop3A_234 = arith.constant 48 : index
        %parallel_loop3A_235 = tpu.vector_load %arg14[%parallel_loop3A_233, %parallel_loop3A_234] {strides = array<i32>} : memref<128x128xf32, #tpu.memory_space<vmem>>, vector<16xf32>,
        %parallel_loop3A_236 = arith.addf %parallel_loop3A_232, %parallel_loop3A_235 : vector<16xf32>
        %parallel_loop3A_237 = arith.index_cast %parallel_loop3A_192 : i32 to index
        %parallel_loop3A_238 = arith.constant 64 : index
        %parallel_loop3A_239 = tpu.vector_load %arg13[%parallel_loop3A_237, %parallel_loop3A_238] {strides = array<i32>} : memref<128x128xf32, #tpu.memory_space<vmem>>, vector<16xf32>,
        %parallel_loop3A_240 = arith.index_cast %parallel_loop3A_192 : i32 to index
        %parallel_loop3A_241 = arith.constant 64 : index
        %parallel_loop3A_242 = tpu.vector_load %arg14[%parallel_loop3A_240, %parallel_loop3A_241] {strides = array<i32>} : memref<128x128xf32, #tpu.memory_space<vmem>>, vector<16xf32>,
        %parallel_loop3A_243 = arith.addf %parallel_loop3A_239, %parallel_loop3A_242 : vector<16xf32>
        %parallel_loop3A_244 = arith.index_cast %parallel_loop3A_192 : i32 to index
        %parallel_loop3A_245 = arith.constant 80 : index
        %parallel_loop3A_246 = tpu.vector_load %arg13[%parallel_loop3A_244, %parallel_loop3A_245] {strides = array<i32>} : memref<128x128xf32, #tpu.memory_space<vmem>>, vector<16xf32>,
        %parallel_loop3A_247 = arith.index_cast %parallel_loop3A_192 : i32 to index
        %parallel_loop3A_248 = arith.constant 80 : index
        %parallel_loop3A_249 = tpu.vector_load %arg14[%parallel_loop3A_247, %parallel_loop3A_248] {strides = array<i32>} : memref<128x128xf32, #tpu.memory_space<vmem>>, vector<16xf32>,
        %parallel_loop3A_250 = arith.addf %parallel_loop3A_246, %parallel_loop3A_249 : vector<16xf32>
        %parallel_loop3A_251 = arith.index_cast %parallel_loop3A_192 : i32 to index
        %parallel_loop3A_252 = arith.constant 96 : index
        %parallel_loop3A_253 = tpu.vector_load %arg13[%parallel_loop3A_251, %parallel_loop3A_252] {strides = array<i32>} : memref<128x128xf32, #tpu.memory_space<vmem>>, vector<16xf32>,
        %parallel_loop3A_254 = arith.index_cast %parallel_loop3A_192 : i32 to index
        %parallel_loop3A_255 = arith.constant 96 : index
        %parallel_loop3A_256 = tpu.vector_load %arg14[%parallel_loop3A_254, %parallel_loop3A_255] {strides = array<i32>} : memref<128x128xf32, #tpu.memory_space<vmem>>, vector<16xf32>,
        %parallel_loop3A_257 = arith.addf %parallel_loop3A_253, %parallel_loop3A_256 : vector<16xf32>
        %parallel_loop3A_258 = arith.index_cast %parallel_loop3A_192 : i32 to index
        %parallel_loop3A_259 = arith.constant 112 : index
        %parallel_loop3A_260 = tpu.vector_load %arg13[%parallel_loop3A_258, %parallel_loop3A_259] {strides = array<i32>} : memref<128x128xf32, #tpu.memory_space<vmem>>, vector<16xf32>,
        %parallel_loop3A_261 = arith.index_cast %parallel_loop3A_192 : i32 to index
        %parallel_loop3A_262 = arith.constant 112 : index
        %parallel_loop3A_263 = tpu.vector_load %arg14[%parallel_loop3A_261, %parallel_loop3A_262] {strides = array<i32>} : memref<128x128xf32, #tpu.memory_space<vmem>>, vector<16xf32>,
        %parallel_loop3A_264 = arith.addf %parallel_loop3A_260, %parallel_loop3A_263 : vector<16xf32>
        %parallel_loop3A_265 = arith.mulf %parallel_loop3A_215, %parallel_loop3A_215 : vector<16xf32>
        %parallel_loop3A_266 = arith.addf %parallel_loop3A_215, %parallel_loop3A_222 : vector<16xf32>
        %parallel_loop3A_267 = arith.mulf %parallel_loop3A_222, %parallel_loop3A_222 : vector<16xf32>
        %parallel_loop3A_268 = arith.addf %parallel_loop3A_265, %parallel_loop3A_267 : vector<16xf32>
        %parallel_loop3A_269 = arith.addf %parallel_loop3A_266, %parallel_loop3A_229 : vector<16xf32>
        %parallel_loop3A_270 = arith.mulf %parallel_loop3A_229, %parallel_loop3A_229 : vector<16xf32>
        %parallel_loop3A_271 = arith.addf %parallel_loop3A_268, %parallel_loop3A_270 : vector<16xf32>
        %parallel_loop3A_272 = arith.addf %parallel_loop3A_269, %parallel_loop3A_236 : vector<16xf32>
        %parallel_loop3A_273 = arith.mulf %parallel_loop3A_236, %parallel_loop3A_236 : vector<16xf32>
        %parallel_loop3A_274 = arith.addf %parallel_loop3A_271, %parallel_loop3A_273 : vector<16xf32>
        %parallel_loop3A_275 = arith.addf %parallel_loop3A_272, %parallel_loop3A_243 : vector<16xf32>
        %parallel_loop3A_276 = arith.mulf %parallel_loop3A_243, %parallel_loop3A_243 : vector<16xf32>
        %parallel_loop3A_277 = arith.addf %parallel_loop3A_274, %parallel_loop3A_276 : vector<16xf32>
        %parallel_loop3A_278 = arith.addf %parallel_loop3A_275, %parallel_loop3A_250 : vector<16xf32>
        %parallel_loop3A_279 = arith.mulf %parallel_loop3A_250, %parallel_loop3A_250 : vector<16xf32>
        %parallel_loop3A_280 = arith.addf %parallel_loop3A_277, %parallel_loop3A_279 : vector<16xf32>
        %parallel_loop3A_281 = arith.addf %parallel_loop3A_278, %parallel_loop3A_257 : vector<16xf32>
        %parallel_loop3A_282 = arith.mulf %parallel_loop3A_257, %parallel_loop3A_257 : vector<16xf32>
        %parallel_loop3A_283 = arith.addf %parallel_loop3A_280, %parallel_loop3A_282 : vector<16xf32>
        %parallel_loop3A_284 = arith.addf %parallel_loop3A_281, %parallel_loop3A_264 : vector<16xf32>
        %parallel_loop3A_285 = arith.mulf %parallel_loop3A_264, %parallel_loop3A_264 : vector<16xf32>
        %parallel_loop3A_286 = arith.addf %parallel_loop3A_283, %parallel_loop3A_285 : vector<16xf32>
        %parallel_loop3A_287 = tpu.iota {dimensions = array<i32: 0>} : vector<16xi32>
        %parallel_loop3A_288 = arith.constant 8 : i32
        %parallel_loop3A_289 = vector.broadcast %parallel_loop3A_288 : i32 to vector<16xi32>
        %parallel_loop3A_290 = arith.xori %parallel_loop3A_287, %parallel_loop3A_289 : vector<16xi32>
        %parallel_loop3A_291 = arith.constant 0 : i32
        %parallel_loop3A_292 = vector.broadcast %parallel_loop3A_291 : i32 to vector<16xi32>
        %parallel_loop3A_293 = arith.cmpi slt, %parallel_loop3A_290, %parallel_loop3A_292 : vector<16xi32>
        %parallel_loop3A_294 = arith.constant 16 : i32
        %parallel_loop3A_295 = vector.broadcast %parallel_loop3A_294 : i32 to vector<16xi32>
        %parallel_loop3A_296 = arith.addi %parallel_loop3A_290, %parallel_loop3A_295 : vector<16xi32>
        %parallel_loop3A_297 = arith.select %parallel_loop3A_293, %parallel_loop3A_296, %parallel_loop3A_290 : vector<16xi1>, vector<16xi32>
        %parallel_loop3A_298 = vector.shape_cast %parallel_loop3A_297 : vector<16xi32> to vector<16x1xi32>
        %parallel_loop3A_299 = vector.shape_cast %parallel_loop3A_298 : vector<16x1xi32> to vector<16xi32>
        %parallel_loop3A_300 = tpu.dynamic_gather %parallel_loop3A_284[%parallel_loop3A_299] in [0] : vector<16xf32>, vector<16xi32> -> vector<16xf32>
        %parallel_loop3A_301 = arith.addf %parallel_loop3A_284, %parallel_loop3A_300 : vector<16xf32>
        %parallel_loop3A_302 = arith.constant 4 : i32
        %parallel_loop3A_303 = vector.broadcast %parallel_loop3A_302 : i32 to vector<16xi32>
        %parallel_loop3A_304 = arith.xori %parallel_loop3A_287, %parallel_loop3A_303 : vector<16xi32>
        %parallel_loop3A_305 = arith.constant 0 : i32
        %parallel_loop3A_306 = vector.broadcast %parallel_loop3A_305 : i32 to vector<16xi32>
        %parallel_loop3A_307 = arith.cmpi slt, %parallel_loop3A_304, %parallel_loop3A_306 : vector<16xi32>
        %parallel_loop3A_308 = arith.constant 16 : i32
        %parallel_loop3A_309 = vector.broadcast %parallel_loop3A_308 : i32 to vector<16xi32>
        %parallel_loop3A_310 = arith.addi %parallel_loop3A_304, %parallel_loop3A_309 : vector<16xi32>
        %parallel_loop3A_311 = arith.select %parallel_loop3A_307, %parallel_loop3A_310, %parallel_loop3A_304 : vector<16xi1>, vector<16xi32>
        %parallel_loop3A_312 = vector.shape_cast %parallel_loop3A_311 : vector<16xi32> to vector<16x1xi32>
        %parallel_loop3A_313 = vector.shape_cast %parallel_loop3A_312 : vector<16x1xi32> to vector<16xi32>
        %parallel_loop3A_314 = tpu.dynamic_gather %parallel_loop3A_301[%parallel_loop3A_313] in [0] : vector<16xf32>, vector<16xi32> -> vector<16xf32>
        %parallel_loop3A_315 = arith.addf %parallel_loop3A_301, %parallel_loop3A_314 : vector<16xf32>
        %parallel_loop3A_316 = arith.constant 2 : i32
        %parallel_loop3A_317 = vector.broadcast %parallel_loop3A_316 : i32 to vector<16xi32>
        %parallel_loop3A_318 = arith.xori %parallel_loop3A_287, %parallel_loop3A_317 : vector<16xi32>
        %parallel_loop3A_319 = arith.constant 0 : i32
        %parallel_loop3A_320 = vector.broadcast %parallel_loop3A_319 : i32 to vector<16xi32>
        %parallel_loop3A_321 = arith.cmpi slt, %parallel_loop3A_318, %parallel_loop3A_320 : vector<16xi32>
        %parallel_loop3A_322 = arith.constant 16 : i32
        %parallel_loop3A_323 = vector.broadcast %parallel_loop3A_322 : i32 to vector<16xi32>
        %parallel_loop3A_324 = arith.addi %parallel_loop3A_318, %parallel_loop3A_323 : vector<16xi32>
        %parallel_loop3A_325 = arith.select %parallel_loop3A_321, %parallel_loop3A_324, %parallel_loop3A_318 : vector<16xi1>, vector<16xi32>
        %parallel_loop3A_326 = vector.shape_cast %parallel_loop3A_325 : vector<16xi32> to vector<16x1xi32>
        %parallel_loop3A_327 = vector.shape_cast %parallel_loop3A_326 : vector<16x1xi32> to vector<16xi32>
        %parallel_loop3A_328 = tpu.dynamic_gather %parallel_loop3A_315[%parallel_loop3A_327] in [0] : vector<16xf32>, vector<16xi32> -> vector<16xf32>
        %parallel_loop3A_329 = arith.addf %parallel_loop3A_315, %parallel_loop3A_328 : vector<16xf32>
        %parallel_loop3A_330 = arith.constant 1 : i32
        %parallel_loop3A_331 = vector.broadcast %parallel_loop3A_330 : i32 to vector<16xi32>
        %parallel_loop3A_332 = arith.xori %parallel_loop3A_287, %parallel_loop3A_331 : vector<16xi32>
        %parallel_loop3A_333 = arith.constant 0 : i32
        %parallel_loop3A_334 = vector.broadcast %parallel_loop3A_333 : i32 to vector<16xi32>
        %parallel_loop3A_335 = arith.cmpi slt, %parallel_loop3A_332, %parallel_loop3A_334 : vector<16xi32>
        %parallel_loop3A_336 = arith.constant 16 : i32
        %parallel_loop3A_337 = vector.broadcast %parallel_loop3A_336 : i32 to vector<16xi32>
        %parallel_loop3A_338 = arith.addi %parallel_loop3A_332, %parallel_loop3A_337 : vector<16xi32>
        %parallel_loop3A_339 = arith.select %parallel_loop3A_335, %parallel_loop3A_338, %parallel_loop3A_332 : vector<16xi1>, vector<16xi32>
        %parallel_loop3A_340 = vector.shape_cast %parallel_loop3A_339 : vector<16xi32> to vector<16x1xi32>
        %parallel_loop3A_341 = vector.shape_cast %parallel_loop3A_340 : vector<16x1xi32> to vector<16xi32>
        %parallel_loop3A_342 = tpu.dynamic_gather %parallel_loop3A_329[%parallel_loop3A_341] in [0] : vector<16xf32>, vector<16xi32> -> vector<16xf32>
        %parallel_loop3A_343 = arith.addf %parallel_loop3A_329, %parallel_loop3A_342 : vector<16xf32>
        %parallel_loop3A_344 = arith.constant 7.812500e-03 : f32
        %parallel_loop3A_345 = vector.broadcast %parallel_loop3A_344 : f32 to vector<16xf32>
        %parallel_loop3A_346 = arith.mulf %parallel_loop3A_343, %parallel_loop3A_345 : vector<16xf32>
        %parallel_loop3A_347 = tpu.iota {dimensions = array<i32: 0>} : vector<16xi32>
        %parallel_loop3A_348 = arith.constant 8 : i32
        %parallel_loop3A_349 = vector.broadcast %parallel_loop3A_348 : i32 to vector<16xi32>
        %parallel_loop3A_350 = arith.xori %parallel_loop3A_347, %parallel_loop3A_349 : vector<16xi32>
        %parallel_loop3A_351 = arith.constant 0 : i32
        %parallel_loop3A_352 = vector.broadcast %parallel_loop3A_351 : i32 to vector<16xi32>
        %parallel_loop3A_353 = arith.cmpi slt, %parallel_loop3A_350, %parallel_loop3A_352 : vector<16xi32>
        %parallel_loop3A_354 = arith.constant 16 : i32
        %parallel_loop3A_355 = vector.broadcast %parallel_loop3A_354 : i32 to vector<16xi32>
        %parallel_loop3A_356 = arith.addi %parallel_loop3A_350, %parallel_loop3A_355 : vector<16xi32>
        %parallel_loop3A_357 = arith.select %parallel_loop3A_353, %parallel_loop3A_356, %parallel_loop3A_350 : vector<16xi1>, vector<16xi32>
        %parallel_loop3A_358 = vector.shape_cast %parallel_loop3A_357 : vector<16xi32> to vector<16x1xi32>
        %parallel_loop3A_359 = vector.shape_cast %parallel_loop3A_358 : vector<16x1xi32> to vector<16xi32>
        %parallel_loop3A_360 = tpu.dynamic_gather %parallel_loop3A_286[%parallel_loop3A_359] in [0] : vector<16xf32>, vector<16xi32> -> vector<16xf32>
        %parallel_loop3A_361 = arith.addf %parallel_loop3A_286, %parallel_loop3A_360 : vector<16xf32>
        %parallel_loop3A_362 = arith.constant 4 : i32
        %parallel_loop3A_363 = vector.broadcast %parallel_loop3A_362 : i32 to vector<16xi32>
        %parallel_loop3A_364 = arith.xori %parallel_loop3A_347, %parallel_loop3A_363 : vector<16xi32>
        %parallel_loop3A_365 = arith.constant 0 : i32
        %parallel_loop3A_366 = vector.broadcast %parallel_loop3A_365 : i32 to vector<16xi32>
        %parallel_loop3A_367 = arith.cmpi slt, %parallel_loop3A_364, %parallel_loop3A_366 : vector<16xi32>
        %parallel_loop3A_368 = arith.constant 16 : i32
        %parallel_loop3A_369 = vector.broadcast %parallel_loop3A_368 : i32 to vector<16xi32>
        %parallel_loop3A_370 = arith.addi %parallel_loop3A_364, %parallel_loop3A_369 : vector<16xi32>
        %parallel_loop3A_371 = arith.select %parallel_loop3A_367, %parallel_loop3A_370, %parallel_loop3A_364 : vector<16xi1>, vector<16xi32>
        %parallel_loop3A_372 = vector.shape_cast %parallel_loop3A_371 : vector<16xi32> to vector<16x1xi32>
        %parallel_loop3A_373 = vector.shape_cast %parallel_loop3A_372 : vector<16x1xi32> to vector<16xi32>
        %parallel_loop3A_374 = tpu.dynamic_gather %parallel_loop3A_361[%parallel_loop3A_373] in [0] : vector<16xf32>, vector<16xi32> -> vector<16xf32>
        %parallel_loop3A_375 = arith.addf %parallel_loop3A_361, %parallel_loop3A_374 : vector<16xf32>
        %parallel_loop3A_376 = arith.constant 2 : i32
        %parallel_loop3A_377 = vector.broadcast %parallel_loop3A_376 : i32 to vector<16xi32>
        %parallel_loop3A_378 = arith.xori %parallel_loop3A_347, %parallel_loop3A_377 : vector<16xi32>
        %parallel_loop3A_379 = arith.constant 0 : i32
        %parallel_loop3A_380 = vector.broadcast %parallel_loop3A_379 : i32 to vector<16xi32>
        %parallel_loop3A_381 = arith.cmpi slt, %parallel_loop3A_378, %parallel_loop3A_380 : vector<16xi32>
        %parallel_loop3A_382 = arith.constant 16 : i32
        %parallel_loop3A_383 = vector.broadcast %parallel_loop3A_382 : i32 to vector<16xi32>
        %parallel_loop3A_384 = arith.addi %parallel_loop3A_378, %parallel_loop3A_383 : vector<16xi32>
        %parallel_loop3A_385 = arith.select %parallel_loop3A_381, %parallel_loop3A_384, %parallel_loop3A_378 : vector<16xi1>, vector<16xi32>
        %parallel_loop3A_386 = vector.shape_cast %parallel_loop3A_385 : vector<16xi32> to vector<16x1xi32>
        %parallel_loop3A_387 = vector.shape_cast %parallel_loop3A_386 : vector<16x1xi32> to vector<16xi32>
        %parallel_loop3A_388 = tpu.dynamic_gather %parallel_loop3A_375[%parallel_loop3A_387] in [0] : vector<16xf32>, vector<16xi32> -> vector<16xf32>
        %parallel_loop3A_389 = arith.addf %parallel_loop3A_375, %parallel_loop3A_388 : vector<16xf32>
        %parallel_loop3A_390 = arith.constant 1 : i32
        %parallel_loop3A_391 = vector.broadcast %parallel_loop3A_390 : i32 to vector<16xi32>
        %parallel_loop3A_392 = arith.xori %parallel_loop3A_347, %parallel_loop3A_391 : vector<16xi32>
        %parallel_loop3A_393 = arith.constant 0 : i32
        %parallel_loop3A_394 = vector.broadcast %parallel_loop3A_393 : i32 to vector<16xi32>
        %parallel_loop3A_395 = arith.cmpi slt, %parallel_loop3A_392, %parallel_loop3A_394 : vector<16xi32>
        %parallel_loop3A_396 = arith.constant 16 : i32
        %parallel_loop3A_397 = vector.broadcast %parallel_loop3A_396 : i32 to vector<16xi32>
        %parallel_loop3A_398 = arith.addi %parallel_loop3A_392, %parallel_loop3A_397 : vector<16xi32>
        %parallel_loop3A_399 = arith.select %parallel_loop3A_395, %parallel_loop3A_398, %parallel_loop3A_392 : vector<16xi1>, vector<16xi32>
        %parallel_loop3A_400 = vector.shape_cast %parallel_loop3A_399 : vector<16xi32> to vector<16x1xi32>
        %parallel_loop3A_401 = vector.shape_cast %parallel_loop3A_400 : vector<16x1xi32> to vector<16xi32>
        %parallel_loop3A_402 = tpu.dynamic_gather %parallel_loop3A_389[%parallel_loop3A_401] in [0] : vector<16xf32>, vector<16xi32> -> vector<16xf32>
        %parallel_loop3A_403 = arith.addf %parallel_loop3A_389, %parallel_loop3A_402 : vector<16xf32>
        %parallel_loop3A_404 = arith.constant 7.812500e-03 : f32
        %parallel_loop3A_405 = vector.broadcast %parallel_loop3A_404 : f32 to vector<16xf32>
        %parallel_loop3A_406 = arith.mulf %parallel_loop3A_403, %parallel_loop3A_405 : vector<16xf32>
        %parallel_loop3A_407 = arith.mulf %parallel_loop3A_346, %parallel_loop3A_346 : vector<16xf32>
        %parallel_loop3A_408 = arith.subf %parallel_loop3A_406, %parallel_loop3A_407 : vector<16xf32>
        %parallel_loop3A_409 = arith.constant 9.99999974E-6 : f32
        %parallel_loop3A_410 = vector.broadcast %parallel_loop3A_409 : f32 to vector<16xf32>
        %parallel_loop3A_411 = arith.addf %parallel_loop3A_408, %parallel_loop3A_410 : vector<16xf32>
        %parallel_loop3A_412 = vector.bitcast %parallel_loop3A_411 : vector<16xf32> to vector<16xi32>
        %parallel_loop3A_413 = arith.constant 1 : i32
        %parallel_loop3A_414 = vector.broadcast %parallel_loop3A_413 : i32 to vector<16xi32>
        %parallel_loop3A_415 = arith.shrsi %parallel_loop3A_412, %parallel_loop3A_414 : vector<16xi32>
        %parallel_loop3A_416 = arith.constant 1597463007 : i32
        %parallel_loop3A_417 = vector.broadcast %parallel_loop3A_416 : i32 to vector<16xi32>
        %parallel_loop3A_418 = arith.subi %parallel_loop3A_417, %parallel_loop3A_415 : vector<16xi32>
        %parallel_loop3A_419 = vector.bitcast %parallel_loop3A_418 : vector<16xi32> to vector<16xf32>
        %parallel_loop3A_420 = arith.constant 5.000000e-01 : f32
        %parallel_loop3A_421 = vector.broadcast %parallel_loop3A_420 : f32 to vector<16xf32>
        %parallel_loop3A_422 = arith.mulf %parallel_loop3A_421, %parallel_loop3A_411 : vector<16xf32>
        %parallel_loop3A_423 = arith.mulf %parallel_loop3A_422, %parallel_loop3A_419 : vector<16xf32>
        %parallel_loop3A_424 = arith.mulf %parallel_loop3A_423, %parallel_loop3A_419 : vector<16xf32>
        %parallel_loop3A_425 = arith.constant 1.500000e+00 : f32
        %parallel_loop3A_426 = vector.broadcast %parallel_loop3A_425 : f32 to vector<16xf32>
        %parallel_loop3A_427 = arith.subf %parallel_loop3A_426, %parallel_loop3A_424 : vector<16xf32>
        %parallel_loop3A_428 = arith.mulf %parallel_loop3A_419, %parallel_loop3A_427 : vector<16xf32>
        %parallel_loop3A_429 = arith.constant 5.000000e-01 : f32
        %parallel_loop3A_430 = vector.broadcast %parallel_loop3A_429 : f32 to vector<16xf32>
        %parallel_loop3A_431 = arith.mulf %parallel_loop3A_430, %parallel_loop3A_411 : vector<16xf32>
        %parallel_loop3A_432 = arith.mulf %parallel_loop3A_431, %parallel_loop3A_428 : vector<16xf32>
        %parallel_loop3A_433 = arith.mulf %parallel_loop3A_432, %parallel_loop3A_428 : vector<16xf32>
        %parallel_loop3A_434 = arith.constant 1.500000e+00 : f32
        %parallel_loop3A_435 = vector.broadcast %parallel_loop3A_434 : f32 to vector<16xf32>
        %parallel_loop3A_436 = arith.subf %parallel_loop3A_435, %parallel_loop3A_433 : vector<16xf32>
        %parallel_loop3A_437 = arith.mulf %parallel_loop3A_428, %parallel_loop3A_436 : vector<16xf32>
        %parallel_loop3A_438 = arith.subf %parallel_loop3A_215, %parallel_loop3A_346 : vector<16xf32>
        %parallel_loop3A_439 = arith.mulf %parallel_loop3A_438, %parallel_loop3A_437 : vector<16xf32>
        %parallel_loop3A_440 = arith.mulf %parallel_loop3A_439, %parallel_loop3A_193 : vector<16xf32>
        %parallel_loop3A_441 = arith.addf %parallel_loop3A_440, %parallel_loop3A_201 : vector<16xf32>
        %parallel_loop3A_442 = arith.index_cast %parallel_loop3A_192 : i32 to index
        %parallel_loop3A_443 = arith.constant 0 : index
        %parallel_loop3A_444 = tpu.vector_load %arg16[%parallel_loop3A_442, %parallel_loop3A_443] {strides = array<i32>} : memref<128x128xf32, #tpu.memory_space<vmem>>, vector<16xf32>,
        tpu.vector_store %arg16[%parallel_loop3A_442, %parallel_loop3A_443], %parallel_loop3A_441 {strides = array<i32>} : memref<128x128xf32, #tpu.memory_space<vmem>>, vector<16xf32>,
        %parallel_loop3A_445 = arith.subf %parallel_loop3A_222, %parallel_loop3A_346 : vector<16xf32>
        %parallel_loop3A_446 = arith.mulf %parallel_loop3A_445, %parallel_loop3A_437 : vector<16xf32>
        %parallel_loop3A_447 = arith.mulf %parallel_loop3A_446, %parallel_loop3A_194 : vector<16xf32>
        %parallel_loop3A_448 = arith.addf %parallel_loop3A_447, %parallel_loop3A_202 : vector<16xf32>
        %parallel_loop3A_449 = arith.index_cast %parallel_loop3A_192 : i32 to index
        %parallel_loop3A_450 = arith.constant 16 : index
        %parallel_loop3A_451 = tpu.vector_load %arg16[%parallel_loop3A_449, %parallel_loop3A_450] {strides = array<i32>} : memref<128x128xf32, #tpu.memory_space<vmem>>, vector<16xf32>,
        tpu.vector_store %arg16[%parallel_loop3A_449, %parallel_loop3A_450], %parallel_loop3A_448 {strides = array<i32>} : memref<128x128xf32, #tpu.memory_space<vmem>>, vector<16xf32>,
        %parallel_loop3A_452 = arith.subf %parallel_loop3A_229, %parallel_loop3A_346 : vector<16xf32>
        %parallel_loop3A_453 = arith.mulf %parallel_loop3A_452, %parallel_loop3A_437 : vector<16xf32>
        %parallel_loop3A_454 = arith.mulf %parallel_loop3A_453, %parallel_loop3A_195 : vector<16xf32>
        %parallel_loop3A_455 = arith.addf %parallel_loop3A_454, %parallel_loop3A_203 : vector<16xf32>
        %parallel_loop3A_456 = arith.index_cast %parallel_loop3A_192 : i32 to index
        %parallel_loop3A_457 = arith.constant 32 : index
        %parallel_loop3A_458 = tpu.vector_load %arg16[%parallel_loop3A_456, %parallel_loop3A_457] {strides = array<i32>} : memref<128x128xf32, #tpu.memory_space<vmem>>, vector<16xf32>,
        tpu.vector_store %arg16[%parallel_loop3A_456, %parallel_loop3A_457], %parallel_loop3A_455 {strides = array<i32>} : memref<128x128xf32, #tpu.memory_space<vmem>>, vector<16xf32>,
        %parallel_loop3A_459 = arith.subf %parallel_loop3A_236, %parallel_loop3A_346 : vector<16xf32>
        %parallel_loop3A_460 = arith.mulf %parallel_loop3A_459, %parallel_loop3A_437 : vector<16xf32>
        %parallel_loop3A_461 = arith.mulf %parallel_loop3A_460, %parallel_loop3A_196 : vector<16xf32>
        %parallel_loop3A_462 = arith.addf %parallel_loop3A_461, %parallel_loop3A_204 : vector<16xf32>
        %parallel_loop3A_463 = arith.index_cast %parallel_loop3A_192 : i32 to index
        %parallel_loop3A_464 = arith.constant 48 : index
        %parallel_loop3A_465 = tpu.vector_load %arg16[%parallel_loop3A_463, %parallel_loop3A_464] {strides = array<i32>} : memref<128x128xf32, #tpu.memory_space<vmem>>, vector<16xf32>,
        tpu.vector_store %arg16[%parallel_loop3A_463, %parallel_loop3A_464], %parallel_loop3A_462 {strides = array<i32>} : memref<128x128xf32, #tpu.memory_space<vmem>>, vector<16xf32>,
        %parallel_loop3A_466 = arith.subf %parallel_loop3A_243, %parallel_loop3A_346 : vector<16xf32>
        %parallel_loop3A_467 = arith.mulf %parallel_loop3A_466, %parallel_loop3A_437 : vector<16xf32>
        %parallel_loop3A_468 = arith.mulf %parallel_loop3A_467, %parallel_loop3A_197 : vector<16xf32>
        %parallel_loop3A_469 = arith.addf %parallel_loop3A_468, %parallel_loop3A_205 : vector<16xf32>
        %parallel_loop3A_470 = arith.index_cast %parallel_loop3A_192 : i32 to index
        %parallel_loop3A_471 = arith.constant 64 : index
        %parallel_loop3A_472 = tpu.vector_load %arg16[%parallel_loop3A_470, %parallel_loop3A_471] {strides = array<i32>} : memref<128x128xf32, #tpu.memory_space<vmem>>, vector<16xf32>,
        tpu.vector_store %arg16[%parallel_loop3A_470, %parallel_loop3A_471], %parallel_loop3A_469 {strides = array<i32>} : memref<128x128xf32, #tpu.memory_space<vmem>>, vector<16xf32>,
        %parallel_loop3A_473 = arith.subf %parallel_loop3A_250, %parallel_loop3A_346 : vector<16xf32>
        %parallel_loop3A_474 = arith.mulf %parallel_loop3A_473, %parallel_loop3A_437 : vector<16xf32>
        %parallel_loop3A_475 = arith.mulf %parallel_loop3A_474, %parallel_loop3A_198 : vector<16xf32>
        %parallel_loop3A_476 = arith.addf %parallel_loop3A_475, %parallel_loop3A_206 : vector<16xf32>
        %parallel_loop3A_477 = arith.index_cast %parallel_loop3A_192 : i32 to index
        %parallel_loop3A_478 = arith.constant 80 : index
        %parallel_loop3A_479 = tpu.vector_load %arg16[%parallel_loop3A_477, %parallel_loop3A_478] {strides = array<i32>} : memref<128x128xf32, #tpu.memory_space<vmem>>, vector<16xf32>,
        tpu.vector_store %arg16[%parallel_loop3A_477, %parallel_loop3A_478], %parallel_loop3A_476 {strides = array<i32>} : memref<128x128xf32, #tpu.memory_space<vmem>>, vector<16xf32>,
        %parallel_loop3A_480 = arith.subf %parallel_loop3A_257, %parallel_loop3A_346 : vector<16xf32>
        %parallel_loop3A_481 = arith.mulf %parallel_loop3A_480, %parallel_loop3A_437 : vector<16xf32>
        %parallel_loop3A_482 = arith.mulf %parallel_loop3A_481, %parallel_loop3A_199 : vector<16xf32>
        %parallel_loop3A_483 = arith.addf %parallel_loop3A_482, %parallel_loop3A_207 : vector<16xf32>
        %parallel_loop3A_484 = arith.index_cast %parallel_loop3A_192 : i32 to index
        %parallel_loop3A_485 = arith.constant 96 : index
        %parallel_loop3A_486 = tpu.vector_load %arg16[%parallel_loop3A_484, %parallel_loop3A_485] {strides = array<i32>} : memref<128x128xf32, #tpu.memory_space<vmem>>, vector<16xf32>,
        tpu.vector_store %arg16[%parallel_loop3A_484, %parallel_loop3A_485], %parallel_loop3A_483 {strides = array<i32>} : memref<128x128xf32, #tpu.memory_space<vmem>>, vector<16xf32>,
        %parallel_loop3A_487 = arith.subf %parallel_loop3A_264, %parallel_loop3A_346 : vector<16xf32>
        %parallel_loop3A_488 = arith.mulf %parallel_loop3A_487, %parallel_loop3A_437 : vector<16xf32>
        %parallel_loop3A_489 = arith.mulf %parallel_loop3A_488, %parallel_loop3A_200 : vector<16xf32>
        %parallel_loop3A_490 = arith.addf %parallel_loop3A_489, %parallel_loop3A_208 : vector<16xf32>
        %parallel_loop3A_491 = arith.index_cast %parallel_loop3A_192 : i32 to index
        %parallel_loop3A_492 = arith.constant 112 : index
        %parallel_loop3A_493 = tpu.vector_load %arg16[%parallel_loop3A_491, %parallel_loop3A_492] {strides = array<i32>} : memref<128x128xf32, #tpu.memory_space<vmem>>, vector<16xf32>,
        tpu.vector_store %arg16[%parallel_loop3A_491, %parallel_loop3A_492], %parallel_loop3A_490 {strides = array<i32>} : memref<128x128xf32, #tpu.memory_space<vmem>>, vector<16xf32>,
        scf.yield %parallel_loop3A_193, %parallel_loop3A_194, %parallel_loop3A_195, %parallel_loop3A_196, %parallel_loop3A_197, %parallel_loop3A_198, %parallel_loop3A_199, %parallel_loop3A_200, %parallel_loop3A_201, %parallel_loop3A_202, %parallel_loop3A_203, %parallel_loop3A_204, %parallel_loop3A_205, %parallel_loop3A_206, %parallel_loop3A_207, %parallel_loop3A_208 : vector<16xf32>, vector<16xf32>, vector<16xf32>, vector<16xf32>, vector<16xf32>, vector<16xf32>, vector<16xf32>, vector<16xf32>, vector<16xf32>, vector<16xf32>, vector<16xf32>, vector<16xf32>, vector<16xf32>, vector<16xf32>, vector<16xf32>, vector<16xf32>
      } {sc.loop_unroll_factor = 4 : i64, sc.parallel_access}
      %mul3A_179 = arith.constant 2 : i32
      %mul3A_180 = arith.muli %mul3A_179, %scan3A_90 : i32
      %add3A_181 = arith.constant 1 : i32
      %add3A_182 = arith.addi %mul3A_180, %add3A_181 : i32
      %mul3A_183 = arith.constant 2048 : i32
      %mul3A_184 = arith.muli %add3A, %mul3A_183 : i32
      %mul3A_185 = arith.constant 128 : i32
      %mul3A_186 = arith.muli %add3A_182, %mul3A_185 : i32
      %add3A_187 = arith.addi %mul3A_184, %mul3A_186 : i32
      %dma_start3A_188 = arith.constant 0 : i32
      %dma_start3A_189 = tpu.memref_slice %arg8[%add3A_187, %dma_start3A_188] : memref<65536x128xf32, #tpu.memory_space<hbm>> -> memref<128x128xf32, #tpu.memory_space<hbm>>
      %dma_start3A_190 = arith.constant 0 : i32
      %dma_start3A_191 = tpu.memref_slice %arg8[%add3A_187, %dma_start3A_190] : memref<65536x128xf32, #tpu.memory_space<hbm>> -> memref<128x128xf32, #tpu.memory_space<hbm>>
      tpu.enqueue_dma source(%arg16 : memref<128x128xf32, #tpu.memory_space<vmem>>) target(%dma_start3A_191 : memref<128x128xf32, #tpu.memory_space<hbm>>) target_semaphore(%arg26 : memref<!tpu.dma_semaphore, #tpu.memory_space<semaphore_mem>>)
      scf.yield %parallel_loop3A_178#0, %parallel_loop3A_178#1, %parallel_loop3A_178#2, %parallel_loop3A_178#3, %parallel_loop3A_178#4, %parallel_loop3A_178#5, %parallel_loop3A_178#6, %parallel_loop3A_178#7, %parallel_loop3A_178#8, %parallel_loop3A_178#9, %parallel_loop3A_178#10, %parallel_loop3A_178#11, %parallel_loop3A_178#12, %parallel_loop3A_178#13, %parallel_loop3A_178#14, %parallel_loop3A_178#15 : vector<16xf32>, vector<16xf32>, vector<16xf32>, vector<16xf32>, vector<16xf32>, vector<16xf32>, vector<16xf32>, vector<16xf32>, vector<16xf32>, vector<16xf32>, vector<16xf32>, vector<16xf32>, vector<16xf32>, vector<16xf32>, vector<16xf32>, vector<16xf32>
    }
    %scan3A_78 = arith.constant 8 : i32
    %dma_wait3A = arith.constant 0 : i32
    %dma_wait3A_79 = arith.constant 0 : i32
    %dma_wait3A_80 = tpu.memref_slice %arg8[%dma_wait3A, %dma_wait3A_79] : memref<65536x128xf32, #tpu.memory_space<hbm>> -> memref<128x128xf32, #tpu.memory_space<hbm>>
    %dma_wait3A_81 = arith.constant 0 : i32
    %dma_wait3A_82 = arith.constant 0 : i32
    %dma_wait3A_83 = tpu.memref_slice %arg8[%dma_wait3A_81, %dma_wait3A_82] : memref<65536x128xf32, #tpu.memory_space<hbm>> -> memref<128x128xf32, #tpu.memory_space<hbm>>
    tpu.wait_dma2 semaphore(%arg25 : memref<!tpu.dma_semaphore, #tpu.memory_space<semaphore_mem>>) src(%arg15 : memref<128x128xf32, #tpu.memory_space<vmem>>) dst(%dma_wait3A_83 : memref<128x128xf32, #tpu.memory_space<hbm>>)
    %dma_wait3A_84 = arith.constant 0 : i32
    %dma_wait3A_85 = arith.constant 0 : i32
    %dma_wait3A_86 = tpu.memref_slice %arg8[%dma_wait3A_84, %dma_wait3A_85] : memref<65536x128xf32, #tpu.memory_space<hbm>> -> memref<128x128xf32, #tpu.memory_space<hbm>>
    %dma_wait3A_87 = arith.constant 0 : i32
    %dma_wait3A_88 = arith.constant 0 : i32
    %dma_wait3A_89 = tpu.memref_slice %arg8[%dma_wait3A_87, %dma_wait3A_88] : memref<65536x128xf32, #tpu.memory_space<hbm>> -> memref<128x128xf32, #tpu.memory_space<hbm>>
    tpu.wait_dma2 semaphore(%arg26 : memref<!tpu.dma_semaphore, #tpu.memory_space<semaphore_mem>>) src(%arg16 : memref<128x128xf32, #tpu.memory_space<vmem>>) dst(%dma_wait3A_89 : memref<128x128xf32, #tpu.memory_space<hbm>>)
    return
  }
}

</mosaic_0001>

<sc_bundles>
// kernel: kernel.3.cloned.1.call-start
scs
__scs_entry_jumppad:
0x0: {  	(pc) =	sbr.rel $0x88, $3  }
0x1: {  	(tag) =	ssettag $0x0;
	lr =	simm.s32 $0x1  }
0x2: {  	[smem:$0x3F99] =	sst lr;
	_ =	strace $0xD0000000  }
0x3: {  	_ = 	snop  }
0x4: {  	_ = 	snop  }
0x5: {  	_ = 	snop  }
0x6: {  	_ = 	snop  }
0x7: {  	_ = 	snop  }
__scs_overlays_trampoline_lowered:
0x8: {  	[smem:$0x3FA8] =	sst s0  }
0x9: {  	[smem:$0x3FA9] =	sst s1  }
0xa: {  	[smem:$0x3FAA] =	sst s2  }
0xb: {  	[smem:$0x3FAB] =	sst s3  }
0xc: {  	[smem:$0x3FAC] =	sst s4  }
0xd: {  	[smem:$0x3FAD] =	sst s5  }
0xe: {  	[smem:$0x3FAE] =	sst s6  }
0xf: {  	[smem:$0x3FAF] =	sst s7  }
0x10: {  	[smem:$0x3FB0] =	sst s8  }
0x11: {  	[smem:$0x3FB1] =	sst s9;
	s0 =	simm.s32 @!p0 $0x0  }
0x12: {  	s1 =	sld [smem:$0x3F97];
	s0 =	simm.s32 @p0 $0x1  }
0x13: {  	[smem:$0x3FB2] =	sst s0;
	s0 =	simm.s32 @!p1 $0x0  }
0x14: {  	s2 =	sld [smem:$0x3F96];
	s0 =	simm.s32 @p1 $0x1  }
0x15: {  	[smem:$0x3FB3] =	sst s0;
	s0 =	simm.s32 @!p2 $0x0  }
0x16: {  	s3 =	sld [smem:$0x3FDB];
	s0 =	simm.s32 @p2 $0x1  }
0x17: {  	s4 =	simm.s32 $0x1BF5;
	[smem:$0x3FB5] =	sst s0  }
0x18: {  	s0 =	sld [smem:$0x3F98];
	_ =	swait.ge [sflag:s4], $0x0  }
0x19: {  	s7 =	sld [smem:$0x3F99]  }
0x1a: {  	s8 =	sadd.s32 $0xFFFFE003, lr  }
0x1b: {  	s9 =	sadd.s32 $0xFFFFFEF7, lr;
	s5 =	simm.s32 $0xFFFFFFFF;
	p2 =	slt.u32 s8, $0xFFFFF086  }
0x1c: {  	p1 =	slt.u32 s9, $0xF7A;
	s5 =	simm.s32 @!p2 $0x0  }
0x1d: {  	s5 =	simm.s32 @p1 $0x1;
	p0 =	seq.s32 s7, s2  }
0x1e: {  	s7 =	smul.u32 @!p0 $0xF7A, s2;
	p2 =	seq.s32 @!p0 s5, $0x0  }
0x1f: {  	s9 =	smul.u32 $0xF7A, s1;
	s8 =	simm.s32 @!p0 $0x1BF5;
	p2 =	por !p2, p0  }
0x20: {  	[sflag:s8] =	ssyncset.s32 @!p0 $0xFFFFF086;
	s6 =	sadd.s32 @!p0 s3, s7;
	s7 =	simm.s32 @!p0 $0x108  }
0x21: {  	s3 =	sadd.s32 s3, s9;
	s6 =	sadd.s32 @!p0 $0x88, s6;
	s7 =	simm.s32 @p2 $0x1082  }
0x22: {  	[simem:s7], [sflag:s8] =	dma.local @!p0 [hbm:s6], $0xF7A  }
0x23: {  	s9 =	sor.u32 $0xD0000000, s2;
	s6 =	simm.s32 $0x108;
	_ =	swait.ge @!p0 [sflag:s8], $0x0  }
0x24: {  	s3 =	sadd.s32 $0x88, s3;
	s6 =	simm.s32 @!p1 $0x1082;
	[sflag:s4] =	ssyncset.s32 $0xFFFFF086  }
0x25: {  	[simem:s6], [sflag:s4] =	dma.local [hbm:s3], $0xF7A  }
0x26: {  	[smem:$0x3F99] =	sst s1;
	(tag) =	ssettag s2;
	_ =	strace s9  }
0x27: {  	s1 =	sld [smem:$0x3FA9]  }
0x28: {  	s2 =	sld [smem:$0x3FAA]  }
0x29: {  	s4 =	sld [smem:$0x3FAC]  }
0x2a: {  	p0 =	seq.s32 s5, $0x0;
	s5 =	sld [smem:$0x3FAD]  }
0x2b: {  	s6 =	sld [smem:$0x3FAE]  }
0x2c: {  	s7 =	sld [smem:$0x3FAF]  }
0x2d: {  	s3 =	simm.s32 $0x108;
	s8 =	sld [smem:$0x3FB0]  }
0x2e: {  	s3 =	simm.s32 @!p0 $0x1082;
	s9 =	sld [smem:$0x3FB1]  }
0x2f: {  	lr =	sadd.s32 s0, s3;
	s0 =	sld [smem:$0x3FA8]  }
0x30: {  	s3 =	sld [smem:$0x3FAB]  }
0x31: {  	[smem:$0x3FB4] =	sst s10  }
0x32: {  	s10 =	sld [smem:$0x3FB2];
	_ =	sdelay $0x3  }
0x33: {  	p0 =	seq.s32 s10, $0x1;
	s10 =	sld [smem:$0x3FB4];
	_ =	sdelay $0x3  }
0x34: {  	[smem:$0x3FB4] =	sst s10  }
0x35: {  	s10 =	sld [smem:$0x3FB3];
	_ =	sdelay $0x3  }
0x36: {  	p1 =	seq.s32 s10, $0x1;
	s10 =	sld [smem:$0x3FB4];
	_ =	sdelay $0x3  }
0x37: {  	[smem:$0x3FB4] =	sst s10  }
0x38: {  	s10 =	sld [smem:$0x3FB5]  }
0x39: {  	_ = 	snop;
	(pc) =	sbr.ind lr, $3  }
0x3a: {  	_ = 	snop  }
0x3b: {  	_ = 	snop  }
0x3c: {  	p2 =	seq.s32 s10, $0x1;
	s10 =	sld [smem:$0x3FB4]  }
0x3d: {  	_ =	shalt  }
0x3e: {  	_ =	shalt  }
0x3f: {  	_ =	shalt  }
0x40: {  	_ =	shalt  }
0x41: {  	_ =	shalt  }
0x42: {  	_ =	shalt  }
0x43: {  	_ =	shalt  }
0x44: {  	_ =	shalt  }
0x45: {  	_ =	shalt  }
0x46: {  	_ =	shalt  }
0x47: {  	_ =	shalt  }
0x48: {  	_ =	shalt  }
0x49: {  	_ =	shalt  }
0x4a: {  	_ =	shalt  }
0x4b: {  	_ =	shalt  }
0x4c: {  	_ =	shalt  }
0x4d: {  	_ =	shalt  }
0x4e: {  	_ =	shalt  }
0x4f: {  	_ =	shalt  }
0x50: {  	_ =	shalt  }
0x51: {  	_ =	shalt  }
0x52: {  	_ =	shalt  }
0x53: {  	_ =	shalt  }
0x54: {  	_ =	shalt  }
0x55: {  	_ =	shalt  }
0x56: {  	_ =	shalt  }
0x57: {  	_ =	shalt  }
0x58: {  	_ =	shalt  }
0x59: {  	_ =	shalt  }
0x5a: {  	_ =	shalt  }
0x5b: {  	_ =	shalt  }
0x5c: {  	_ =	shalt  }
0x5d: {  	_ =	shalt  }
0x5e: {  	_ =	shalt  }
0x5f: {  	_ =	shalt  }
0x60: {  	_ =	shalt  }
0x61: {  	_ =	shalt  }
0x62: {  	_ =	shalt  }
0x63: {  	_ =	shalt  }
0x64: {  	_ =	shalt  }
0x65: {  	_ =	shalt  }
0x66: {  	_ =	shalt  }
0x67: {  	_ =	shalt  }
0x68: {  	_ =	shalt  }
0x69: {  	_ =	shalt  }
0x6a: {  	_ =	shalt  }
0x6b: {  	_ =	shalt  }
0x6c: {  	_ =	shalt  }
0x6d: {  	_ =	shalt  }
0x6e: {  	_ =	shalt  }
0x6f: {  	_ =	shalt  }
0x70: {  	_ =	shalt  }
0x71: {  	_ =	shalt  }
0x72: {  	_ =	shalt  }
0x73: {  	_ =	shalt  }
0x74: {  	_ =	shalt  }
0x75: {  	_ =	shalt  }
0x76: {  	_ =	shalt  }
0x77: {  	_ =	shalt  }
0x78: {  	_ =	shalt  }
0x79: {  	_ =	shalt  }
0x7a: {  	_ =	shalt  }
0x7b: {  	_ =	shalt  }
0x7c: {  	_ =	shalt  }
0x7d: {  	_ =	shalt  }
0x7e: {  	_ =	shalt  }
0x7f: {  	_ =	shalt  }
0x80: {  	_ =	shalt  }
0x81: {  	_ =	shalt  }
0x82: {  	_ =	shalt  }
0x83: {  	_ =	shalt  }
0x84: {  	_ =	shalt  }
0x85: {  	_ =	shalt  }
0x86: {  	_ =	shalt  }
0x87: {  	_ =	shalt  }
.Lfunc_end0:
.L_simem_size_0:
called_computation_lowered:
.L_overlay_start_0:
0x88: {  	s2 =	sld [smem:$0x3FD9]  }
0x89: {  	s3 =	sld [smem:$0x3FFE];
	_ =	sdelay $0x1  }
0x8a: {  	s1 =	srdreg.scid  }
0x8b: {  	s0 =	sand.u32 $0x1, s1  }
0x8c: {  	s17 =	sshll.u32 s0, $0xA;
	s2 =	sadd.s32 s3, s2  }
0x8d: {  	s2 =	sadd.s32 s2, s17  }
0x8e: {  	[smem:$0x3FC0] =	sst s2  }
0x8f: {  	_ = 	snop  }
0x90: {  	s2 =	sld [smem:$0x3FC6]  }
0x91: {  	s18 =	sld [smem:$0x3FC5]  }
0x92: {  	s4 =	sld [smem:$0x3FC4]  }
0x93: {  	s5 =	sld [smem:$0x3FC3]  }
0x94: {  	s6 =	sld [smem:$0x3FC2]  }
0x95: {  	s7 =	sld [smem:$0x3FD0];
	(tm) =	ssettm $0x1  }
0x96: {  	s8 =	sld [smem:$0x3FFB];
	_ =	sdelay $0x3  }
0x97: {  	_ =	strace s8  }
0x98: {  	s8 =	sld [smem:$0x3FFC];
	_ =	sdelay $0x3  }
0x99: {  	_ =	strace s8  }
0x9a: {  	s8 =	sld [smem:$0x3FFD];
	_ =	sdelay $0x3  }
0x9b: {  	_ =	strace s8  }
0x9c: {  	_ =	strace $0x8FFFFFFF  }
0x9d: {  	s19 =	sld [smem:$0x3FDB];
	_ =	sdelay $0x1  }
0x9e: {  	s9 =	simm.s32 $_scs_section_size  }
0x9f: {  	s10 =	simm.s32 $_size__tile_overlayer_lowered;
	s11 =	simm.s32 $_tile_overlayer_lowered  }
0xa0: {  	s22 =	simm.s32 $0x1BFF;
	s21 =	sshll.u32 s11, $0x1;
	s8 =	sadd.s32 s9, s19  }
0xa1: {  	s12 =	simm.s32 $0x0;
	s20 =	sshll.u32 s10, $0x1;
	s10 =	sadd.s32 s21, s8  }
0xa2: {  	[timem:s12], [sflag:s22] =	dma.local [hbm:s10], s20  }
0xa3: {  	_ =	swait.ge [sflag:s22], s20  }
0xa4: {  	s9 =	ssub.s32 $0x0, s20;
	[sflag:s22] =	ssyncset.done $0x0  }
0xa5: {  	[sflag:s22] =	ssyncadd.s32 s9;
	_ =	sdelay $0x1  }
0xa6: {  	s23 =	simm.s32 $0x1B8B  }
0xa7: {  	_ =	swait.ge [sflag:s23], $0x1  }
0xa8: {  	[sflag:s23] =	ssyncset.done $0x0  }
0xa9: {  	s25 =	simm.s32 $0x1B8E;
	s24 =	sld [smem:$0x3FFE];
	[sflag:s23] =	ssyncadd.s32 $0xFFFFFFFF  }
0xaa: {  	s26 =	simm.s32 $execute0_lowered;
	[smem:$0x3FD2] =	sst s25  }
0xab: {  	s10 =	sshll.u32 s26, $0x1;
	_ =	strace $0x80000046;
	[dreg:$0x1] =	wrdreg $0xFFFFFFFF  }
0xac: {  	s28 =	simm.s32 $_size_execute0_lowered;
	s8 =	sadd.s32 s8, s10;
	[dreg:$0x0] =	wrdreg $0x0  }
0xad: {  	s10 =	sshll.u32 s28, $0x1;
	[dreg:$0x2] =	wrdreg s8  }
0xae: {  	[dreg:$0x3] =	wrdreg s10  }
0xaf: {  	[dreg:$0x4] =	wrdreg $0xC0  }
0xb0: {  	_ =	task [dreg:s12], $0x5FFFF  }
0xb1: {  	[dreg:$0x1] =	wrdreg $0xFFFFFFFF  }
0xb2: {  	[dreg:$0x0] =	wrdreg $0x60  }
0xb3: {  	[dreg:$0x2] =	wrdreg s24  }
0xb4: {  	[dreg:$0x3] =	wrdreg s2  }
0xb5: {  	[dreg:$0x4] =	wrdreg s18  }
0xb6: {  	[dreg:$0x5] =	wrdreg s4  }
0xb7: {  	[dreg:$0x6] =	wrdreg s5  }
0xb8: {  	[dreg:$0x7] =	wrdreg s6  }
0xb9: {  	[dreg:$0x8] =	wrdreg s7  }
0xba: {  	[dreg:$0x9] =	wrdreg $0x1A8000  }
0xbb: {  	[dreg:$0xa] =	wrdreg $0x9  }
0xbc: {  	_ =	task.clear_ibuf [dreg:s12], $0xBFFFF;
	_ =	strace $0x90000046  }
0xbd: {  	s29 =	simm.s32 $0x9;
	_ =	strace $0x80000048  }
0xbe: {  	_ =	swait.ge [sflag:s29], $0x1  }
0xbf: {  	[sflag:s29] =	ssyncadd.s32 $0xFFFFFFFF  }
0xc0: {  	_ =	strace $0x90000048  }
0xc1: {  	_ =	sfence  }
0xc2: {  	s30 =	sld [smem:$0x0];
	_ =	sdelay $0x2  }
0xc3: {  	s31 =	sshll.u32 s1, $0xD;
	s1 =	sshrl.u32 s1, $0x2  }
0xc4: {  	s3 =	sand.u32 $0x4000, s31;
	s1 =	sadd.s32 s1, s30  }
0xc5: {  	s0 =	sor.u32 s3, s0;
	s1 =	sshll.u32 s1, $0x11  }
0xc6: {  	s0 =	sor.u32 s1, s0  }
0xc7: {  	s0 =	sadd.s32 $0x8F2B, s0  }
0xc8: {  	[sflag:s0] =	ssyncadd.remote.s32 $0x1  }
0xc9: {  	_ =	sfence.sel $0xFFFF  }
0xca: {  	[dreg:$0x0] =	wrdreg $0xFFFFFFFF;
	(pc) =	sbr.abs _section_cstart, $3  }
0xcb: {  	[dreg:$0x1] =	wrdreg $0xFFFFFFFF  }
0xcc: {  	_ =	task.clear_ibuf [dreg:s12], $0x2FFFF;
	_ =	strace $0x9FFFFFFF  }
0xcd: {  	(tm) =	ssettm $0x7FFFFFFF  }
tec
execute0_lowered:
.L_overlay_start_1:
0x0: {  	(tag) =	ssettag $0x1  }
0x1: {  	s1 =	rddreg [dreg:$0x0]  }
0x2: {  	s0 =	rddreg [dreg:$0x1]  }
0x3: {  	s2 =	rddreg [dreg:$0x2]  }
0x4: {  	s5 =	rddreg [dreg:$0x6]  }
0x5: {  	s6 =	rddreg [dreg:$0x7];
	v0 =	vimm.s32 $0xFEDCBA98  }
0x6: {  	s8 =	simm.s32 $0x0;
	s3 =	srdreg.scid;
	s11 =	stileid.u32;
	v1 =	vimm.s32 $0x76543210;
	v2 =	vimm.s32 $0xBA98FEDC;
	v3 =	vimm.s32 $0x32107654  }
0x7: {  	v4 =	vimm.s32 $0xDCFE98BA;
	v5 =	vimm.s32 $0x54761032;
	s13 =	simm.s32 $0x6800;
	s28 =	simm.s32 $0x3;
	s29 =	simm.s32 $0x12800  }
0x8: {  	v6 =	vimm.s32 $0xEFCDAB89;
	v7 =	vimm.s32 $0x67452301;
	s30 =	simm.s32 $0x2;
	s31 =	simm.s32 $0x4;
	[smem:$0x7FF] =	sst s8;
	v0 =	vunpack.c.l.s4.s8 v0  }
0x9: {  	s3 =	sand.u32 $0x1, s3;
	s4 =	sshll.u32 s11, $0xC;
	s10 =	sshrl.u32 s11, $0x3;
	v1 =	vunpack.c.l.s4.s8 v1;
	v2 =	vunpack.c.l.s4.s8 v2;
	v3 =	vunpack.c.l.s4.s8 v3  }
0xa: {  	s20 =	sshll.u32 s11, $0xD;
	v4 =	vunpack.c.l.s4.s8 v4;
	v5 =	vunpack.c.l.s4.s8 v5;
	v6 =	vunpack.c.l.s4.s8 v6;
	_ =	strace $0x80000047;
	s7 =	sshll.u32 s3, $0xB  }
0xb: {  	v7 =	vunpack.c.l.s4.s8 v7;
	s21 =	sshll.u32 s10, $0x10;
	s3 =	ssub.s32 $0x2, s3;
	s12 =	sshll.u32 s10, $0x7;
	v0 =	vunpack.c.0.s8.s32 v0;
	v2 =	vunpack.c.0.s8.s32 v2  }
0xc: {  	s24 =	sadd.s32 s20, s6;
	s9 =	sor.u32 s7, s4;
	s7 =	ssub.s32 s20, s21;
	v3 =	vunpack.c.0.s8.s32 v3;
	v4 =	vunpack.c.0.s8.s32 v4;
	v1 =	vunpack.c.0.s8.s32 v1  }
0xd: {  	s23 =	sshrl.u32 s3, $0x1;
	[dreg:$0xb] =	wrdreg s24;
	s21 =	simm.s32 $0x80;
	v5 =	vunpack.c.0.s8.s32 v5;
	v6 =	vunpack.c.0.s8.s32 v6;
	v0 =	vand.u32 $0xF, v0  }
0xe: {  	v7 =	vunpack.c.0.s8.s32 v7;
	s24 =	simm.s32 $0xA800;
	s4 =	simm.s32 $0x0;
	s22 =	sshrl.u32 s9, $0x1;
	v2 =	vcombine.low v3, v2;
	v1 =	vcombine.low v0, v1  }
0xf: {  	s7 =	sshrl.u32 s7, $0x3;
	s3 =	ssub.s32 s3, s23;
	s25 =	sshll.u32 s9, $0x4;
	v3 =	vcombine.low v5, v4  }
0x10: {  	s1 =	sadd.s32 s22, s1;
	s2 =	sadd.s32 s2, s7;
	s14 =	sadd.s32 s5, s25;
	v4 =	vcombine.low v7, v6;
	v2 =	vand.u32 $0xF, v2;
	[tilespmem:$0x1FFC0] =	vst v1  }
0x11: {  	s26 =	smax.u32 s3, $0x1;
	s5 =	simm.s32 $0x7;
	[dreg:$0x9] =	wrdreg s2;
	v3 =	vand.u32 $0xF, v3;
	[tilespmem:$0x1FFD0] =	vst v2  }
0x12: {  	s25 =	simm.s32 $0xE800;
	s1 =	sadd.s32 $0x400, s1;
	[dreg:$0xc] =	wrdreg s26;
	v15 =	vand.u32 $0xF, v4;
	[tilespmem:$0x1FFE0] =	vst v3  }
0x13: {  	s26 =	simm.s32 $0x1;
	[dreg:$0xa] =	wrdreg s1;
	s1 =	simm.s32 $0x16800;
	[tilespmem:$0x1FFF0] =	vst v15  }
.LBB2_1:
0x14: {  	[dreg:$0xd] =	wrdreg s4  }
0x15: {  	s2 =	rddreg [dreg:$0x4];
	s3 =	simm.s32 $0x1C900  }
0x16: {  	[tilespmem:s3], [sflag:$0x7] =	stream.linear.gather [hbm4b:s2+s8], $0x80, $0x38;
	[tilespmem:$0x1CA00] =	vst v63  }
0x17: {  	_ =	swait.ge [sflag:s5], $0x80  }
0x18: {  	[sflag:s5] =	ssyncset.done $0x0  }
0x19: {  	[sflag:s5] =	ssyncadd.s32 $0xFFFFFF80  }
0x1a: {  	s19 =	simm.s32 $0x1C980;
	s18 =	rddreg [dreg:$0x5]  }
0x1b: {  	[tilespmem:s19], [sflag:$0x7] =	stream.linear.gather [hbm4b:s18+s8], $0x80, $0x38;
	[tilespmem:$0x1CA00] =	vst v63  }
0x1c: {  	_ =	swait.ge [sflag:s5], $0x80  }
0x1d: {  	[sflag:s5] =	ssyncset.done $0x0  }
0x1e: {  	[sflag:s5] =	ssyncadd.s32 $0xFFFFFF80  }
0x1f: {  	s22 =	simm.s32 $0x1C800;
	s20 =	rddreg [dreg:$0x3]  }
0x20: {  	[tilespmem:s22], [sflag:$0x7] =	stream.linear.gather [hbm4b:s20+s8], $0x100, $0x38;
	[tilespmem:$0x1CA00] =	vst v63  }
0x21: {  	_ =	swait.ge [sflag:s5], $0x100  }
0x22: {  	[sflag:s5] =	ssyncset.done $0x0  }
0x23: {  	s23 =	rddreg [dreg:$0x9];
	[sflag:s5] =	ssyncadd.s32 $0xFFFFFF00  }
0x24: {  	[tilespmem:s13], [sflag:$0x7] =	stream.linear.gather [hbm4b:s23+s8], $0x2000, $0x38;
	[tilespmem:$0x1CA00] =	vst v63  }
0x25: {  	_ =	swait.ge [sflag:s5], $0x2000  }
0x26: {  	[sflag:s5] =	ssyncset.done $0x0  }
0x27: {  	s4 =	simm.s32 $0x6900;
	[sflag:s5] =	ssyncadd.s32 $0xFFFFE000  }
0x28: {  	v4 =	vld [tilespmem:s4+$0xFFFFFF00]  }
0x29: {  	v5 =	vld [tilespmem:s12+$0x1C800];
	_ =	sdelay $0x4  }
0x2a: {  	v4 =	vadd.f32 v5, v4;
	_ =	sdelay $0x1  }
0x2b: {  	[tilespmem:s4+$0xFFFFFF00] =	vst v4;
	v4 =	vld [tilespmem:s4+$0xFFFFFF10]  }
0x2c: {  	v5 =	vld [tilespmem:s12+$0x1C810];
	_ =	sdelay $0x4  }
0x2d: {  	v4 =	vadd.f32 v5, v4;
	_ =	sdelay $0x1  }
0x2e: {  	[tilespmem:s4+$0xFFFFFF10] =	vst v4;
	v4 =	vld [tilespmem:s4+$0xFFFFFF20]  }
0x2f: {  	v5 =	vld [tilespmem:s12+$0x1C820];
	_ =	sdelay $0x4  }
0x30: {  	v4 =	vadd.f32 v5, v4;
	_ =	sdelay $0x1  }
0x31: {  	[tilespmem:s4+$0xFFFFFF20] =	vst v4;
	v4 =	vld [tilespmem:s4+$0xFFFFFF30]  }
0x32: {  	v5 =	vld [tilespmem:s12+$0x1C830];
	_ =	sdelay $0x4  }
0x33: {  	v4 =	vadd.f32 v5, v4;
	_ =	sdelay $0x1  }
0x34: {  	[tilespmem:s4+$0xFFFFFF30] =	vst v4;
	v4 =	vld [tilespmem:s4+$0xFFFFFF40]  }
0x35: {  	v5 =	vld [tilespmem:s12+$0x1C840];
	_ =	sdelay $0x4  }
0x36: {  	v4 =	vadd.f32 v5, v4;
	_ =	sdelay $0x1  }
0x37: {  	[tilespmem:s4+$0xFFFFFF40] =	vst v4;
	v4 =	vld [tilespmem:s4+$0xFFFFFF50]  }
0x38: {  	v5 =	vld [tilespmem:s12+$0x1C850];
	_ =	sdelay $0x4  }
0x39: {  	v4 =	vadd.f32 v5, v4;
	_ =	sdelay $0x1  }
0x3a: {  	[tilespmem:s4+$0xFFFFFF50] =	vst v4;
	v4 =	vld [tilespmem:s4+$0xFFFFFF60]  }
0x3b: {  	v5 =	vld [tilespmem:s12+$0x1C860];
	_ =	sdelay $0x4  }
0x3c: {  	v4 =	vadd.f32 v5, v4;
	_ =	sdelay $0x1  }
0x3d: {  	[tilespmem:s4+$0xFFFFFF60] =	vst v4;
	v4 =	vld [tilespmem:s4+$0xFFFFFF70]  }
0x3e: {  	v5 =	vld [tilespmem:s12+$0x1C870];
	_ =	sdelay $0x4  }
0x3f: {  	v4 =	vadd.f32 v5, v4;
	_ =	sdelay $0x1  }
0x40: {  	[tilespmem:s4+$0xFFFFFF70] =	vst v4;
	v4 =	vld [tilespmem:s4+$0xFFFFFF80]  }
0x41: {  	v5 =	vld [tilespmem:s12+$0x1C800];
	_ =	sdelay $0x4  }
0x42: {  	v4 =	vadd.f32 v5, v4;
	_ =	sdelay $0x1  }
0x43: {  	[tilespmem:s4+$0xFFFFFF80] =	vst v4;
	v4 =	vld [tilespmem:s4+$0xFFFFFF90]  }
0x44: {  	v5 =	vld [tilespmem:s12+$0x1C810];
	_ =	sdelay $0x4  }
0x45: {  	v4 =	vadd.f32 v5, v4;
	_ =	sdelay $0x1  }
0x46: {  	[tilespmem:s4+$0xFFFFFF90] =	vst v4;
	v4 =	vld [tilespmem:s4+$0xFFFFFFA0]  }
0x47: {  	v5 =	vld [tilespmem:s12+$0x1C820];
	_ =	sdelay $0x4  }
0x48: {  	v4 =	vadd.f32 v5, v4;
	_ =	sdelay $0x1  }
0x49: {  	[tilespmem:s4+$0xFFFFFFA0] =	vst v4;
	v4 =	vld [tilespmem:s4+$0xFFFFFFB0]  }
0x4a: {  	v5 =	vld [tilespmem:s12+$0x1C830];
	_ =	sdelay $0x4  }
0x4b: {  	v4 =	vadd.f32 v5, v4;
	_ =	sdelay $0x1  }
0x4c: {  	[tilespmem:s4+$0xFFFFFFB0] =	vst v4;
	v4 =	vld [tilespmem:s4+$0xFFFFFFC0]  }
0x4d: {  	v5 =	vld [tilespmem:s12+$0x1C840];
	_ =	sdelay $0x4  }
0x4e: {  	v4 =	vadd.f32 v5, v4;
	_ =	sdelay $0x1  }
0x4f: {  	[tilespmem:s4+$0xFFFFFFC0] =	vst v4;
	v4 =	vld [tilespmem:s4+$0xFFFFFFD0]  }
0x50: {  	v5 =	vld [tilespmem:s12+$0x1C850];
	_ =	sdelay $0x4  }
0x51: {  	v4 =	vadd.f32 v5, v4;
	_ =	sdelay $0x1  }
0x52: {  	[tilespmem:s4+$0xFFFFFFD0] =	vst v4;
	v4 =	vld [tilespmem:s4+$0xFFFFFFE0]  }
0x53: {  	v5 =	vld [tilespmem:s12+$0x1C860];
	_ =	sdelay $0x4  }
0x54: {  	v4 =	vadd.f32 v5, v4;
	_ =	sdelay $0x1  }
0x55: {  	[tilespmem:s4+$0xFFFFFFE0] =	vst v4;
	v4 =	vld [tilespmem:s4+$0xFFFFFFF0]  }
0x56: {  	v5 =	vld [tilespmem:s12+$0x1C870];
	_ =	sdelay $0x4  }
0x57: {  	v4 =	vadd.f32 v5, v4;
	_ =	sdelay $0x1  }
0x58: {  	[tilespmem:s4+$0xFFFFFFF0] =	vst v4;
	v4 =	vld [tilespmem:s4+$0x0]  }
0x59: {  	v5 =	vld [tilespmem:s12+$0x1C800];
	_ =	sdelay $0x4  }
0x5a: {  	v4 =	vadd.f32 v5, v4;
	_ =	sdelay $0x1  }
0x5b: {  	[tilespmem:s4+$0x0] =	vst v4;
	v4 =	vld [tilespmem:s4+$0x10]  }
0x5c: {  	v5 =	vld [tilespmem:s12+$0x1C810];
	_ =	sdelay $0x4  }
0x5d: {  	v4 =	vadd.f32 v5, v4;
	_ =	sdelay $0x1  }
0x5e: {  	[tilespmem:s4+$0x10] =	vst v4;
	v4 =	vld [tilespmem:s4+$0x20]  }
0x5f: {  	v5 =	vld [tilespmem:s12+$0x1C820];
	_ =	sdelay $0x4  }
0x60: {  	v4 =	vadd.f32 v5, v4;
	_ =	sdelay $0x1  }
0x61: {  	[tilespmem:s4+$0x20] =	vst v4;
	v4 =	vld [tilespmem:s4+$0x30]  }
0x62: {  	v5 =	vld [tilespmem:s12+$0x1C830];
	_ =	sdelay $0x4  }
0x63: {  	v4 =	vadd.f32 v5, v4;
	_ =	sdelay $0x1  }
0x64: {  	[tilespmem:s4+$0x30] =	vst v4;
	v4 =	vld [tilespmem:s4+$0x40]  }
0x65: {  	v5 =	vld [tilespmem:s12+$0x1C840];
	_ =	sdelay $0x4  }
0x66: {  	v4 =	vadd.f32 v5, v4;
	_ =	sdelay $0x1  }
0x67: {  	[tilespmem:s4+$0x40] =	vst v4;
	v4 =	vld [tilespmem:s4+$0x50]  }
0x68: {  	v5 =	vld [tilespmem:s12+$0x1C850];
	_ =	sdelay $0x4  }
0x69: {  	v4 =	vadd.f32 v5, v4;
	_ =	sdelay $0x1  }
0x6a: {  	[tilespmem:s4+$0x50] =	vst v4;
	v4 =	vld [tilespmem:s4+$0x60]  }
0x6b: {  	v5 =	vld [tilespmem:s12+$0x1C860];
	_ =	sdelay $0x4  }
0x6c: {  	v4 =	vadd.f32 v5, v4;
	_ =	sdelay $0x1  }
0x6d: {  	[tilespmem:s4+$0x60] =	vst v4;
	v4 =	vld [tilespmem:s4+$0x70]  }
0x6e: {  	v5 =	vld [tilespmem:s12+$0x1C870];
	_ =	sdelay $0x4  }
0x6f: {  	v4 =	vadd.f32 v5, v4;
	_ =	sdelay $0x1  }
0x70: {  	[tilespmem:s4+$0x70] =	vst v4;
	v4 =	vld [tilespmem:s4+$0x80]  }
0x71: {  	v5 =	vld [tilespmem:s12+$0x1C800];
	_ =	sdelay $0x4  }
0x72: {  	v4 =	vadd.f32 v5, v4;
	_ =	sdelay $0x1  }
0x73: {  	[tilespmem:s4+$0x80] =	vst v4;
	v4 =	vld [tilespmem:s4+$0x90]  }
0x74: {  	v5 =	vld [tilespmem:s12+$0x1C810];
	_ =	sdelay $0x4  }
0x75: {  	v4 =	vadd.f32 v5, v4;
	_ =	sdelay $0x1  }
0x76: {  	[tilespmem:s4+$0x90] =	vst v4;
	v4 =	vld [tilespmem:s4+$0xA0]  }
0x77: {  	v5 =	vld [tilespmem:s12+$0x1C820];
	_ =	sdelay $0x4  }
0x78: {  	v4 =	vadd.f32 v5, v4;
	_ =	sdelay $0x1  }
0x79: {  	[tilespmem:s4+$0xA0] =	vst v4;
	v4 =	vld [tilespmem:s4+$0xB0]  }
0x7a: {  	v5 =	vld [tilespmem:s12+$0x1C830];
	_ =	sdelay $0x4  }
0x7b: {  	v4 =	vadd.f32 v5, v4;
	_ =	sdelay $0x1  }
0x7c: {  	[tilespmem:s4+$0xB0] =	vst v4;
	v4 =	vld [tilespmem:s4+$0xC0]  }
0x7d: {  	v5 =	vld [tilespmem:s12+$0x1C840];
	_ =	sdelay $0x4  }
0x7e: {  	v4 =	vadd.f32 v5, v4;
	_ =	sdelay $0x1  }
0x7f: {  	[tilespmem:s4+$0xC0] =	vst v4;
	v4 =	vld [tilespmem:s4+$0xD0]  }
0x80: {  	v5 =	vld [tilespmem:s12+$0x1C850];
	_ =	sdelay $0x4  }
0x81: {  	v4 =	vadd.f32 v5, v4;
	_ =	sdelay $0x1  }
0x82: {  	[tilespmem:s4+$0xD0] =	vst v4;
	v4 =	vld [tilespmem:s4+$0xE0]  }
0x83: {  	v5 =	vld [tilespmem:s12+$0x1C860];
	_ =	sdelay $0x4  }
0x84: {  	v4 =	vadd.f32 v5, v4;
	_ =	sdelay $0x1  }
0x85: {  	[tilespmem:s4+$0xE0] =	vst v4;
	v4 =	vld [tilespmem:s4+$0xF0]  }
0x86: {  	v5 =	vld [tilespmem:s12+$0x1C870];
	_ =	sdelay $0x4  }
0x87: {  	v4 =	vadd.f32 v5, v4  }
0x88: {  	s10 =	simm.s32 $0x0;
	s11 =	simm.s32 $0x6B00  }
.LBB2_2:
0x89: {  	v5 =	vld [tilespmem:s11+$0xFFFFFF00];
	[tilespmem:s4+$0xF0] =	vst v4;
	s4 =	smov.u32 s11  }
0x8a: {  	s10 =	sadd.s32 $0x4, s10;
	v4 =	vld [tilespmem:s12+$0x1C800]  }
0x8b: {  	p0 =	slt.u32 s10, $0x3C;
	_ =	sdelay $0x3  }
0x8c: {  	v4 =	vadd.f32 v4, v5;
	_ =	sdelay $0x1  }
0x8d: {  	[tilespmem:s11+$0xFFFFFF00] =	vst v4;
	v4 =	vld [tilespmem:s11+$0xFFFFFF10]  }
0x8e: {  	v5 =	vld [tilespmem:s12+$0x1C810];
	_ =	sdelay $0x4  }
0x8f: {  	v4 =	vadd.f32 v5, v4;
	_ =	sdelay $0x1  }
0x90: {  	[tilespmem:s11+$0xFFFFFF10] =	vst v4;
	v4 =	vld [tilespmem:s11+$0xFFFFFF20]  }
0x91: {  	v5 =	vld [tilespmem:s12+$0x1C820];
	_ =	sdelay $0x4  }
0x92: {  	v4 =	vadd.f32 v5, v4;
	_ =	sdelay $0x1  }
0x93: {  	[tilespmem:s11+$0xFFFFFF20] =	vst v4;
	v4 =	vld [tilespmem:s11+$0xFFFFFF30]  }
0x94: {  	v5 =	vld [tilespmem:s12+$0x1C830];
	_ =	sdelay $0x4  }
0x95: {  	v4 =	vadd.f32 v5, v4;
	_ =	sdelay $0x1  }
0x96: {  	[tilespmem:s11+$0xFFFFFF30] =	vst v4;
	v4 =	vld [tilespmem:s11+$0xFFFFFF40]  }
0x97: {  	v5 =	vld [tilespmem:s12+$0x1C840];
	_ =	sdelay $0x4  }
0x98: {  	v4 =	vadd.f32 v5, v4;
	_ =	sdelay $0x1  }
0x99: {  	[tilespmem:s11+$0xFFFFFF40] =	vst v4;
	v4 =	vld [tilespmem:s11+$0xFFFFFF50]  }
0x9a: {  	v5 =	vld [tilespmem:s12+$0x1C850];
	_ =	sdelay $0x4  }
0x9b: {  	v4 =	vadd.f32 v5, v4;
	_ =	sdelay $0x1  }
0x9c: {  	[tilespmem:s11+$0xFFFFFF50] =	vst v4;
	v4 =	vld [tilespmem:s11+$0xFFFFFF60]  }
0x9d: {  	v5 =	vld [tilespmem:s12+$0x1C860];
	_ =	sdelay $0x4  }
0x9e: {  	v4 =	vadd.f32 v5, v4;
	_ =	sdelay $0x1  }
0x9f: {  	[tilespmem:s11+$0xFFFFFF60] =	vst v4;
	v4 =	vld [tilespmem:s11+$0xFFFFFF70]  }
0xa0: {  	v5 =	vld [tilespmem:s12+$0x1C870];
	_ =	sdelay $0x4  }
0xa1: {  	v4 =	vadd.f32 v5, v4;
	_ =	sdelay $0x1  }
0xa2: {  	[tilespmem:s11+$0xFFFFFF70] =	vst v4;
	v4 =	vld [tilespmem:s11+$0xFFFFFF80]  }
0xa3: {  	v5 =	vld [tilespmem:s12+$0x1C800];
	_ =	sdelay $0x4  }
0xa4: {  	v4 =	vadd.f32 v5, v4;
	_ =	sdelay $0x1  }
0xa5: {  	[tilespmem:s11+$0xFFFFFF80] =	vst v4;
	v4 =	vld [tilespmem:s11+$0xFFFFFF90]  }
0xa6: {  	v5 =	vld [tilespmem:s12+$0x1C810];
	_ =	sdelay $0x4  }
0xa7: {  	v4 =	vadd.f32 v5, v4;
	_ =	sdelay $0x1  }
0xa8: {  	[tilespmem:s11+$0xFFFFFF90] =	vst v4;
	v4 =	vld [tilespmem:s11+$0xFFFFFFA0]  }
0xa9: {  	v5 =	vld [tilespmem:s12+$0x1C820];
	_ =	sdelay $0x4  }
0xaa: {  	v4 =	vadd.f32 v5, v4;
	_ =	sdelay $0x1  }
0xab: {  	[tilespmem:s11+$0xFFFFFFA0] =	vst v4;
	v4 =	vld [tilespmem:s11+$0xFFFFFFB0]  }
0xac: {  	v5 =	vld [tilespmem:s12+$0x1C830];
	_ =	sdelay $0x4  }
0xad: {  	v4 =	vadd.f32 v5, v4;
	_ =	sdelay $0x1  }
0xae: {  	[tilespmem:s11+$0xFFFFFFB0] =	vst v4;
	v4 =	vld [tilespmem:s11+$0xFFFFFFC0]  }
0xaf: {  	v5 =	vld [tilespmem:s12+$0x1C840];
	_ =	sdelay $0x4  }
0xb0: {  	v4 =	vadd.f32 v5, v4;
	_ =	sdelay $0x1  }
0xb1: {  	[tilespmem:s11+$0xFFFFFFC0] =	vst v4;
	v4 =	vld [tilespmem:s11+$0xFFFFFFD0]  }
0xb2: {  	v5 =	vld [tilespmem:s12+$0x1C850];
	_ =	sdelay $0x4  }
0xb3: {  	v4 =	vadd.f32 v5, v4;
	_ =	sdelay $0x1  }
0xb4: {  	[tilespmem:s11+$0xFFFFFFD0] =	vst v4;
	v4 =	vld [tilespmem:s11+$0xFFFFFFE0]  }
0xb5: {  	v5 =	vld [tilespmem:s12+$0x1C860];
	_ =	sdelay $0x4  }
0xb6: {  	v4 =	vadd.f32 v5, v4;
	_ =	sdelay $0x1  }
0xb7: {  	[tilespmem:s11+$0xFFFFFFE0] =	vst v4;
	v4 =	vld [tilespmem:s11+$0xFFFFFFF0]  }
0xb8: {  	v5 =	vld [tilespmem:s12+$0x1C870];
	_ =	sdelay $0x4  }
0xb9: {  	v4 =	vadd.f32 v5, v4;
	_ =	sdelay $0x1  }
0xba: {  	[tilespmem:s11+$0xFFFFFFF0] =	vst v4;
	v4 =	vld [tilespmem:s11+$0x0]  }
0xbb: {  	v5 =	vld [tilespmem:s12+$0x1C800];
	_ =	sdelay $0x4  }
0xbc: {  	v4 =	vadd.f32 v5, v4;
	_ =	sdelay $0x1  }
0xbd: {  	[tilespmem:s11+$0x0] =	vst v4;
	v4 =	vld [tilespmem:s11+$0x10]  }
0xbe: {  	v5 =	vld [tilespmem:s12+$0x1C810];
	_ =	sdelay $0x4  }
0xbf: {  	v4 =	vadd.f32 v5, v4;
	_ =	sdelay $0x1  }
0xc0: {  	[tilespmem:s11+$0x10] =	vst v4;
	v4 =	vld [tilespmem:s11+$0x20]  }
0xc1: {  	v5 =	vld [tilespmem:s12+$0x1C820];
	_ =	sdelay $0x4  }
0xc2: {  	v4 =	vadd.f32 v5, v4;
	_ =	sdelay $0x1  }
0xc3: {  	[tilespmem:s11+$0x20] =	vst v4;
	v4 =	vld [tilespmem:s11+$0x30]  }
0xc4: {  	v5 =	vld [tilespmem:s12+$0x1C830];
	_ =	sdelay $0x4  }
0xc5: {  	v4 =	vadd.f32 v5, v4;
	_ =	sdelay $0x1  }
0xc6: {  	[tilespmem:s11+$0x30] =	vst v4;
	v4 =	vld [tilespmem:s11+$0x40]  }
0xc7: {  	v5 =	vld [tilespmem:s12+$0x1C840];
	_ =	sdelay $0x4  }
0xc8: {  	v4 =	vadd.f32 v5, v4;
	_ =	sdelay $0x1  }
0xc9: {  	[tilespmem:s11+$0x40] =	vst v4;
	v4 =	vld [tilespmem:s11+$0x50]  }
0xca: {  	v5 =	vld [tilespmem:s12+$0x1C850];
	_ =	sdelay $0x4  }
0xcb: {  	v4 =	vadd.f32 v5, v4;
	_ =	sdelay $0x1  }
0xcc: {  	[tilespmem:s11+$0x50] =	vst v4;
	v4 =	vld [tilespmem:s11+$0x60]  }
0xcd: {  	v5 =	vld [tilespmem:s12+$0x1C860];
	_ =	sdelay $0x4  }
0xce: {  	v4 =	vadd.f32 v5, v4;
	_ =	sdelay $0x1  }
0xcf: {  	[tilespmem:s11+$0x60] =	vst v4;
	v4 =	vld [tilespmem:s11+$0x70]  }
0xd0: {  	v5 =	vld [tilespmem:s12+$0x1C870];
	_ =	sdelay $0x4  }
0xd1: {  	v4 =	vadd.f32 v5, v4;
	_ =	sdelay $0x1  }
0xd2: {  	[tilespmem:s11+$0x70] =	vst v4;
	v4 =	vld [tilespmem:s11+$0x80]  }
0xd3: {  	v5 =	vld [tilespmem:s12+$0x1C800];
	_ =	sdelay $0x4  }
0xd4: {  	v4 =	vadd.f32 v5, v4;
	_ =	sdelay $0x1  }
0xd5: {  	[tilespmem:s11+$0x80] =	vst v4;
	v4 =	vld [tilespmem:s11+$0x90]  }
0xd6: {  	v5 =	vld [tilespmem:s12+$0x1C810];
	_ =	sdelay $0x4  }
0xd7: {  	v4 =	vadd.f32 v5, v4;
	_ =	sdelay $0x1  }
0xd8: {  	[tilespmem:s11+$0x90] =	vst v4;
	v4 =	vld [tilespmem:s11+$0xA0]  }
0xd9: {  	v5 =	vld [tilespmem:s12+$0x1C820];
	_ =	sdelay $0x4  }
0xda: {  	v4 =	vadd.f32 v5, v4;
	_ =	sdelay $0x1  }
0xdb: {  	[tilespmem:s11+$0xA0] =	vst v4;
	v4 =	vld [tilespmem:s11+$0xB0]  }
0xdc: {  	v5 =	vld [tilespmem:s12+$0x1C830];
	_ =	sdelay $0x4  }
0xdd: {  	v4 =	vadd.f32 v5, v4;
	_ =	sdelay $0x1  }
0xde: {  	[tilespmem:s11+$0xB0] =	vst v4;
	v4 =	vld [tilespmem:s11+$0xC0]  }
0xdf: {  	v5 =	vld [tilespmem:s12+$0x1C840];
	_ =	sdelay $0x4  }
0xe0: {  	v4 =	vadd.f32 v5, v4;
	_ =	sdelay $0x1  }
0xe1: {  	[tilespmem:s11+$0xC0] =	vst v4;
	v4 =	vld [tilespmem:s11+$0xD0]  }
0xe2: {  	v5 =	vld [tilespmem:s12+$0x1C850];
	_ =	sdelay $0x4  }
0xe3: {  	v4 =	vadd.f32 v5, v4;
	_ =	sdelay $0x1  }
0xe4: {  	[tilespmem:s11+$0xD0] =	vst v4;
	v4 =	vld [tilespmem:s11+$0xE0]  }
0xe5: {  	v5 =	vld [tilespmem:s12+$0x1C860];
	_ =	sdelay $0x4  }
0xe6: {  	v4 =	vadd.f32 v5, v4;
	_ =	sdelay $0x1  }
0xe7: {  	[tilespmem:s11+$0xE0] =	vst v4;
	v4 =	vld [tilespmem:s11+$0xF0]  }
0xe8: {  	v5 =	vld [tilespmem:s12+$0x1C870];
	_ =	sdelay $0x1  }
.Ltmp0:
0xe9: {  	(pc) =	sbr.rel @p0 .LBB2_2-.Ltmp0, $3  }
0xea: {  	_ =	sdelay $0x1  }
0xeb: {  	v4 =	vadd.f32 v5, v4  }
0xec: {  	s11 =	sadd.s32 $0x200, s11  }
0xed: {  	[tilespmem:s4+$0xF0] =	vst v4;
	s2 =	rddreg [dreg:$0xb]  }
0xee: {  	[spmem:s2] =	stream.linear.scatter [tilespmem:s13], [sflag:$0x7], $0x2000, $0x38;
	[tilespmem:$0x1CA00] =	vst v63  }
0xef: {  	_ =	swait.ge [sflag:s5], $0x2000  }
0xf0: {  	[sflag:s5] =	ssyncset.done $0x0  }
0xf1: {  	[sflag:s5] =	ssyncadd.s32 $0xFFFFE000  }
0xf2: {  	[bflag:$0x0] =	sbarrier.arrive $0xFFFF  }
0xf3: {  	s7 =	simm.s32 $0x0;
	s18 =	rddreg [dreg:$0xa]  }
0xf4: {  	[tilespmem:s7], [sflag:$0x7] =	stream.linear.gather [hbm4b:s18+s7], $0x2000, $0x38;
	[tilespmem:$0x1CA00] =	vst v63  }
0xf5: {  	s19 =	sand.u32 $0x40, s7;
	_ =	swait.ge [sflag:s5], $0x2000  }
0xf6: {  	s10 =	sand.u32 $0x1E00, s7;
	s20 =	sor.u32 $0x30, s19;
	[sflag:s5] =	ssyncset.done $0x0  }
0xf7: {  	s11 =	sor.u32 s20, s10;
	[sflag:s5] =	ssyncadd.s32 $0xFFFFE000  }
0xf8: {  	s18 =	sor.u32 $0x10, s19;
	v5 =	vld [tilespmem:s11+$0x100]  }
0xf9: {  	s2 =	sor.u32 $0x20, s19;
	s15 =	sor.u32 s18, s10;
	v6 =	vld [tilespmem:s11+$0x80]  }
0xfa: {  	s23 =	sor.u32 s2, s10;
	v7 =	vld [tilespmem:s15+$0x100]  }
0xfb: {  	s16 =	sor.u32 s19, s10;
	v8 =	vld [tilespmem:s23+$0x100]  }
0xfc: {  	s10 =	simm.s32 $0x40;
	v9 =	vld [tilespmem:s16+$0x100]  }
0xfd: {  	s3 =	simm.s32 $0x100;
	s22 =	sand.u32 $0x40, s10;
	v10 =	vld [tilespmem:s15+$0x80]  }
0xfe: {  	s7 =	sand.u32 $0x780, s7;
	s5 =	sand.u32 $0x1E00, s3;
	s4 =	sor.u32 $0x30, s22;
	v11 =	vld [tilespmem:s23+$0x80]  }
0xff: {  	s7 =	sor.u32 $0x2000, s7;
	s3 =	sor.u32 s4, s5;
	v4 =	vld [tilespmem:s16+$0x80];
	s11 =	sor.u32 $0x10, s22  }
0x100: {  	s13 =	sor.u32 s20, s7;
	s20 =	sor.u32 s11, s5;
	v12 =	vshll.u32 v5, $0x9;
	v5 =	vld [tilespmem:s3+$0x100]  }
0x101: {  	s19 =	simm.s32 $0x4;
	s17 =	sor.u32 s18, s7;
	s16 =	sor.u32 $0x20, s22;
	v13 =	vshll.u32 v7, $0x9;
	v7 =	vld [tilespmem:s20+$0x100];
	v12 =	vadd.s32 v6, v12  }
0x102: {  	s18 =	simm.s32 $0x40;
	s7 =	sor.u32 s2, s7;
	s15 =	sor.u32 s16, s5;
	v6 =	vld [tilespmem:s3+$0x80];
	v10 =	vadd.s32 v10, v13;
	[tilespmem:s13+$0x0] =	vst v12;
	v12 =	vshll.u32 v8, $0x9  }
0x103: {  	s23 =	simm.s32 $0x0;
	s22 =	sor.u32 s22, s5;
	v9 =	vshll.u32 v9, $0x9;
	v8 =	vld [tilespmem:s15+$0x100];
	s13 =	simm.s32 $0x200;
	[tilespmem:s17+$0x0] =	vst v10;
	v10 =	vadd.s32 v11, v12  }
.LBB2_4:
0x104: {  	s2 =	sand.u32 $0x1E00, s13  }
0x105: {  	v11 =	vld [tilespmem:s22+$0x100];
	s3 =	sand.u32 $0x780, s10;
	s10 =	sadd.s32 $0x40, s10;
	v4 =	vadd.s32 v4, v9;
	[tilespmem:s7+$0x0] =	vst v10;
	s19 =	sadd.s32 $0x4, s19  }
0x106: {  	s7 =	sand.u32 $0x40, s10;
	v10 =	vld [tilespmem:s20+$0x80];
	s3 =	sor.u32 $0x2000, s3;
	v5 =	vshll.u32 v5, $0x9;
	[tilespmem:s23+$0x2000] =	vst v4;
	p0 =	slt.u32 s19, $0x7C  }
0x107: {  	v12 =	vld [tilespmem:s15+$0x80];
	v5 =	vadd.s32 v6, v5;
	s15 =	sor.u32 s4, s3;
	s4 =	sor.u32 $0x30, s7;
	s23 =	sor.u32 $0x10, s7  }
.Ltmp1:
0x108: {  	s17 =	sor.u32 $0x20, s7;
	s5 =	sor.u32 s4, s2;
	v4 =	vld [tilespmem:s22+$0x80];
	v13 =	vshll.u32 v7, $0x9;
	[tilespmem:s15+$0x0] =	vst v5;
	(pc) =	sbr.rel @p0 .LBB2_4-.Ltmp1, $4  }
0x109: {  	s22 =	sor.u32 s7, s2;
	s20 =	sor.u32 s23, s2;
	s15 =	sor.u32 s17, s2;
	v5 =	vld [tilespmem:s5+$0x100];
	v14 =	vshll.u32 v8, $0x9  }
0x10a: {  	s2 =	sshra.s32 s13, $0x2;
	s7 =	sor.u32 s16, s3;
	v6 =	vld [tilespmem:s5+$0x80];
	v9 =	vshll.u32 v11, $0x9;
	s5 =	sor.u32 s11, s3  }
0x10b: {  	s16 =	smov.u32 s17;
	s11 =	smov.u32 s23;
	s23 =	smov.u32 s18;
	v7 =	vld [tilespmem:s20+$0x100];
	v10 =	vadd.s32 v10, v13  }
0x10c: {  	s13 =	sadd.s32 $0x100, s13;
	s18 =	smov.u32 s2;
	v8 =	vld [tilespmem:s15+$0x100];
	[tilespmem:s5+$0x0] =	vst v10;
	v10 =	vadd.s32 v12, v14  }
0x10d: {  	v11 =	vld [tilespmem:s22+$0x100]  }
0x10e: {  	v12 =	vld [tilespmem:s20+$0x80]  }
0x10f: {  	v13 =	vld [tilespmem:s15+$0x80]  }
0x110: {  	s2 =	sand.u32 $0x780, s10;
	v14 =	vld [tilespmem:s22+$0x80]  }
0x111: {  	v4 =	vadd.s32 v4, v9;
	[tilespmem:s7+$0x0] =	vst v10;
	s2 =	sor.u32 $0x2000, s2;
	v5 =	vshll.u32 v5, $0x9  }
0x112: {  	[tilespmem:s23+$0x2000] =	vst v4;
	v4 =	vadd.s32 v6, v5;
	s3 =	sor.u32 s4, s2;
	v5 =	vshll.u32 v7, $0x9  }
0x113: {  	s20 =	sor.u32 s11, s2;
	[tilespmem:s3+$0x0] =	vst v4;
	v4 =	vshll.u32 v8, $0x9;
	v5 =	vadd.s32 v12, v5  }
0x114: {  	s2 =	sor.u32 s16, s2;
	v63 =	vshll.u32 v11, $0x9;
	v4 =	vadd.s32 v13, v4;
	[tilespmem:s20+$0x0] =	vst v5  }
0x115: {  	v5 =	vadd.s32 v14, v63;
	[tilespmem:s2+$0x0] =	vst v4  }
0x116: {  	[tilespmem:s18+$0x2000] =	vst v5  }
0x117: {  	v0 =	vld [tilespmem:$0x1C970];
	_ =	sdelay $0x4  }
0x118: {  	[tilespmem:$0x1FF30] =	vst v0;
	v0 =	vld [tilespmem:$0x1C980];
	_ =	sdelay $0x2  }
0x119: {  	v4 =	vld [tilespmem:$0x1C900];
	_ =	sdelay $0x1  }
0x11a: {  	[tilespmem:$0x1FF40] =	vst v0;
	v0 =	vld [tilespmem:$0x1C990];
	_ =	sdelay $0x2  }
0x11b: {  	[tilespmem:$0x1FEC0] =	vst v4;
	v4 =	vld [tilespmem:$0x1C910];
	_ =	sdelay $0x1  }
0x11c: {  	[tilespmem:$0x1FF50] =	vst v0;
	v0 =	vld [tilespmem:$0x1C9A0];
	_ =	sdelay $0x2  }
0x11d: {  	[tilespmem:$0x1FED0] =	vst v4;
	v4 =	vld [tilespmem:$0x1C920];
	_ =	sdelay $0x1  }
0x11e: {  	[tilespmem:$0x1FF60] =	vst v0;
	v0 =	vld [tilespmem:$0x1C9B0];
	_ =	sdelay $0x2  }
0x11f: {  	[tilespmem:$0x1FEE0] =	vst v4;
	v4 =	vld [tilespmem:$0x1C930];
	_ =	sdelay $0x1  }
0x120: {  	[tilespmem:$0x1FF70] =	vst v0;
	v0 =	vld [tilespmem:$0x1C9C0];
	_ =	sdelay $0x2  }
0x121: {  	[tilespmem:$0x1FEF0] =	vst v4;
	v4 =	vld [tilespmem:$0x1C940];
	_ =	sdelay $0x1  }
0x122: {  	[tilespmem:$0x1FF80] =	vst v0;
	v0 =	vld [tilespmem:$0x1C9D0];
	_ =	sdelay $0x2  }
0x123: {  	[tilespmem:$0x1FF00] =	vst v4;
	v4 =	vld [tilespmem:$0x1C950];
	_ =	sdelay $0x1  }
0x124: {  	[tilespmem:$0x1FF90] =	vst v0;
	v0 =	vld [tilespmem:$0x1C9E0];
	_ =	sdelay $0x2  }
0x125: {  	[tilespmem:$0x1FF10] =	vst v4;
	v4 =	vld [tilespmem:$0x1C960];
	_ =	sdelay $0x1  }
0x126: {  	[tilespmem:$0x1FFA0] =	vst v0;
	v0 =	vld [tilespmem:$0x1C9F0]  }
0x127: {  	s22 =	simm.s32 $0x2800;
	s4 =	simm.s32 $0x0  }
0x128: {  	[tilespmem:s22], [sflag:$0x1] =	stream.indirect.gather [hbm4b:s0+s21], $0x80, s4, s21, $0xb8;
	[tilespmem:$0x1CA00] =	vst v63  }
0x129: {  	s13 =	simm.s32 $0x6800;
	s23 =	simm.s32 $0x2000;
	[tilespmem:$0x1FF20] =	vst v4  }
0x12a: {  	[tilespmem:s13], [sflag:$0x3] =	stream.indirect.gather [spmem:s6], $0x80, s23, s21, $0xb8;
	[tilespmem:$0x1CA00] =	vst v63  }
0x12b: {  	s7 =	rddreg [dreg:$0x6];
	[tilespmem:$0x1FFB0] =	vst v0  }
.LBB2_6:
0x12c: {  	s18 =	sshll.u32 s4, $0x8  }
0x12d: {  	s16 =	sor.u32 $0x80, s18  }
0x12e: {  	s2 =	sshll.u32 s16, $0x2  }
0x12f: {  	s2 =	sand.u32 $0x3FFFFE00, s2  }
0x130: {  	[tilespmem:s24], [sflag:$0x2] =	stream.indirect.gather [hbm4b:s0+s21], $0x80, s2, s21, $0xb8;
	[tilespmem:$0x1CA00] =	vst v63  }
0x131: {  	s22 =	sadd.s32 $0x2080, s18  }
0x132: {  	[tilespmem:s25], [sflag:$0x4] =	stream.indirect.gather [spmem:s6], $0x80, s22, s21, $0xb8;
	[tilespmem:$0x1CA00] =	vst v63  }
0x133: {  	_ =	swait.ge [sflag:s26], $0x4000  }
0x134: {  	[sflag:s26] =	ssyncset.done $0x0  }
0x135: {  	[sflag:s26] =	ssyncadd.s32 $0xFFFFC000  }
0x136: {  	_ =	swait.ge [sflag:s28], $0x4000  }
0x137: {  	p0 =	seq.s32 s4, $0x0;
	[sflag:s28] =	ssyncset.done $0x0  }
0x138: {  	s2 =	simm.s32 @!p0 $0x5;
	[sflag:s28] =	ssyncadd.s32 $0xFFFFC000  }
0x139: {  	_ =	swait.ge @!p0 [sflag:s2], $0x4000  }
0x13a: {  	[sflag:s2] =	ssyncset.done @!p0 $0x0  }
0x13b: {  	s11 =	simm.s32 $0x2900;
	[sflag:s2] =	ssyncadd.s32 @!p0 $0xFFFFC000  }
0x13c: {  	v20 =	vld [tilespmem:s11+$0xA0]  }
0x13d: {  	s10 =	simm.s32 $0x6900;
	v21 =	vld [tilespmem:s11+$0x80]  }
0x13e: {  	v22 =	vld [tilespmem:s10+$0x80]  }
0x13f: {  	v23 =	vld [tilespmem:s11+$0x90]  }
0x140: {  	v24 =	vld [tilespmem:s10+$0x90]  }
0x141: {  	v25 =	vld [tilespmem:s10+$0xA0]  }
0x142: {  	v26 =	vld [tilespmem:s11+$0xB0]  }
0x143: {  	v27 =	vld [tilespmem:s10+$0xB0]  }
0x144: {  	v28 =	vld [tilespmem:s11+$0xC0]  }
0x145: {  	v29 =	vld [tilespmem:s10+$0xC0]  }
0x146: {  	v30 =	vld [tilespmem:s11+$0xD0]  }
0x147: {  	v31 =	vld [tilespmem:s10+$0xD0]  }
0x148: {  	v32 =	vld [tilespmem:s11+$0xE0];
	v5 =	vadd.f32 v22, v21  }
0x149: {  	v33 =	vld [tilespmem:s10+$0xE0]  }
0x14a: {  	v34 =	vld [tilespmem:s11+$0xF0];
	v4 =	vadd.f32 v25, v20;
	[tilespmem:$0x1FCC0] =	vst v5  }
0x14b: {  	v21 =	vld [tilespmem:s10+$0xF0]  }
0x14c: {  	v0 =	vadd.f32 v24, v23;
	v24 =	vld [tilespmem:s10+$0xFFFFFF00];
	[tilespmem:$0x1FCD0] =	vst v4  }
0x14d: {  	v25 =	vld [tilespmem:s11+$0xFFFFFF10]  }
0x14e: {  	v35 =	vld [tilespmem:s10+$0xFFFFFF10]  }
0x14f: {  	v6 =	vadd.f32 v27, v26;
	v26 =	vld [tilespmem:s11+$0xFFFFFF80]  }
0x150: {  	v27 =	vld [tilespmem:s10+$0xFFFFFF80]  }
0x151: {  	v7 =	vadd.f32 v29, v28;
	v28 =	vld [tilespmem:s11+$0xFFFFFF90]  }
0x152: {  	v20 =	vmul.f32 v5, v5;
	v22 =	vmul.f32 v0, v0;
	v23 =	vadd.f32 v0, v5;
	v29 =	vld [tilespmem:s10+$0xFFFFFF90]  }
0x153: {  	v8 =	vadd.f32 v31, v30;
	v30 =	vld [tilespmem:s11+$0x0]  }
0x154: {  	v20 =	vadd.f32 v22, v20;
	v22 =	vmul.f32 v4, v4;
	v23 =	vadd.f32 v4, v23;
	v31 =	vld [tilespmem:s10+$0x0]  }
0x155: {  	v54 =	vld [tilespmem:s11+$0x10]  }
0x156: {  	v55 =	vld [tilespmem:s10+$0x10];
	v20 =	vadd.f32 v22, v20;
	v22 =	vmul.f32 v6, v6;
	v23 =	vadd.f32 v6, v23  }
0x157: {  	v56 =	vld [tilespmem:s11+$0xFFFFFF00]  }
0x158: {  	v36 =	vld [tilespmem:s11+$0xFFFFFF20];
	v20 =	vadd.f32 v22, v20;
	v22 =	vmul.f32 v7, v7;
	v23 =	vadd.f32 v7, v23  }
0x159: {  	v9 =	vadd.f32 v33, v32;
	v38 =	vld [tilespmem:s10+$0xFFFFFF20]  }
0x15a: {  	v39 =	vld [tilespmem:s11+$0xFFFFFFA0];
	v20 =	vadd.f32 v22, v20;
	v22 =	vmul.f32 v8, v8;
	v23 =	vadd.f32 v8, v23  }
0x15b: {  	v40 =	vld [tilespmem:s10+$0xFFFFFFA0];
	v10 =	vadd.f32 v21, v34;
	v25 =	vadd.f32 v35, v25  }
0x15c: {  	v41 =	vld [tilespmem:s11+$0x20];
	v21 =	vmul.f32 v9, v9;
	v20 =	vadd.f32 v22, v20;
	v22 =	vadd.f32 v9, v23  }
0x15d: {  	v60 =	vld [tilespmem:s10+$0x30];
	v5 =	vadd.f32 v31, v30;
	v31 =	vadd.f32 v24, v56  }
0x15e: {  	v24 =	vld [tilespmem:s11+$0x30];
	v20 =	vadd.f32 v21, v20;
	v21 =	vmul.f32 v10, v10;
	v37 =	vadd.f32 v10, v22  }
0x15f: {  	v42 =	vld [tilespmem:s10+$0x20];
	v32 =	vadd.f32 v38, v36;
	v23 =	vadd.f32 v27, v26  }
0x160: {  	v43 =	vld [tilespmem:s11+$0xFFFFFFB0];
	v22 =	vadd.f32 v29, v28;
	v20 =	vadd.f32 v21, v20;
	v21 =	vperm.xlane v37, v1  }
0x161: {  	v47 =	vld [tilespmem:s11+$0xFFFFFF40];
	v46 =	vmul.f32 v31, v31;
	v48 =	vadd.f32 v25, v31;
	v49 =	vmul.f32 v5, v5  }
0x162: {  	v12 =	vld [tilespmem:s10+$0xFFFFFF40];
	v29 =	vmul.f32 v23, v23;
	v44 =	vmul.f32 v22, v22;
	v27 =	vadd.f32 v37, v21  }
0x163: {  	v45 =	vld [tilespmem:s10+$0xFFFFFFB0];
	v24 =	vadd.f32 v60, v24;
	v57 =	vadd.f32 v22, v23;
	v26 =	vperm.xlane v20, v1  }
0x164: {  	v53 =	vld [tilespmem:s11+$0xFFFFFF50];
	v21 =	vadd.f32 v55, v54;
	v59 =	vadd.f32 v44, v29;
	v30 =	vperm.xlane v27, v2  }
0x165: {  	v63 =	vld [tilespmem:s10+$0xFFFFFFD0];
	v51 =	vmul.f32 v32, v32;
	v37 =	vadd.f32 v42, v41;
	v20 =	vadd.f32 v26, v20  }
0x166: {  	v28 =	vld [tilespmem:s11+$0xFFFFFF30];
	v29 =	vadd.f32 v21, v5;
	v50 =	vmul.f32 v21, v21;
	v27 =	vadd.f32 v27, v30  }
0x167: {  	v41 =	vld [tilespmem:s11+$0x40];
	v42 =	vadd.f32 v12, v47;
	v61 =	vmul.f32 v37, v37;
	v58 =	vperm.xlane v20, v2  }
0x168: {  	v12 =	vld [tilespmem:s10+$0x50];
	v16 =	vadd.f32 v50, v49;
	v52 =	vadd.f32 v37, v29;
	v4 =	vperm.xlane v27, v3  }
0x169: {  	v26 =	vld [tilespmem:s10+$0xFFFFFF30];
	v30 =	vmul.f32 v25, v25;
	v29 =	vadd.f32 v45, v43;
	v20 =	vadd.f32 v58, v20  }
0x16a: {  	v55 =	vmul.f32 v24, v24;
	v49 =	vld [tilespmem:s10+$0x60];
	v43 =	vadd.f32 v61, v16;
	v33 =	vadd.f32 v27, v4  }
0x16b: {  	v30 =	vadd.f32 v30, v46;
	v46 =	vld [tilespmem:s11+$0xFFFFFFC0];
	v11 =	vperm.xlane v20, v3;
	v27 =	vadd.f32 v40, v39  }
0x16c: {  	v13 =	vadd.f32 v32, v48;
	v39 =	vld [tilespmem:s10+$0xFFFFFFC0];
	v43 =	vadd.f32 v55, v43;
	v14 =	vperm.xlane v33, v15  }
0x16d: {  	v61 =	vld [tilespmem:s11+$0xFFFFFF60];
	v36 =	vadd.f32 v11, v20;
	v35 =	vadd.f32 v27, v57;
	v54 =	vmul.f32 v27, v27  }
0x16e: {  	v57 =	vld [tilespmem:s10+$0x40];
	v48 =	vadd.f32 v33, v14;
	v33 =	vadd.f32 v26, v28  }
0x16f: {  	v17 =	vperm.xlane v36, v15;
	v28 =	vld [tilespmem:s10+$0xFFFFFF50];
	v26 =	vadd.f32 v51, v30;
	v62 =	vadd.f32 v54, v59  }
0x170: {  	v58 =	vmul.f32 v29, v29;
	v30 =	vld [tilespmem:s11+$0xFFFFFFD0];
	v35 =	vadd.f32 v29, v35;
	v59 =	vadd.f32 v24, v52  }
0x171: {  	v11 =	vld [tilespmem:s11+$0x50];
	v20 =	vadd.f32 v39, v46;
	v36 =	vadd.f32 v17, v36;
	v4 =	vmul.f32 v33, v33  }
0x172: {  	v14 =	vld [tilespmem:s10+$0xFFFFFF60];
	v40 =	vadd.f32 v33, v13;
	v45 =	vadd.f32 v58, v62  }
0x173: {  	v17 =	vld [tilespmem:s10+$0xFFFFFFE0];
	v35 =	vadd.f32 v20, v35;
	v60 =	vadd.f32 v4, v26  }
0x174: {  	v58 =	vld [tilespmem:s10+$0x70];
	v62 =	vmul.f32 v20, v20;
	v13 =	vadd.f32 v42, v40;
	v26 =	vadd.f32 v57, v41  }
0x175: {  	v41 =	vld [tilespmem:s11+$0xFFFFFFE0];
	v55 =	vadd.f32 v28, v53;
	v38 =	vadd.f32 v63, v30  }
0x176: {  	v16 =	vmul.f32 v42, v42;
	v4 =	vld [tilespmem:s11+$0xFFFFFF70];
	v45 =	vadd.f32 v62, v45;
	v30 =	vadd.f32 v12, v11  }
0x177: {  	v53 =	vld [tilespmem:s11+$0x60];
	v52 =	vadd.f32 v14, v61;
	v51 =	vadd.f32 v26, v59;
	v63 =	vmul.f32 v26, v26  }
0x178: {  	v11 =	vld [tilespmem:s10+$0xFFFFFF70];
	v28 =	vadd.f32 v16, v60;
	v39 =	vadd.f32 v55, v13;
	v56 =	vmul.f32 v55, v55  }
0x179: {  	v57 =	vld [tilespmem:s10+$0xFFFFFFF0];
	v35 =	vadd.f32 v38, v35;
	v12 =	vmul.f32 v38, v38;
	v43 =	vadd.f32 v63, v43  }
0x17a: {  	v16 =	vld [tilespmem:s11+$0x70];
	v14 =	vmul.f32 v30, v30;
	v51 =	vadd.f32 v30, v51;
	v56 =	vadd.f32 v56, v28  }
0x17b: {  	v36 =	vmul.f32 $7.812500000e-03, v36;
	v13 =	vld [tilespmem:s11+$0xFFFFFFF0];
	v45 =	vadd.f32 v12, v45;
	v41 =	vadd.f32 v17, v41  }
0x17c: {  	v61 =	vmul.f32 v52, v52;
	v17 =	vadd.f32 v52, v39;
	v54 =	vadd.f32 v14, v43  }
0x17d: {  	v60 =	vmul.f32 $7.812500000e-03, v48;
	v39 =	vadd.f32 v49, v53;
	v44 =	vadd.f32 v11, v4  }
0x17e: {  	v35 =	vadd.f32 v41, v35;
	v62 =	vmul.f32 v41, v41;
	v48 =	vadd.f32 v61, v56  }
0x17f: {  	v40 =	vadd.f32 v58, v16;
	v63 =	vmul.f32 v39, v39;
	v47 =	vadd.f32 v44, v17  }
0x180: {  	v49 =	vadd.f32 v39, v51;
	v43 =	vadd.f32 v57, v13;
	v4 =	vmul.f32 v44, v44  }
0x181: {  	v45 =	vadd.f32 v62, v45;
	v50 =	vadd.f32 v63, v54;
	v12 =	vperm.xlane v47, v1  }
0x182: {  	v35 =	vadd.f32 v43, v35;
	v11 =	vmul.f32 v43, v43;
	v48 =	vadd.f32 v4, v48  }
0x183: {  	v13 =	vmul.f32 v40, v40;
	v49 =	vadd.f32 v40, v49;
	v14 =	vadd.f32 v47, v12  }
0x184: {  	v45 =	vadd.f32 v11, v45;
	v16 =	vperm.xlane v35, v1;
	v17 =	vperm.xlane v48, v1  }
0x185: {  	v50 =	vadd.f32 v13, v50;
	v61 =	vperm.xlane v49, v1;
	v62 =	vperm.xlane v14, v2  }
0x186: {  	v35 =	vadd.f32 v35, v16;
	v63 =	vperm.xlane v45, v1;
	v48 =	vadd.f32 v17, v48  }
0x187: {  	v49 =	vadd.f32 v49, v61;
	v4 =	vperm.xlane v50, v1;
	v46 =	vadd.f32 v14, v62  }
0x188: {  	v11 =	vperm.xlane v35, v2;
	v45 =	vadd.f32 v63, v45;
	v12 =	vperm.xlane v48, v2  }
0x189: {  	v13 =	vperm.xlane v49, v2;
	v50 =	vadd.f32 v4, v50;
	v14 =	vperm.xlane v46, v3  }
0x18a: {  	v35 =	vadd.f32 v35, v11;
	v16 =	vperm.xlane v45, v2;
	v47 =	vadd.f32 v12, v48  }
0x18b: {  	v17 =	vadd.f32 v49, v13;
	v34 =	vperm.xlane v50, v2;
	v46 =	vadd.f32 v46, v14  }
0x18c: {  	v61 =	vperm.xlane v35, v3;
	v45 =	vadd.f32 v16, v45;
	v62 =	vperm.xlane v47, v3  }
0x18d: {  	v56 =	vperm.xlane v17, v3;
	v49 =	vadd.f32 v34, v50;
	v63 =	vperm.xlane v46, v15  }
0x18e: {  	v35 =	vadd.f32 v35, v61;
	v4 =	vperm.xlane v45, v3;
	v47 =	vadd.f32 v62, v47  }
0x18f: {  	v48 =	vadd.f32 v17, v56;
	v11 =	vperm.xlane v49, v3;
	v46 =	vadd.f32 v46, v63  }
0x190: {  	v12 =	vperm.xlane v35, v15;
	v45 =	vadd.f32 v4, v45;
	v13 =	vperm.xlane v47, v15  }
0x191: {  	v56 =	vperm.xlane v48, v15;
	v49 =	vadd.f32 v11, v49;
	v46 =	vmul.f32 $7.812500000e-03, v46  }
0x192: {  	s23 =	simm.s32 $0x2B00;
	v35 =	vadd.f32 v35, v12;
	v14 =	vperm.xlane v45, v15;
	v47 =	vadd.f32 v13, v47  }
0x193: {  	s19 =	simm.s32 $0x6B00;
	v57 =	vld [tilespmem:s23+$0x80];
	v48 =	vadd.f32 v48, v56;
	v16 =	vperm.xlane v49, v15;
	v62 =	vsub.f32 v31, v46  }
0x194: {  	v13 =	vld [tilespmem:s19+$0x80];
	v56 =	vmul.f32 $7.812500000e-03, v35;
	v4 =	vadd.f32 v14, v45;
	v63 =	vsub.f32 v25, v46  }
0x195: {  	v51 =	vmul.f32 v60, v60;
	v17 =	vmul.f32 v46, v46;
	v45 =	vld [tilespmem:s23+$0xA0];
	v49 =	vadd.f32 v16, v49;
	[tilespmem:$0x1FB30] =	vst v62  }
0x196: {  	v14 =	vsub.f32 v32, v46;
	v11 =	vmul.f32 $7.812500000e-03, v4;
	v12 =	vmul.f32 v56, v56;
	v61 =	vld [tilespmem:s23+$0x90];
	[tilespmem:$0x1FB40] =	vst v63  }
0x197: {  	v50 =	vmul.f32 $7.812500000e-03, v48;
	v48 =	vsub.f32 v36, v51;
	v16 =	vsub.f32 v33, v46;
	v62 =	vld [tilespmem:s19+$0x90]  }
0x198: {  	v47 =	vmul.f32 $7.812500000e-03, v47;
	v33 =	vsub.f32 v42, v46;
	v36 =	vsub.f32 v11, v12;
	v11 =	vld [tilespmem:s19+$0xA0];
	[tilespmem:$0x1FB50] =	vst v14  }
0x199: {  	v34 =	vsub.f32 v55, v46;
	[tilespmem:$0x1FB60] =	vst v16  }
0x19a: {  	v54 =	vsub.f32 v52, v46;
	v31 =	vsub.f32 v47, v17;
	v17 =	vld [tilespmem:s23+$0xB0];
	[tilespmem:$0x1FB70] =	vst v33  }
0x19b: {  	v55 =	vsub.f32 v44, v46;
	v53 =	vmul.f32 $7.812500000e-03, v49;
	v59 =	vmul.f32 v50, v50;
	[tilespmem:$0x1FB80] =	vst v34  }
0x19c: {  	v35 =	vld [tilespmem:s19+$0xB0];
	[tilespmem:$0x1FB90] =	vst v54  }
0x19d: {  	v47 =	vsub.f32 v53, v59;
	v59 =	vsub.f32 v23, v56;
	[tilespmem:$0x1FBA0] =	vst v55  }
0x19e: {  	v44 =	vld [tilespmem:s23+$0xC0]  }
0x19f: {  	v63 =	vsub.f32 v22, v56;
	v46 =	vld [tilespmem:s19+$0xC0];
	[tilespmem:$0x1FBB0] =	vst v59  }
0x1a0: {  	v14 =	vadd.f32 v13, v57;
	v23 =	vld [tilespmem:s23+$0xD0]  }
0x1a1: {  	v12 =	vadd.f32 v62, v61;
	v13 =	vadd.f32 v11, v45;
	v45 =	vld [tilespmem:s19+$0xD0];
	[tilespmem:$0x1FBC0] =	vst v63  }
0x1a2: {  	v22 =	vld [tilespmem:s23+$0xE0]  }
0x1a3: {  	v58 =	vsub.f32 v27, v56;
	v51 =	vmul.f32 v14, v14;
	v11 =	vld [tilespmem:s19+$0xE0];
	v62 =	vmul.f32 v12, v12  }
0x1a4: {  	v53 =	vsub.f32 v20, v56  }
0x1a5: {  	[tilespmem:$0x1FBD0] =	vst v58;
	v34 =	vadd.f32 v62, v51;
	v62 =	vsub.f32 v29, v56  }
0x1a6: {  	v58 =	vsub.f32 v38, v56;
	v61 =	vadd.f32 v12, v14;
	v27 =	vld [tilespmem:s23+$0xF0]  }
0x1a7: {  	v16 =	vadd.f32 v35, v17;
	v57 =	vmul.f32 v13, v13;
	v17 =	vadd.f32 v46, v44;
	v44 =	vld [tilespmem:s19+$0xF0];
	[tilespmem:$0x1FBE0] =	vst v62  }
0x1a8: {  	v35 =	vadd.f32 v13, v61;
	v11 =	vadd.f32 v11, v22;
	v29 =	vld [tilespmem:s19+$0xFFFFFF00]  }
0x1a9: {  	v61 =	vmul.f32 v16, v16;
	v18 =	vadd.f32 v45, v23;
	v42 =	vadd.f32 v57, v34;
	v23 =	vld [tilespmem:s23+$0xFFFFFF10];
	[tilespmem:$0x1FBF0] =	vst v53  }
0x1aa: {  	v59 =	vadd.f32 v16, v35;
	v51 =	vld [tilespmem:s19+$0xFFFFFF10];
	[tilespmem:$0x1FCF0] =	vst v11  }
0x1ab: {  	v42 =	vadd.f32 v61, v42;
	v61 =	vsub.f32 v41, v56;
	v22 =	vld [tilespmem:s23+$0xFFFFFF80];
	[tilespmem:$0x1FC00] =	vst v58  }
0x1ac: {  	v62 =	vsub.f32 v43, v56;
	v63 =	vadd.f32 v17, v59;
	v38 =	vld [tilespmem:s19+$0xFFFFFF80]  }
0x1ad: {  	v35 =	vmul.f32 v17, v17;
	v19 =	vadd.f32 v44, v27;
	v27 =	vld [tilespmem:s23+$0xFFFFFF90];
	[tilespmem:$0x1FC10] =	vst v61  }
0x1ae: {  	v55 =	vadd.f32 v18, v63;
	[tilespmem:$0x1FC20] =	vst v62  }
0x1af: {  	v54 =	vadd.f32 v35, v42;
	v35 =	vsub.f32 v5, v50;
	v63 =	vld [tilespmem:s19+$0xFFFFFF90]  }
0x1b0: {  	v45 =	vsub.f32 v21, v50;
	v59 =	vmul.f32 v11, v11;
	v42 =	vadd.f32 v11, v55;
	v11 =	vld [tilespmem:s23+$0x0];
	[tilespmem:$0x1FCE0] =	vst v19  }
0x1b1: {  	v46 =	vsub.f32 v37, v50;
	[tilespmem:$0x1FC40] =	vst v35  }
0x1b2: {  	v52 =	vsub.f32 v24, v50;
	v57 =	vmul.f32 v18, v18;
	[tilespmem:$0x1FC50] =	vst v45  }
0x1b3: {  	v53 =	vsub.f32 v26, v50;
	v21 =	vld [tilespmem:s19+$0x0];
	[tilespmem:$0x1FC60] =	vst v46  }
0x1b4: {  	v32 =	vadd.f32 v57, v54;
	v54 =	vsub.f32 v30, v50;
	v20 =	vld [tilespmem:s23+$0x10];
	[tilespmem:$0x1FC70] =	vst v52  }
0x1b5: {  	v58 =	vsub.f32 v39, v50;
	[tilespmem:$0x1FC80] =	vst v53  }
0x1b6: {  	v32 =	vadd.f32 v59, v32;
	v59 =	vsub.f32 v40, v50;
	v24 =	vld [tilespmem:s19+$0x10];
	[tilespmem:$0x1FC90] =	vst v54  }
0x1b7: {  	v26 =	vld [tilespmem:s23+$0xFFFFFF00];
	[tilespmem:$0x1FCA0] =	vst v58  }
0x1b8: {  	v34 =	vmul.f32 v19, v19;
	v42 =	vadd.f32 v19, v42;
	[tilespmem:$0x1FCB0] =	vst v59  }
0x1b9: {  	v61 =	vld [tilespmem:s23+$0xFFFFFF20]  }
0x1ba: {  	v32 =	vadd.f32 v34, v32;
	v49 =	vperm.xlane v42, v1;
	v59 =	vadd.f32 v51, v23;
	v23 =	vld [tilespmem:s19+$0xFFFFFF20]  }
0x1bb: {  	v5 =	vadd.f32 v38, v22;
	v22 =	vld [tilespmem:s23+$0xFFFFFFA0]  }
0x1bc: {  	v19 =	vadd.f32 v63, v27;
	v63 =	vld [tilespmem:s19+$0xFFFFFFA0];
	v30 =	vadd.f32 v42, v49;
	v55 =	vperm.xlane v32, v1  }
0x1bd: {  	v31 =	vadd.f32 $9.999999740e-06, v31;
	v11 =	vadd.f32 v21, v11;
	v21 =	vld [tilespmem:s19+$0x20]  }
0x1be: {  	v62 =	vperm.xlane v30, v2;
	v32 =	vadd.f32 v55, v32;
	v4 =	vadd.f32 v24, v20;
	v24 =	vld [tilespmem:s23+$0xFFFFFF30]  }
0x1bf: {  	v37 =	vmul.f32 v5, v5;
	v38 =	vmul.f32 v19, v19;
	v53 =	vadd.f32 v29, v26;
	v26 =	vld [tilespmem:s23+$0x20]  }
0x1c0: {  	v30 =	vadd.f32 v30, v62;
	v35 =	vperm.xlane v32, v2;
	v54 =	vadd.f32 v23, v61;
	v23 =	vld [tilespmem:s19+$0xFFFFFF30]  }
0x1c1: {  	v27 =	vmul.f32 v59, v59;
	v56 =	vadd.f32 v38, v37;
	v55 =	vmul.f32 v11, v11  }
0x1c2: {  	v45 =	vmul.f32 v53, v53;
	v29 =	vadd.f32 v35, v32;
	v39 =	vperm.xlane v30, v3  }
0x1c3: {  	v37 =	vadd.f32 $9.999999740e-06, v48;
	v57 =	vmul.f32 v4, v4;
	v61 =	vadd.f32 v63, v22  }
0x1c4: {  	v27 =	vadd.f32 v27, v45;
	v30 =	vadd.f32 v30, v39;
	v46 =	vperm.xlane v29, v3  }
0x1c5: {  	v63 =	vadd.f32 v21, v26;
	v26 =	vld [tilespmem:s19+$0xFFFFFFB0];
	v50 =	vadd.f32 v23, v24;
	v23 =	vmul.f32 v54, v54  }
0x1c6: {  	v43 =	vshra.s32 v37, $0x1;
	v22 =	vadd.f32 v46, v29;
	v29 =	vld [tilespmem:s23+$0xFFFFFFB0];
	v58 =	vperm.xlane v30, v15  }
0x1c7: {  	v33 =	vld [tilespmem:s23+$0x30];
	v38 =	vadd.f32 v57, v55;
	v55 =	vmul.f32 $5.000000000e-01, v37;
	v37 =	vadd.f32 v23, v27  }
0x1c8: {  	v28 =	vld [tilespmem:s19+$0x30];
	v27 =	vsub.s32 $0x5F3759DF, v43;
	v30 =	vadd.f32 v30, v58;
	v42 =	vperm.xlane v22, v15  }
0x1c9: {  	v40 =	vmul.f32 $5.000000000e-01, v31;
	v44 =	vld [tilespmem:s19+$0xFFFFFF40];
	v45 =	vshra.s32 v31, $0x1;
	v31 =	vmul.f32 v27, v55  }
0x1ca: {  	v25 =	vld [tilespmem:s23+$0x40];
	v22 =	vadd.f32 v42, v22;
	v41 =	vmul.f32 $7.812500000e-03, v30  }
0x1cb: {  	v57 =	vld [tilespmem:s23+$0xFFFFFF40];
	v51 =	vadd.f32 v26, v29;
	v26 =	vmul.f32 v27, v31  }
0x1cc: {  	v23 =	vld [tilespmem:s19+$0x40];
	v22 =	vmul.f32 $7.812500000e-03, v22;
	v31 =	vmul.f32 v41, v41;
	_ =	sdelay $0x1  }
0x1cd: {  	v24 =	vld [tilespmem:s19+$0xFFFFFFC0];
	v22 =	vsub.f32 v22, v31  }
0x1ce: {  	v52 =	vadd.f32 v28, v33;
	v20 =	vsub.s32 $0x5F3759DF, v45;
	v46 =	vld [tilespmem:s23+$0xFFFFFFC0];
	v21 =	vmul.f32 v63, v63  }
0x1cf: {  	v48 =	vadd.f32 v44, v57;
	v30 =	vmul.f32 v61, v61;
	v42 =	vld [tilespmem:s23+$0xFFFFFF50];
	v29 =	vmul.f32 v20, v40;
	[tilespmem:$0x1FC30] =	vst v22  }
0x1d0: {  	v21 =	vadd.f32 v21, v38;
	v62 =	vadd.f32 v23, v25;
	v23 =	vmul.f32 v52, v52;
	v43 =	vld [tilespmem:s19+$0xFFFFFF50]  }
0x1d1: {  	v30 =	vadd.f32 v30, v56;
	v26 =	vsub.f32 $1.500000000e+00, v26;
	v29 =	vmul.f32 v20, v29;
	v38 =	vld [tilespmem:s23+$0xFFFFFFD0]  }
0x1d2: {  	v28 =	vadd.f32 v23, v21;
	v23 =	vadd.f32 $9.999999740e-06, v47;
	v57 =	vld [tilespmem:s19+$0xFFFFFFD0]  }
0x1d3: {  	v35 =	vmul.f32 v27, v26;
	v26 =	vsub.f32 $1.500000000e+00, v29;
	v27 =	vmul.f32 v51, v51;
	v32 =	vld [tilespmem:s23+$0x50]  }
0x1d4: {  	v49 =	vadd.f32 v24, v46;
	v22 =	vmul.f32 v50, v50;
	v24 =	vmul.f32 $5.000000000e-01, v23;
	v39 =	vld [tilespmem:s19+$0x50]  }
0x1d5: {  	v58 =	vmul.f32 v20, v26;
	v20 =	vadd.f32 $9.999999740e-06, v36;
	v26 =	vadd.f32 v27, v30;
	v36 =	vld [tilespmem:s23+$0xFFFFFF60]  }
0x1d6: {  	v30 =	vmul.f32 v48, v48;
	v31 =	vld [tilespmem:s19+$0xFFFFFF60];
	v22 =	vadd.f32 v22, v37;
	v37 =	vshra.s32 v23, $0x1  }
0x1d7: {  	v33 =	vld [tilespmem:s23+$0xFFFFFFE0];
	v23 =	vmul.f32 v49, v49;
	v27 =	vshra.s32 v20, $0x1;
	v34 =	vmul.f32 $5.000000000e-01, v20  }
0x1d8: {  	v20 =	vmul.f32 v62, v62;
	v47 =	vsub.s32 $0x5F3759DF, v27;
	v29 =	vadd.f32 v30, v22;
	v27 =	vld [tilespmem:s19+$0xFFFFFFE0]  }
0x1d9: {  	v30 =	vmul.f32 v47, v34;
	v45 =	vadd.f32 v57, v38;
	v57 =	vsub.s32 $0x5F3759DF, v37  }
0x1da: {  	v25 =	vld [tilespmem:s19+$0x60];
	v23 =	vadd.f32 v23, v26;
	v22 =	vadd.f32 v20, v28;
	v26 =	vmul.f32 v57, v24  }
0x1db: {  	v56 =	vld [tilespmem:s23+$0xFFFFFF70];
	v44 =	vadd.f32 v43, v42;
	v46 =	vadd.f32 v39, v32;
	v42 =	vmul.f32 v47, v30  }
0x1dc: {  	v39 =	vadd.f32 v31, v36;
	v30 =	vld [tilespmem:s23+$0x60];
	v20 =	vmul.f32 v45, v45;
	v26 =	vmul.f32 v57, v26  }
0x1dd: {  	v28 =	vld [tilespmem:s19+$0xFFFFFF70];
	v21 =	vmul.f32 v44, v44;
	v43 =	vsub.f32 $1.500000000e+00, v42;
	v42 =	vadd.f32 v27, v33  }
0x1de: {  	v31 =	vld [tilespmem:s19+$0xFFFFFFF0];
	v33 =	vmul.f32 v35, v55;
	v20 =	vadd.f32 v20, v23;
	v23 =	vsub.f32 $1.500000000e+00, v26  }
0x1df: {  	v21 =	vadd.f32 v21, v29;
	v29 =	vld [tilespmem:s23+$0xFFFFFFF0];
	v47 =	vmul.f32 v47, v43;
	v26 =	vmul.f32 v46, v46  }
0x1e0: {  	v55 =	vmul.f32 v57, v23;
	v23 =	vmul.f32 v42, v42  }
0x1e1: {  	v43 =	vadd.f32 v25, v30;
	v25 =	vmul.f32 v33, v35  }
0x1e2: {  	v22 =	vadd.f32 v26, v22;
	v33 =	vadd.f32 v23, v20;
	v20 =	vmul.f32 v47, v34  }
0x1e3: {  	v57 =	vadd.f32 v28, v56;
	v28 =	vmul.f32 v58, v40;
	v30 =	vmul.f32 v43, v43  }
0x1e4: {  	v38 =	vadd.f32 v31, v29;
	v24 =	vmul.f32 v55, v24;
	v34 =	vld [tilespmem:s19+$0x70];
	v20 =	vmul.f32 v20, v47  }
0x1e5: {  	v29 =	vadd.f32 v30, v22;
	v22 =	vsub.f32 $1.500000000e+00, v25;
	v25 =	vmul.f32 v28, v58;
	v30 =	vld [tilespmem:s23+$0x70]  }
0x1e6: {  	v56 =	vsub.f32 $1.500000000e+00, v20;
	v20 =	vld [tilespmem:$0x1FB30]  }
0x1e7: {  	v24 =	vmul.f32 v24, v55;
	v25 =	vsub.f32 $1.500000000e+00, v25  }
0x1e8: {  	v37 =	vadd.f32 v4, v11  }
0x1e9: {  	v24 =	vsub.f32 $1.500000000e+00, v24;
	v25 =	vmul.f32 v25, v58  }
0x1ea: {  	v40 =	vadd.f32 v63, v37  }
0x1eb: {  	v37 =	vadd.f32 v34, v30;
	v30 =	vmul.f32 v24, v55;
	v55 =	vmul.f32 v25, v20;
	v20 =	vld [tilespmem:$0x1FB40];
	_ =	sdelay $0x4  }
0x1ec: {  	v58 =	vmul.f32 v25, v20;
	v20 =	vld [tilespmem:$0x1FB50];
	_ =	sdelay $0x4  }
0x1ed: {  	v20 =	vmul.f32 v25, v20;
	_ =	sdelay $0x1  }
0x1ee: {  	[tilespmem:$0x1FD00] =	vst v20;
	v20 =	vld [tilespmem:$0x1FB60];
	_ =	sdelay $0x4  }
0x1ef: {  	v20 =	vmul.f32 v25, v20;
	_ =	sdelay $0x1  }
0x1f0: {  	[tilespmem:$0x1FD10] =	vst v20;
	v20 =	vld [tilespmem:$0x1FB70];
	_ =	sdelay $0x4  }
0x1f1: {  	v20 =	vmul.f32 v25, v20;
	_ =	sdelay $0x1  }
0x1f2: {  	[tilespmem:$0x1FD20] =	vst v20;
	v20 =	vld [tilespmem:$0x1FB80];
	_ =	sdelay $0x1  }
0x1f3: {  	v28 =	vadd.f32 v59, v53;
	_ =	sdelay $0x1  }
0x1f4: {  	v28 =	vadd.f32 v54, v28  }
0x1f5: {  	v20 =	vmul.f32 v25, v20  }
0x1f6: {  	v28 =	vadd.f32 v50, v28  }
0x1f7: {  	v31 =	vadd.f32 v19, v5;
	[tilespmem:$0x1FD30] =	vst v20;
	v20 =	vld [tilespmem:$0x1FB90]  }
0x1f8: {  	v28 =	vadd.f32 v48, v28  }
0x1f9: {  	v31 =	vadd.f32 v61, v31  }
0x1fa: {  	v28 =	vadd.f32 v44, v28  }
0x1fb: {  	v36 =	vmul.f32 v39, v39;
	v31 =	vadd.f32 v51, v31  }
0x1fc: {  	v24 =	vadd.f32 v52, v40;
	v28 =	vadd.f32 v39, v28;
	v20 =	vmul.f32 v25, v20  }
0x1fd: {  	v21 =	vadd.f32 v36, v21;
	v31 =	vadd.f32 v49, v31  }
0x1fe: {  	v24 =	vadd.f32 v62, v24;
	v28 =	vadd.f32 v57, v28;
	[tilespmem:$0x1FD40] =	vst v20;
	v20 =	vld [tilespmem:$0x1FBA0]  }
0x1ff: {  	v36 =	vmul.f32 v56, v47;
	v47 =	vmul.f32 v57, v57;
	v31 =	vadd.f32 v45, v31  }
0x200: {  	v24 =	vadd.f32 v46, v24;
	v56 =	vperm.xlane v28, v1  }
0x201: {  	v21 =	vadd.f32 v47, v21;
	v31 =	vadd.f32 v42, v31  }
0x202: {  	v26 =	vmul.f32 v22, v35;
	v24 =	vadd.f32 v43, v24;
	v28 =	vadd.f32 v28, v56  }
0x203: {  	v20 =	vmul.f32 v25, v20;
	v25 =	vadd.f32 v38, v31;
	v31 =	vmul.f32 v38, v38  }
0x204: {  	v35 =	vmul.f32 v37, v37;
	v24 =	vadd.f32 v37, v24;
	v56 =	vperm.xlane v21, v1  }
0x205: {  	v32 =	vld [tilespmem:$0x1FBB0];
	v47 =	vperm.xlane v25, v1;
	v31 =	vadd.f32 v31, v33;
	v33 =	vperm.xlane v28, v2  }
0x206: {  	v29 =	vadd.f32 v35, v29;
	v40 =	vperm.xlane v24, v1;
	v21 =	vadd.f32 v56, v21  }
0x207: {  	v25 =	vadd.f32 v25, v47;
	v47 =	vperm.xlane v31, v1;
	v28 =	vadd.f32 v28, v33;
	v33 =	vld [tilespmem:$0x1FBC0]  }
0x208: {  	v56 =	vperm.xlane v29, v1;
	v1 =	vperm.xlane v21, v2  }
0x209: {  	v24 =	vadd.f32 v24, v40;
	v31 =	vadd.f32 v47, v31;
	v47 =	vld [tilespmem:$0x1FBD0]  }
0x20a: {  	v40 =	vperm.xlane v25, v2;
	v35 =	vadd.f32 v1, v21;
	v1 =	vmul.f32 v36, v32  }
0x20b: {  	v29 =	vadd.f32 v56, v29;
	v56 =	vld [tilespmem:$0x1FBE0]  }
0x20c: {  	v34 =	vadd.f32 v25, v40;
	[tilespmem:$0x1FD60] =	vst v1;
	v1 =	vmul.f32 v36, v33  }
0x20d: {  	v33 =	vld [tilespmem:$0x1FBF0]  }
0x20e: {  	v32 =	vperm.xlane v34, v3;
	[tilespmem:$0x1FD70] =	vst v1;
	v1 =	vmul.f32 v36, v47;
	_ =	sdelay $0x1  }
0x20f: {  	v34 =	vadd.f32 v34, v32;
	v32 =	vld [tilespmem:$0x1FC00];
	[tilespmem:$0x1FD80] =	vst v1;
	v1 =	vmul.f32 v36, v56;
	_ =	sdelay $0x1  }
0x210: {  	[tilespmem:$0x1FD90] =	vst v1;
	v1 =	vmul.f32 v36, v33;
	v33 =	vld [tilespmem:$0x1FC10];
	_ =	sdelay $0x1  }
0x211: {  	v21 =	vperm.xlane v28, v3  }
0x212: {  	v25 =	vperm.xlane v24, v2;
	[tilespmem:$0x1FDA0] =	vst v1;
	v1 =	vmul.f32 v36, v32  }
0x213: {  	v28 =	vadd.f32 v28, v21  }
0x214: {  	v21 =	vperm.xlane v29, v2;
	v40 =	vadd.f32 v24, v25;
	[tilespmem:$0x1FDB0] =	vst v1;
	v1 =	vmul.f32 v36, v33;
	v33 =	vld [tilespmem:$0x1FC20];
	_ =	sdelay $0x1  }
0x215: {  	v47 =	vperm.xlane v40, v3;
	v56 =	vadd.f32 v21, v29;
	_ =	sdelay $0x1  }
0x216: {  	v22 =	vadd.f32 v40, v47;
	v47 =	vld [tilespmem:$0x1FC30];
	v21 =	vperm.xlane v56, v3  }
0x217: {  	v24 =	vperm.xlane v31, v2;
	[tilespmem:$0x1FDC0] =	vst v1;
	v1 =	vmul.f32 v36, v33;
	v33 =	vld [tilespmem:$0x1FC50]  }
0x218: {  	v29 =	vperm.xlane v35, v3;
	v23 =	vadd.f32 v21, v56;
	v56 =	vld [tilespmem:$0x1FC40]  }
0x219: {  	[tilespmem:$0x1FD50] =	vst v20;
	v20 =	vperm.xlane v28, v15;
	v31 =	vadd.f32 v24, v31  }
0x21a: {  	v35 =	vadd.f32 v29, v35;
	v36 =	vld [tilespmem:$0x1FC60]  }
0x21b: {  	v27 =	vadd.f32 v28, v20;
	v32 =	vperm.xlane v31, v3  }
0x21c: {  	v21 =	vperm.xlane v35, v15;
	v28 =	vadd.f32 $9.999999740e-06, v47;
	v40 =	vmul.f32 v30, v33;
	v33 =	vld [tilespmem:$0x1FC70]  }
0x21d: {  	v20 =	vperm.xlane v34, v15;
	v31 =	vadd.f32 v32, v31;
	[tilespmem:$0x1FDD0] =	vst v1;
	v1 =	vmul.f32 v30, v56  }
0x21e: {  	v24 =	vadd.f32 v21, v35;
	v35 =	vld [tilespmem:$0x1FC80];
	v32 =	vshra.s32 v28, $0x1;
	v28 =	vmul.f32 $5.000000000e-01, v28  }
0x21f: {  	v56 =	vsub.s32 $0x5F3759DF, v32;
	[tilespmem:$0x1FDE0] =	vst v1;
	v1 =	vmul.f32 v30, v36  }
0x220: {  	v27 =	vmul.f32 $7.812500000e-03, v27;
	v25 =	vadd.f32 v34, v20;
	v34 =	vmul.f32 v56, v28;
	v36 =	vld [tilespmem:$0x1FC90]  }
0x221: {  	v47 =	vperm.xlane v31, v15;
	[tilespmem:$0x1FDF0] =	vst v1;
	v1 =	vmul.f32 v30, v33  }
0x222: {  	v20 =	vperm.xlane v22, v15;
	v54 =	vsub.f32 v54, v27;
	v34 =	vmul.f32 v56, v34  }
0x223: {  	v48 =	vsub.f32 v48, v27;
	v31 =	vadd.f32 v47, v31;
	v47 =	vld [tilespmem:$0x1FCA0];
	[tilespmem:$0x1FE00] =	vst v1;
	v1 =	vmul.f32 v30, v35  }
0x224: {  	v44 =	vsub.f32 v44, v27;
	v34 =	vsub.f32 $1.500000000e+00, v34;
	v33 =	vld [tilespmem:$0x1FCB0]  }
0x225: {  	v29 =	vadd.f32 v22, v20;
	v25 =	vmul.f32 $7.812500000e-03, v25;
	[tilespmem:$0x1FE10] =	vst v1;
	v1 =	vmul.f32 v30, v36;
	v36 =	vld [tilespmem:$0x1FCC0]  }
0x226: {  	v20 =	vsub.f32 v10, v60;
	v15 =	vperm.xlane v23, v15;
	v34 =	vmul.f32 v56, v34;
	v56 =	vld [tilespmem:$0x1FCD0]  }
0x227: {  	v22 =	vsub.f32 v8, v60;
	v21 =	vmul.f32 v25, v25;
	v31 =	vmul.f32 $7.812500000e-03, v31  }
0x228: {  	v29 =	vmul.f32 $7.812500000e-03, v29;
	v24 =	vmul.f32 $7.812500000e-03, v24;
	v23 =	vadd.f32 v15, v23  }
0x229: {  	v31 =	vsub.f32 v31, v21;
	v10 =	vmul.f32 v34, v28;
	v28 =	vsub.f32 v7, v60  }
0x22a: {  	v3 =	vmul.f32 v30, v33;
	[tilespmem:$0x1FE20] =	vst v1;
	v1 =	vmul.f32 v30, v47;
	v30 =	vsub.f32 v36, v60  }
0x22b: {  	v2 =	vsub.f32 v56, v60;
	v33 =	vmul.f32 v26, v20;
	v20 =	vmul.f32 v27, v27  }
0x22c: {  	v56 =	vmul.f32 v26, v22;
	v36 =	vmul.f32 v26, v30;
	v30 =	vsub.f32 v6, v60  }
0x22d: {  	v47 =	vsub.f32 v0, v60;
	v20 =	vsub.f32 v24, v20;
	v24 =	vmul.f32 $7.812500000e-03, v23  }
0x22e: {  	v23 =	vmul.f32 v29, v29;
	v60 =	vsub.f32 v9, v60;
	v15 =	vmul.f32 v26, v30  }
0x22f: {  	v0 =	vmul.f32 v26, v2;
	v35 =	vmul.f32 v26, v47;
	v20 =	vadd.f32 $9.999999740e-06, v20  }
0x230: {  	v47 =	vmul.f32 v26, v28;
	v23 =	vsub.f32 v24, v23;
	[tilespmem:$0x1FE90] =	vst v15;
	v15 =	vmul.f32 v26, v60  }
0x231: {  	v26 =	vadd.f32 $9.999999740e-06, v31;
	v31 =	vshra.s32 v20, $0x1;
	v20 =	vmul.f32 $5.000000000e-01, v20  }
0x232: {  	v39 =	vsub.f32 v39, v27;
	v23 =	vadd.f32 $9.999999740e-06, v23;
	v31 =	vsub.s32 $0x5F3759DF, v31  }
0x233: {  	v63 =	vsub.f32 v63, v29;
	v62 =	vsub.f32 v62, v29;
	v6 =	vmul.f32 v31, v20  }
0x234: {  	v30 =	vmul.f32 v10, v34;
	v2 =	vshra.s32 v23, $0x1;
	v23 =	vmul.f32 $5.000000000e-01, v23  }
0x235: {  	v28 =	vsub.f32 v53, v27;
	v53 =	vsub.s32 $0x5F3759DF, v2;
	v8 =	vmul.f32 v31, v6  }
0x236: {  	v43 =	vsub.f32 v43, v29;
	v22 =	vsub.f32 $1.500000000e+00, v30;
	v9 =	vmul.f32 v53, v23  }
0x237: {  	v60 =	vsub.f32 v50, v27;
	v50 =	vsub.f32 $1.500000000e+00, v8  }
0x238: {  	[tilespmem:$0x1FEB0] =	vst v56;
	v30 =	vsub.f32 v59, v27;
	v27 =	vsub.f32 v57, v27;
	v56 =	vmul.f32 v53, v9  }
0x239: {  	[tilespmem:$0x1FE30] =	vst v1;
	v1 =	vshra.s32 v26, $0x1;
	v26 =	vmul.f32 $5.000000000e-01, v26;
	v31 =	vmul.f32 v31, v50  }
0x23a: {  	[tilespmem:$0x1FE40] =	vst v0;
	v0 =	vld [tilespmem:$0x1FF30];
	v22 =	vmul.f32 v22, v34;
	v32 =	vsub.s32 $0x5F3759DF, v1;
	v56 =	vsub.f32 $1.500000000e+00, v56  }
0x23b: {  	v57 =	vsub.f32 v19, v25;
	v19 =	vld [tilespmem:$0x1FFB0];
	v7 =	vmul.f32 v32, v26;
	v20 =	vmul.f32 v31, v20  }
0x23c: {  	v34 =	vmul.f32 v53, v56;
	v53 =	vsub.f32 v42, v25;
	v42 =	vsub.f32 v4, v29;
	v4 =	vld [tilespmem:$0x1FEC0]  }
0x23d: {  	v6 =	vsub.f32 v46, v29;
	v59 =	vmul.f32 v32, v7;
	v20 =	vmul.f32 v20, v31  }
0x23e: {  	[tilespmem:$0x1FEA0] =	vst v47;
	v56 =	vsub.f32 v11, v29;
	v7 =	vsub.f32 v37, v29  }
0x23f: {  	v33 =	vmul.f32 v33, v0;
	[tilespmem:$0x1FE70] =	vst v6;
	v10 =	vsub.f32 $1.500000000e+00, v59;
	v47 =	vsub.f32 $1.500000000e+00, v20  }
0x240: {  	v50 =	vsub.f32 v5, v25;
	[tilespmem:$0x1FE50] =	vst v42;
	v5 =	vsub.f32 v52, v29  }
0x241: {  	v11 =	vld [tilespmem:$0x1FF40];
	[tilespmem:$0x1FE80] =	vst v7;
	v29 =	vmul.f32 v36, v4;
	v36 =	vmul.f32 v47, v31;
	v31 =	vadd.f32 v33, v19  }
0x242: {  	s22 =	simm.s32 $0x12900;
	v8 =	vld [tilespmem:$0x1FCE0];
	v32 =	vmul.f32 v32, v10;
	[tilespmem:$0x1FE60] =	vst v5  }
0x243: {  	v5 =	vld [tilespmem:$0x1FED0];
	[tilespmem:s22+$0xF0] =	vst v31  }
0x244: {  	v21 =	vsub.f32 v12, v41;
	v26 =	vmul.f32 v32, v26;
	v12 =	vld [tilespmem:$0x1FCF0];
	_ =	sdelay $0x1  }
0x245: {  	v26 =	vmul.f32 v26, v32;
	_ =	sdelay $0x1  }
0x246: {  	v26 =	vsub.f32 $1.500000000e+00, v26  }
0x247: {  	v10 =	vmul.f32 v55, v4;
	v55 =	vsub.f32 v12, v41;
	v12 =	vld [tilespmem:$0x1FF50]  }
0x248: {  	v46 =	vmul.f32 v26, v32;
	v26 =	vadd.f32 v29, v11;
	_ =	sdelay $0x1  }
0x249: {  	v23 =	vmul.f32 v34, v23;
	v9 =	vmul.f32 v35, v5;
	[tilespmem:s22+$0x80] =	vst v26  }
0x24a: {  	v51 =	vsub.f32 v51, v25;
	v6 =	vld [tilespmem:$0x1FEE0]  }
0x24b: {  	v23 =	vmul.f32 v23, v34;
	v29 =	vsub.f32 v14, v41;
	v14 =	vld [tilespmem:$0x1FD00];
	v31 =	vadd.f32 v9, v12  }
0x24c: {  	v49 =	vsub.f32 v49, v25;
	v59 =	vsub.f32 v61, v25;
	v7 =	vld [tilespmem:$0x1FEF0]  }
0x24d: {  	v61 =	vsub.f32 v16, v41;
	v23 =	vsub.f32 $1.500000000e+00, v23;
	v16 =	vld [tilespmem:$0x1FD10];
	[tilespmem:s22+$0x90] =	vst v31  }
0x24e: {  	v45 =	vsub.f32 v45, v25;
	v32 =	vsub.f32 v8, v41;
	v8 =	vld [tilespmem:$0x1FF00]  }
0x24f: {  	v25 =	vsub.f32 v38, v25;
	v23 =	vmul.f32 v23, v34;
	v34 =	vadd.f32 v10, v11;
	v38 =	vld [tilespmem:$0x1FD20]  }
0x250: {  	v35 =	vsub.f32 v13, v41;
	v13 =	vmul.f32 v58, v5;
	v9 =	vld [tilespmem:$0x1FF10]  }
0x251: {  	v24 =	vsub.f32 v17, v41;
	v1 =	vsub.f32 v18, v41;
	v41 =	vld [tilespmem:$0x1FD30];
	[tilespmem:s22+$0xFFFFFF00] =	vst v34  }
0x252: {  	v33 =	vadd.f32 v13, v12;
	v13 =	vld [tilespmem:$0x1FF60]  }
0x253: {  	v10 =	vld [tilespmem:$0x1FF20]  }
0x254: {  	v42 =	vld [tilespmem:$0x1FD40]  }
0x255: {  	v26 =	vmul.f32 v14, v6;
	v47 =	vld [tilespmem:$0x1FD50];
	[tilespmem:s22+$0xFFFFFF10] =	vst v33  }
0x256: {  	v14 =	vld [tilespmem:$0x1FF70]  }
0x257: {  	v26 =	vadd.f32 v26, v13;
	_ =	sdelay $0x1  }
0x258: {  	v17 =	vmul.f32 v16, v7;
	v52 =	vld [tilespmem:$0x1FD60];
	[tilespmem:s22+$0xFFFFFF20] =	vst v26  }
0x259: {  	v16 =	vld [tilespmem:$0x1FF80]  }
0x25a: {  	v2 =	vadd.f32 v17, v14;
	_ =	sdelay $0x1  }
0x25b: {  	v31 =	vmul.f32 v38, v8;
	[tilespmem:s22+$0xFFFFFF30] =	vst v2  }
0x25c: {  	v17 =	vld [tilespmem:$0x1FF90]  }
0x25d: {  	v26 =	vadd.f32 v31, v16;
	_ =	sdelay $0x1  }
0x25e: {  	v37 =	vmul.f32 v36, v44;
	v41 =	vmul.f32 v41, v9;
	[tilespmem:s22+$0xFFFFFF40] =	vst v26  }
0x25f: {  	v34 =	vmul.f32 v36, v48;
	v38 =	vmul.f32 v36, v54;
	v18 =	vld [tilespmem:$0x1FFA0]  }
0x260: {  	v20 =	vmul.f32 v47, v0;
	v47 =	vmul.f32 v36, v28;
	v28 =	vadd.f32 v41, v17  }
0x261: {  	v42 =	vmul.f32 v42, v10;
	v58 =	vmul.f32 v52, v4  }
0x262: {  	v52 =	vmul.f32 v36, v30;
	v30 =	vmul.f32 v36, v27;
	[tilespmem:s22+$0xFFFFFF50] =	vst v28  }
0x263: {  	v31 =	vmul.f32 v36, v39;
	v41 =	vmul.f32 v36, v60;
	v36 =	vld [tilespmem:$0x1FD70]  }
0x264: {  	v26 =	vadd.f32 v42, v18;
	_ =	sdelay $0x1  }
0x265: {  	v20 =	vadd.f32 v20, v19;
	[tilespmem:s22+$0xFFFFFF60] =	vst v26  }
0x266: {  	v39 =	vld [tilespmem:$0x1FD80]  }
0x267: {  	v33 =	vadd.f32 v58, v11;
	v27 =	vmul.f32 v36, v5;
	v42 =	vld [tilespmem:$0x1FD90];
	[tilespmem:s22+$0xFFFFFF70] =	vst v20  }
0x268: {  	v44 =	vld [tilespmem:$0x1FDA0]  }
0x269: {  	v27 =	vadd.f32 v27, v12;
	v48 =	vld [tilespmem:$0x1FDB0];
	[tilespmem:s22+$0xFFFFFF80] =	vst v33  }
0x26a: {  	v54 =	vld [tilespmem:$0x1FDC0]  }
0x26b: {  	v58 =	vld [tilespmem:$0x1FDD0];
	[tilespmem:s22+$0xFFFFFF90] =	vst v27  }
0x26c: {  	v60 =	vld [tilespmem:$0x1FDE0];
	v26 =	vmul.f32 v39, v6  }
0x26d: {  	v28 =	vmul.f32 v42, v7  }
0x26e: {  	v20 =	vmul.f32 v44, v8;
	v26 =	vadd.f32 v26, v13  }
0x26f: {  	v36 =	vmul.f32 v48, v9;
	v27 =	vadd.f32 v28, v14  }
0x270: {  	v48 =	vmul.f32 v58, v0;
	v20 =	vadd.f32 v20, v16;
	[tilespmem:s22+$0xFFFFFFA0] =	vst v26  }
0x271: {  	v39 =	vmul.f32 v54, v10;
	v2 =	vmul.f32 v60, v4;
	[tilespmem:s22+$0xFFFFFFB0] =	vst v27;
	v26 =	vadd.f32 v36, v17  }
0x272: {  	v60 =	vmul.f32 v40, v5;
	v40 =	vmul.f32 v46, v51;
	v51 =	vadd.f32 v48, v19;
	[tilespmem:s22+$0xFFFFFFC0] =	vst v20  }
0x273: {  	v20 =	vadd.f32 v39, v18;
	[tilespmem:s22+$0xFFFFFFD0] =	vst v26  }
0x274: {  	[tilespmem:s22+$0xFFFFFFF0] =	vst v51  }
0x275: {  	[tilespmem:s22+$0xFFFFFFE0] =	vst v20  }
0x276: {  	v44 =	vmul.f32 v46, v57;
	v57 =	vld [tilespmem:$0x1FDF0];
	_ =	sdelay $0x1  }
0x277: {  	v28 =	vmul.f32 v22, v32  }
0x278: {  	v20 =	vadd.f32 v2, v11  }
0x279: {  	v33 =	vmul.f32 v46, v59;
	v28 =	vmul.f32 v28, v0  }
0x27a: {  	v58 =	vmul.f32 v46, v49;
	v49 =	vadd.f32 v60, v12;
	v48 =	vld [tilespmem:$0x1FE00];
	[tilespmem:s22+$0x0] =	vst v20;
	v59 =	vmul.f32 v57, v6  }
0x27b: {  	v42 =	vmul.f32 v46, v50;
	v28 =	vadd.f32 v28, v19;
	v50 =	vld [tilespmem:$0x1FE10]  }
0x27c: {  	s23 =	simm.s32 $0x12B00;
	v51 =	vld [tilespmem:$0x1FE20];
	[tilespmem:s22+$0x10] =	vst v49;
	v36 =	vadd.f32 v59, v13  }
0x27d: {  	v54 =	vld [tilespmem:$0x1FE30];
	[tilespmem:s23+$0xF0] =	vst v28  }
0x27e: {  	[tilespmem:s22+$0x20] =	vst v36  }
0x27f: {  	v60 =	vld [tilespmem:$0x1FE40]  }
0x280: {  	v21 =	vmul.f32 v22, v21;
	v39 =	vmul.f32 v48, v7  }
0x281: {  	v29 =	vmul.f32 v22, v29;
	v20 =	vmul.f32 v50, v8  }
0x282: {  	v26 =	vmul.f32 v46, v53;
	v53 =	vmul.f32 v51, v9;
	v28 =	vadd.f32 v39, v14  }
0x283: {  	v59 =	vmul.f32 v3, v0;
	v57 =	vmul.f32 v54, v10;
	v20 =	vadd.f32 v20, v16  }
0x284: {  	[tilespmem:s22+$0x30] =	vst v28;
	v36 =	vmul.f32 v60, v6;
	v6 =	vmul.f32 v21, v5;
	v21 =	vadd.f32 v53, v17  }
0x285: {  	[tilespmem:s22+$0x40] =	vst v20;
	v20 =	vadd.f32 v57, v18  }
0x286: {  	v29 =	vmul.f32 v29, v4;
	v48 =	vld [tilespmem:$0x1FE50];
	[tilespmem:s22+$0x50] =	vst v21;
	v21 =	vadd.f32 v59, v19  }
0x287: {  	v50 =	vld [tilespmem:$0x1FE60];
	[tilespmem:s22+$0x60] =	vst v20  }
0x288: {  	v20 =	vadd.f32 v29, v11;
	v53 =	vld [tilespmem:$0x1FE70];
	[tilespmem:s22+$0x70] =	vst v21  }
0x289: {  	v54 =	vld [tilespmem:$0x1FE80]  }
0x28a: {  	v25 =	vmul.f32 v46, v25;
	v28 =	vmul.f32 v23, v56;
	v56 =	vld [tilespmem:$0x1FE90];
	[tilespmem:s23+$0x80] =	vst v20  }
0x28b: {  	v47 =	vmul.f32 v47, v4;
	v32 =	vmul.f32 v46, v45;
	v57 =	vld [tilespmem:$0x1FEA0]  }
0x28c: {  	v46 =	vmul.f32 v23, v62;
	v51 =	vmul.f32 v23, v48  }
0x28d: {  	v48 =	vmul.f32 v23, v63;
	v29 =	vmul.f32 v23, v43;
	v59 =	vld [tilespmem:$0x1FEB0]  }
0x28e: {  	v49 =	vmul.f32 v23, v50;
	v45 =	vmul.f32 v23, v53  }
0x28f: {  	v39 =	vadd.f32 v6, v12;
	v21 =	vmul.f32 v23, v54;
	v23 =	vmul.f32 v56, v7  }
0x290: {  	v62 =	vmul.f32 v15, v10;
	v36 =	vadd.f32 v36, v13;
	v20 =	vmul.f32 v57, v8  }
0x291: {  	v43 =	vmul.f32 v22, v35;
	v35 =	vmul.f32 v22, v55;
	[tilespmem:s23+$0x90] =	vst v39;
	v63 =	vadd.f32 v23, v14  }
0x292: {  	[tilespmem:s22+$0xA0] =	vst v36;
	v39 =	vmul.f32 v22, v24;
	v60 =	vmul.f32 v59, v9;
	v20 =	vadd.f32 v20, v16  }
0x293: {  	v36 =	vmul.f32 v22, v1;
	v23 =	vmul.f32 v22, v61;
	[tilespmem:s22+$0xB0] =	vst v63  }
0x294: {  	s10 =	simm.s32 $0x4;
	s11 =	simm.s32 $0x2D00;
	v22 =	vmul.f32 v52, v5;
	v24 =	vadd.f32 v60, v17;
	[tilespmem:s22+$0xC0] =	vst v20;
	v20 =	vadd.f32 v62, v18  }
.LBB2_7:
0x295: {  	v50 =	vld [tilespmem:s11+$0xA0]  }
0x296: {  	v4 =	vld [tilespmem:$0x1FEE0]  }
0x297: {  	v5 =	vld [tilespmem:$0x1FEF0]  }
0x298: {  	v2 =	vld [tilespmem:$0x1FF40]  }
0x299: {  	v6 =	vld [tilespmem:$0x1FF00]  }
0x29a: {  	v7 =	vld [tilespmem:$0x1FF10]  }
0x29b: {  	v3 =	vld [tilespmem:$0x1FF50]  }
0x29c: {  	v8 =	vld [tilespmem:$0x1FF20]  }
0x29d: {  	v17 =	vld [tilespmem:$0x1FF30]  }
0x29e: {  	v10 =	vld [tilespmem:$0x1FF60]  }
0x29f: {  	v1 =	vld [tilespmem:$0x1FEC0]  }
0x2a0: {  	v27 =	vld [tilespmem:$0x1FED0]  }
0x2a1: {  	v11 =	vld [tilespmem:$0x1FF70]  }
0x2a2: {  	v12 =	vld [tilespmem:$0x1FF80]  }
0x2a3: {  	v13 =	vld [tilespmem:$0x1FF90]  }
0x2a4: {  	v9 =	vld [tilespmem:$0x1FFA0]  }
0x2a5: {  	v19 =	vld [tilespmem:$0x1FFB0];
	[tilespmem:s22+$0xD0] =	vst v24  }
0x2a6: {  	s19 =	sadd.s32 $0x200, s19;
	v24 =	vld [tilespmem:s11+$0x80];
	[tilespmem:s22+$0xE0] =	vst v20  }
0x2a7: {  	v20 =	vld [tilespmem:s19+$0x80]  }
0x2a8: {  	v52 =	vld [tilespmem:s11+$0x90]  }
0x2a9: {  	v62 =	vld [tilespmem:s19+$0x90];
	v38 =	vmul.f32 v38, v4;
	v41 =	vmul.f32 v41, v5  }
0x2aa: {  	v63 =	vld [tilespmem:s19+$0xA0];
	v47 =	vadd.f32 v47, v2;
	v34 =	vmul.f32 v34, v6;
	v37 =	vmul.f32 v37, v7  }
0x2ab: {  	v54 =	vld [tilespmem:s19+$0xB0];
	v22 =	vadd.f32 v22, v3;
	v31 =	vmul.f32 v31, v8;
	v30 =	vmul.f32 v30, v17  }
0x2ac: {  	v61 =	vld [tilespmem:s19+$0xD0];
	v42 =	vmul.f32 v42, v1;
	v0 =	vmul.f32 v49, v5;
	[tilespmem:s23+$0xFFFFFF00] =	vst v47  }
0x2ad: {  	v14 =	vld [tilespmem:s19+$0xE0];
	v53 =	vmul.f32 v44, v27;
	v59 =	vmul.f32 v45, v7;
	[tilespmem:s23+$0xFFFFFF10] =	vst v22  }
0x2ae: {  	v16 =	vld [tilespmem:s11+$0xF0];
	v40 =	vmul.f32 v40, v5;
	v39 =	vmul.f32 v39, v6;
	[tilespmem:$0x1FAA0] =	vst v0  }
0x2af: {  	v55 =	vmul.f32 v32, v7;
	v32 =	vld [tilespmem:s11+$0xB0];
	v56 =	vmul.f32 v25, v17;
	v38 =	vadd.f32 v38, v10;
	[tilespmem:$0x1FAC0] =	vst v59  }
0x2b0: {  	v57 =	vmul.f32 v28, v1;
	v22 =	vadd.f32 v41, v11;
	v34 =	vadd.f32 v34, v12;
	[tilespmem:$0x1FB00] =	vst v39;
	v39 =	vld [tilespmem:s11+$0x10]  }
0x2b1: {  	v51 =	vmul.f32 v51, v27;
	v25 =	vadd.f32 v31, v9;
	v47 =	vadd.f32 v20, v24;
	v20 =	vld [tilespmem:s19+$0xC0];
	[tilespmem:s23+$0xFFFFFF20] =	vst v38  }
0x2b2: {  	v60 =	vmul.f32 v29, v8;
	v42 =	vadd.f32 v42, v2;
	v24 =	vld [tilespmem:s11+$0xD0];
	[tilespmem:s23+$0xFFFFFF30] =	vst v22;
	v22 =	vadd.f32 v37, v13  }
0x2b3: {  	v41 =	vmul.f32 v33, v4;
	v44 =	vadd.f32 v62, v52;
	v31 =	vadd.f32 v63, v50;
	[tilespmem:s23+$0xFFFFFF40] =	vst v34;
	v34 =	vld [tilespmem:s11+$0xC0]  }
0x2b4: {  	v38 =	vmul.f32 v58, v6;
	v58 =	vmul.f32 v46, v6;
	v6 =	vld [tilespmem:s11+$0xFFFFFF80];
	[tilespmem:s23+$0xFFFFFF50] =	vst v22;
	v22 =	vadd.f32 v30, v19  }
0x2b5: {  	[tilespmem:$0x1FAD0] =	vst v60;
	v62 =	vadd.f32 v44, v47;
	v63 =	vmul.f32 v44, v44;
	v32 =	vadd.f32 v54, v32;
	v54 =	vld [tilespmem:s19+$0xF0]  }
0x2b6: {  	v40 =	vadd.f32 v40, v11;
	v30 =	vmul.f32 v48, v4;
	v48 =	vld [tilespmem:s11+$0xE0];
	[tilespmem:s23+$0xFFFFFF70] =	vst v22;
	v22 =	vmul.f32 v47, v47  }
0x2b7: {  	v37 =	vmul.f32 v26, v8;
	v15 =	vadd.f32 v31, v62;
	v62 =	vmul.f32 v35, v8;
	v8 =	vld [tilespmem:s19+$0xFFFFFF80];
	[tilespmem:s23+$0xFFFFFF80] =	vst v42  }
0x2b8: {  	[tilespmem:s23+$0xFFFFFF60] =	vst v25;
	v59 =	vadd.f32 v41, v10;
	v50 =	vmul.f32 v31, v31;
	v42 =	vld [tilespmem:s11+$0xFFFFFF90];
	v46 =	vadd.f32 v63, v22  }
0x2b9: {  	[tilespmem:$0x1FAB0] =	vst v58;
	v33 =	vadd.f32 v20, v34;
	v34 =	vmul.f32 v23, v5;
	v49 =	vadd.f32 v32, v15;
	v58 =	vld [tilespmem:s19+$0xFFFFFF00]  }
0x2ba: {  	v4 =	vmul.f32 v43, v4;
	v60 =	vmul.f32 v32, v32;
	[tilespmem:$0x1FB20] =	vst v62;
	v5 =	vld [tilespmem:s19+$0xFFFFFF10];
	v46 =	vadd.f32 v50, v46  }
0x2bb: {  	v26 =	vmov v1;
	v62 =	vld [tilespmem:s19+$0x0];
	[tilespmem:$0x1FAF0] =	vst v34;
	v34 =	vadd.f32 v61, v24;
	v1 =	vadd.f32 v33, v49  }
0x2bc: {  	[tilespmem:$0x1FAE0] =	vst v4;
	v63 =	vld [tilespmem:s11+$0xFFFFFF10];
	v54 =	vadd.f32 v54, v16;
	v4 =	vmul.f32 v33, v33;
	v0 =	vadd.f32 v60, v46  }
0x2bd: {  	v16 =	vld [tilespmem:s19+$0xFFFFFF90];
	v61 =	vmul.f32 v36, v7;
	v35 =	vadd.f32 v14, v48;
	v46 =	vadd.f32 v34, v1  }
0x2be: {  	v20 =	vmovc v3;
	v14 =	vadd.f32 v53, v3;
	v3 =	vld [tilespmem:$0x1FFC0];
	v7 =	vmul.f32 v34, v34;
	v45 =	vadd.f32 v4, v0  }
0x2bf: {  	v38 =	vadd.f32 v38, v12;
	[tilespmem:s23+$0xFFFFFFA0] =	vst v59;
	v59 =	vld [tilespmem:s11+$0xFFFFFF00];
	v46 =	vadd.f32 v35, v46  }
0x2c0: {  	v51 =	vadd.f32 v51, v20;
	v24 =	vmovc v12;
	v12 =	vld [tilespmem:s19+$0x10];
	v15 =	vmul.f32 v35, v35;
	v45 =	vadd.f32 v7, v45  }
0x2c1: {  	v28 =	vmovc v11;
	v22 =	vmov v2;
	v36 =	vadd.f32 v8, v6;
	v8 =	vld [tilespmem:s19+$0xFFFFFF20];
	v46 =	vadd.f32 v54, v46  }
0x2c2: {  	[tilespmem:$0x1FB10] =	vst v61;
	v61 =	vmul.f32 v54, v54;
	v7 =	vadd.f32 v57, v2;
	v2 =	vld [tilespmem:$0x1FFD0];
	v45 =	vadd.f32 v15, v45  }
0x2c3: {  	v6 =	vadd.f32 v56, v19;
	[tilespmem:s23+$0xFFFFFF90] =	vst v14;
	v14 =	vadd.f32 v55, v13;
	v60 =	vld [tilespmem:s11+$0x0];
	v11 =	vperm.xlane v46, v3  }
0x2c4: {  	v25 =	vmov v10;
	[tilespmem:s23+$0xFFFFFFC0] =	vst v38;
	v1 =	vld [tilespmem:$0x1FFE0];
	v38 =	vadd.f32 v16, v42;
	v10 =	vadd.f32 v61, v45  }
0x2c5: {  	v23 =	vmov v9;
	[tilespmem:s23+$0xFFFFFFB0] =	vst v40;
	v4 =	vld [tilespmem:s11+$0xFFFFFF20];
	v15 =	vadd.f32 v37, v9;
	v16 =	vadd.f32 v46, v11  }
0x2c6: {  	v41 =	vadd.f32 v5, v63;
	v5 =	vmul.f32 v36, v36;
	[tilespmem:s23+$0xFFFFFFD0] =	vst v14;
	v0 =	vld [tilespmem:$0x1FFF0];
	v63 =	vperm.xlane v10, v3  }
0x2c7: {  	v49 =	vadd.f32 v58, v59;
	v39 =	vadd.f32 v12, v39;
	[tilespmem:s23+$0xFFFFFFE0] =	vst v15;
	v61 =	vld [tilespmem:s11+$0xFFFFFF30];
	v9 =	vperm.xlane v16, v2  }
0x2c8: {  	v40 =	vmul.f32 v41, v41;
	v14 =	vmul.f32 v38, v38;
	[tilespmem:s23+$0x0] =	vst v7;
	v43 =	vadd.f32 v63, v10;
	v10 =	vld [tilespmem:s11+$0xFFFFFFA0]  }
0x2c9: {  	v12 =	vmul.f32 v49, v49;
	v37 =	vadd.f32 v62, v60;
	[tilespmem:s23+$0xFFFFFFF0] =	vst v6;
	v42 =	vadd.f32 v16, v9;
	v16 =	vld [tilespmem:s11+$0x20]  }
0x2ca: {  	v53 =	vadd.f32 v38, v36;
	[tilespmem:s23+$0x10] =	vst v51;
	v60 =	vld [tilespmem:s19+$0xFFFFFFA0]  }
0x2cb: {  	v52 =	vadd.f32 v14, v5;
	v59 =	vadd.f32 v40, v12;
	v56 =	vmul.f32 v37, v37;
	v51 =	vld [tilespmem:s19+$0x20]  }
0x2cc: {  	v62 =	vadd.f32 v41, v49;
	v46 =	vld [tilespmem:s19+$0xFFFFFF30];
	v63 =	vmul.f32 v39, v39;
	v15 =	vperm.xlane v43, v2  }
0x2cd: {  	v50 =	vadd.f32 v8, v4;
	v58 =	vadd.f32 v39, v37;
	v9 =	vld [tilespmem:s11+$0xFFFFFFB0];
	v11 =	vperm.xlane v42, v1  }
0x2ce: {  	v29 =	vmul.f32 v21, v17;
	v55 =	vld [tilespmem:s11+$0x30];
	v56 =	vadd.f32 v63, v56;
	v48 =	vadd.f32 v15, v43  }
0x2cf: {  	v21 =	vmovc v13;
	v57 =	vld [tilespmem:s11+$0xFFFFFFC0];
	v13 =	vadd.f32 v42, v11;
	v15 =	vmul.f32 v50, v50;
	v43 =	vadd.f32 v60, v10  }
0x2d0: {  	v11 =	vld [tilespmem:s19+$0xFFFFFFB0];
	v8 =	vperm.xlane v48, v1;
	v10 =	vadd.f32 v50, v62;
	v42 =	vadd.f32 v51, v16  }
0x2d1: {  	v63 =	vld [tilespmem:s11+$0xFFFFFF40];
	v14 =	vperm.xlane v13, v0;
	v51 =	vadd.f32 v46, v61;
	v4 =	vadd.f32 v15, v59  }
0x2d2: {  	v16 =	vld [tilespmem:s19+$0x30];
	v48 =	vadd.f32 v8, v48;
	v53 =	vadd.f32 v43, v53  }
0x2d3: {  	v61 =	vld [tilespmem:s19+$0xFFFFFF40];
	v40 =	vadd.f32 v13, v14;
	v13 =	vmul.f32 v43, v43;
	v58 =	vadd.f32 v42, v58  }
0x2d4: {  	v60 =	vld [tilespmem:s19+$0xFFFFFFC0];
	v7 =	vmul.f32 v42, v42;
	v59 =	vadd.f32 v51, v10;
	v15 =	vmul.f32 v51, v51  }
0x2d5: {  	v5 =	vld [tilespmem:s11+$0x50];
	v46 =	vadd.f32 v11, v9;
	v12 =	vperm.xlane v48, v0;
	v6 =	vadd.f32 v13, v52  }
0x2d6: {  	v62 =	vld [tilespmem:s11+$0xFFFFFF50];
	v7 =	vadd.f32 v7, v56;
	v4 =	vadd.f32 v15, v4  }
0x2d7: {  	v8 =	vld [tilespmem:s11+$0xFFFFFFD0];
	v40 =	vmul.f32 $7.812500000e-03, v40;
	v45 =	vadd.f32 v16, v55;
	v48 =	vadd.f32 v12, v48  }
0x2d8: {  	v53 =	vadd.f32 v46, v53;
	v55 =	vadd.f32 v61, v63;
	v61 =	vld [tilespmem:s19+$0xFFFFFF50]  }
0x2d9: {  	v13 =	vld [tilespmem:s19+$0x40];
	v52 =	vadd.f32 v60, v57;
	v14 =	vmul.f32 v40, v40;
	v48 =	vmul.f32 $7.812500000e-03, v48  }
0x2da: {  	v16 =	vld [tilespmem:s11+$0x40];
	v12 =	vmul.f32 v46, v46;
	v56 =	vadd.f32 v45, v58;
	v57 =	vadd.f32 v55, v59  }
0x2db: {  	v10 =	vadd.f32 v52, v53;
	v53 =	vld [tilespmem:s19+$0x50];
	v48 =	vsub.f32 v48, v14  }
0x2dc: {  	v59 =	vld [tilespmem:s19+$0xFFFFFFD0];
	v6 =	vadd.f32 v12, v6;
	v12 =	vmul.f32 v55, v55;
	v14 =	vmul.f32 v45, v45  }
0x2dd: {  	v58 =	vadd.f32 v61, v62;
	v48 =	vadd.f32 $9.999999740e-06, v48  }
0x2de: {  	v11 =	vld [tilespmem:s11+$0xFFFFFF60];
	v4 =	vadd.f32 v12, v4;
	v7 =	vadd.f32 v14, v7  }
0x2df: {  	v61 =	vld [tilespmem:s19+$0xFFFFFF60];
	v15 =	vshra.s32 v48, $0x1;
	v63 =	vmul.f32 $5.000000000e-01, v48;
	v48 =	vadd.f32 v13, v16  }
0x2e0: {  	v12 =	vadd.f32 v58, v57;
	v57 =	vmul.f32 v58, v58;
	v53 =	vadd.f32 v53, v5;
	v5 =	vld [tilespmem:s11+$0x60]  }
0x2e1: {  	v9 =	vsub.s32 $0x5F3759DF, v15;
	v14 =	vadd.f32 v48, v56;
	v56 =	vadd.f32 v59, v8;
	v8 =	vld [tilespmem:s11+$0xFFFFFFE0]  }
0x2e2: {  	v16 =	vmul.f32 v52, v52;
	v60 =	vmul.f32 v9, v63;
	v59 =	vld [tilespmem:s19+$0xFFFFFFE0]  }
0x2e3: {  	v18 =	vsub.f32 v47, v40;
	v35 =	vsub.f32 v35, v40;
	v15 =	vld [tilespmem:s19+$0x60];
	v62 =	vmul.f32 v48, v48  }
0x2e4: {  	v4 =	vadd.f32 v57, v4;
	v6 =	vadd.f32 v16, v6;
	v60 =	vmul.f32 v9, v60  }
0x2e5: {  	v16 =	vld [tilespmem:s19+$0xFFFFFFF0];
	v13 =	vmul.f32 v56, v56;
	v10 =	vadd.f32 v56, v10;
	v7 =	vadd.f32 v62, v7  }
0x2e6: {  	v14 =	vadd.f32 v53, v14;
	v62 =	vld [tilespmem:s19+$0xFFFFFF70];
	v60 =	vsub.f32 $1.500000000e+00, v60  }
0x2e7: {  	v6 =	vadd.f32 v13, v6;
	v59 =	vadd.f32 v59, v8;
	v8 =	vld [tilespmem:s11+$0xFFFFFFF0]  }
0x2e8: {  	v57 =	vadd.f32 v15, v5;
	v9 =	vmul.f32 v9, v60;
	v60 =	vadd.f32 v61, v11;
	v11 =	vld [tilespmem:s11+$0xFFFFFF70]  }
0x2e9: {  	v5 =	vld [tilespmem:s11+$0x70];
	v61 =	vmul.f32 v53, v53;
	v10 =	vadd.f32 v59, v10;
	v47 =	vmul.f32 v59, v59  }
0x2ea: {  	v15 =	vld [tilespmem:s19+$0x70];
	v13 =	vmul.f32 v9, v63;
	v12 =	vadd.f32 v60, v12;
	v63 =	vmul.f32 v60, v60  }
0x2eb: {  	v7 =	vadd.f32 v61, v7;
	v6 =	vadd.f32 v47, v6  }
0x2ec: {  	v13 =	vmul.f32 v13, v9;
	v4 =	vadd.f32 v63, v4;
	v63 =	vsub.f32 v54, v40  }
0x2ed: {  	v54 =	vadd.f32 v16, v8;
	v61 =	vadd.f32 v62, v11  }
0x2ee: {  	v8 =	vsub.f32 v44, v40;
	v13 =	vsub.f32 $1.500000000e+00, v13  }
0x2ef: {  	v44 =	vadd.f32 v15, v5;
	v12 =	vadd.f32 v61, v12  }
0x2f0: {  	v10 =	vadd.f32 v54, v10;
	v62 =	vmul.f32 v61, v61;
	v47 =	vmul.f32 v13, v9  }
0x2f1: {  	v11 =	vadd.f32 v57, v14;
	v14 =	vmul.f32 v57, v57;
	v16 =	vperm.xlane v12, v3  }
0x2f2: {  	v4 =	vadd.f32 v62, v4;
	v62 =	vperm.xlane v10, v3;
	v9 =	vmul.f32 v47, v63  }
0x2f3: {  	v7 =	vadd.f32 v14, v7;
	v63 =	vmul.f32 v54, v54;
	v8 =	vmul.f32 v47, v8  }
0x2f4: {  	v35 =	vmul.f32 v47, v35;
	v5 =	vadd.f32 v12, v16;
	v14 =	vperm.xlane v4, v3  }
0x2f5: {  	v11 =	vadd.f32 v44, v11;
	v9 =	vmul.f32 v9, v17;
	v17 =	vmul.f32 v44, v44  }
0x2f6: {  	v6 =	vadd.f32 v63, v6;
	v15 =	vperm.xlane v5, v2;
	v4 =	vadd.f32 v14, v4  }
0x2f7: {  	v63 =	vperm.xlane v11, v3;
	v9 =	vadd.f32 v9, v19;
	v7 =	vadd.f32 v17, v7  }
0x2f8: {  	s22 =	smov.u32 s23;
	s23 =	sadd.s32 $0x200, s23;
	v10 =	vadd.f32 v10, v62;
	v62 =	vperm.xlane v6, v3;
	v5 =	vadd.f32 v5, v15  }
0x2f9: {  	v16 =	vperm.xlane v4, v2;
	[tilespmem:s23+$0xF0] =	vst v9;
	v9 =	vadd.f32 v11, v63;
	v63 =	vperm.xlane v7, v3  }
0x2fa: {  	v3 =	vperm.xlane v10, v2;
	v6 =	vadd.f32 v62, v6;
	v62 =	vperm.xlane v5, v1  }
0x2fb: {  	v4 =	vadd.f32 v16, v4;
	v17 =	vperm.xlane v9, v2;
	v7 =	vadd.f32 v63, v7  }
0x2fc: {  	v10 =	vadd.f32 v10, v3;
	v63 =	vperm.xlane v6, v2;
	v5 =	vadd.f32 v5, v62  }
0x2fd: {  	v62 =	vperm.xlane v4, v1;
	v9 =	vadd.f32 v9, v17;
	v16 =	vperm.xlane v7, v2  }
0x2fe: {  	v17 =	vperm.xlane v10, v1;
	v6 =	vadd.f32 v63, v6;
	v63 =	vperm.xlane v5, v0  }
0x2ff: {  	v4 =	vadd.f32 v62, v4;
	v14 =	vperm.xlane v9, v1;
	v7 =	vadd.f32 v16, v7  }
0x300: {  	v10 =	vadd.f32 v10, v17;
	v2 =	vperm.xlane v6, v1;
	v5 =	vadd.f32 v5, v63  }
0x301: {  	v62 =	vperm.xlane v4, v0;
	v9 =	vadd.f32 v9, v14;
	v16 =	vperm.xlane v7, v1  }
0x302: {  	v17 =	vperm.xlane v10, v0;
	v6 =	vadd.f32 v2, v6;
	v5 =	vmul.f32 $7.812500000e-03, v5  }
0x303: {  	v4 =	vadd.f32 v62, v4;
	v14 =	vperm.xlane v9, v0;
	v7 =	vadd.f32 v16, v7  }
0x304: {  	v10 =	vadd.f32 v10, v17;
	v63 =	vperm.xlane v6, v0;
	v2 =	vmul.f32 v5, v5  }
0x305: {  	v4 =	vmul.f32 $7.812500000e-03, v4;
	v11 =	vsub.f32 v49, v5;
	v49 =	vmul.f32 v47, v18  }
0x306: {  	v13 =	vsub.f32 v50, v5;
	v9 =	vadd.f32 v9, v14;
	v1 =	vperm.xlane v7, v0  }
0x307: {  	v10 =	vmul.f32 $7.812500000e-03, v10;
	v6 =	vadd.f32 v63, v6;
	v4 =	vsub.f32 v4, v2  }
0x308: {  	v58 =	vsub.f32 v58, v5;
	v9 =	vmul.f32 $7.812500000e-03, v9;
	v7 =	vadd.f32 v1, v7  }
0x309: {  	v6 =	vmul.f32 $7.812500000e-03, v6;
	v16 =	vmul.f32 v10, v10;
	v4 =	vadd.f32 $9.999999740e-06, v4  }
0x30a: {  	v60 =	vsub.f32 v60, v5;
	v7 =	vmul.f32 $7.812500000e-03, v7;
	v17 =	vmul.f32 v9, v9  }
0x30b: {  	v6 =	vsub.f32 v6, v16;
	v0 =	vshra.s32 v4, $0x1;
	v4 =	vmul.f32 $5.000000000e-01, v4  }
0x30c: {  	v14 =	vsub.f32 v41, v5;
	v7 =	vsub.f32 v7, v17;
	v15 =	vsub.s32 $0x5F3759DF, v0  }
0x30d: {  	v36 =	vsub.f32 v36, v10;
	v6 =	vadd.f32 $9.999999740e-06, v6;
	v3 =	vmul.f32 v15, v4  }
0x30e: {  	v12 =	vmul.f32 v49, v26;
	v43 =	vsub.f32 v43, v10;
	v7 =	vadd.f32 $9.999999740e-06, v7  }
0x30f: {  	v1 =	vshra.s32 v6, $0x1;
	v6 =	vmul.f32 $5.000000000e-01, v6;
	v41 =	vmul.f32 v15, v3  }
0x310: {  	v50 =	vld [tilespmem:$0x1FAA0];
	v16 =	vsub.s32 $0x5F3759DF, v1;
	v2 =	vshra.s32 v7, $0x1;
	v7 =	vmul.f32 $5.000000000e-01, v7  }
0x311: {  	v62 =	vmul.f32 v16, v6;
	v17 =	vsub.s32 $0x5F3759DF, v2;
	v41 =	vsub.f32 $1.500000000e+00, v41  }
0x312: {  	v46 =	vsub.f32 v46, v10;
	v52 =	vsub.f32 v52, v10;
	v2 =	vmul.f32 v17, v7  }
0x313: {  	v39 =	vsub.f32 v39, v9;
	v49 =	vmul.f32 v16, v62;
	v15 =	vmul.f32 v15, v41  }
0x314: {  	v0 =	vsub.f32 v51, v5;
	v1 =	vsub.f32 v55, v5;
	v55 =	vmul.f32 v17, v2  }
0x315: {  	v51 =	vadd.f32 v50, v28;
	v49 =	vsub.f32 $1.500000000e+00, v49;
	v4 =	vmul.f32 v15, v4  }
0x316: {  	v8 =	vmul.f32 v8, v27;
	v5 =	vsub.f32 v61, v5;
	v55 =	vsub.f32 $1.500000000e+00, v55  }
0x317: {  	v61 =	vsub.f32 v32, v40;
	v16 =	vmul.f32 v16, v49;
	v4 =	vmul.f32 v4, v15  }
0x318: {  	v62 =	vsub.f32 v34, v40;
	v49 =	vsub.f32 v38, v10;
	v17 =	vmul.f32 v17, v55  }
0x319: {  	v6 =	vmul.f32 v16, v6;
	v55 =	vsub.f32 v56, v10;
	v4 =	vsub.f32 $1.500000000e+00, v4  }
0x31a: {  	v56 =	vsub.f32 v59, v10;
	v10 =	vsub.f32 v54, v10;
	v7 =	vmul.f32 v17, v7  }
0x31b: {  	v54 =	vsub.f32 v37, v9;
	v6 =	vmul.f32 v6, v16;
	v4 =	vmul.f32 v4, v15  }
0x31c: {  	v59 =	vsub.f32 v42, v9;
	v15 =	vsub.f32 v45, v9;
	v7 =	vmul.f32 v7, v17  }
0x31d: {  	v6 =	vsub.f32 $1.500000000e+00, v6;
	v11 =	vmul.f32 v4, v11;
	v14 =	vmul.f32 v4, v14  }
0x31e: {  	v38 =	vmul.f32 v4, v13;
	v13 =	vsub.f32 v33, v40;
	v41 =	vmul.f32 v4, v0  }
0x31f: {  	v32 =	vld [tilespmem:$0x1FAC0];
	v34 =	vmul.f32 v4, v1;
	v37 =	vmul.f32 v4, v58;
	v7 =	vsub.f32 $1.500000000e+00, v7  }
0x320: {  	v58 =	vld [tilespmem:$0x1FAB0];
	v6 =	vmul.f32 v6, v16;
	v16 =	vsub.f32 v48, v9;
	v48 =	vadd.f32 v30, v25  }
0x321: {  	v30 =	vmul.f32 v4, v5;
	v7 =	vmul.f32 v7, v17;
	v17 =	vsub.f32 v53, v9  }
0x322: {  	v63 =	vmovc v26;
	v53 =	vsub.f32 v57, v9;
	v57 =	vsub.f32 v31, v40;
	v31 =	vmul.f32 v4, v60  }
0x323: {  	[tilespmem:s22+$0x30] =	vst v51;
	v9 =	vsub.f32 v44, v9;
	v42 =	vmul.f32 v6, v36;
	v44 =	vmul.f32 v6, v49;
	v36 =	vld [tilespmem:$0x1FAD0]  }
0x324: {  	v1 =	vmovc v28;
	v33 =	vmul.f32 v6, v43;
	v40 =	vmul.f32 v6, v46;
	v43 =	vadd.f32 v29, v19  }
0x325: {  	[tilespmem:s22+$0x20] =	vst v48;
	v4 =	vadd.f32 v32, v21;
	v26 =	vmul.f32 v6, v56;
	v56 =	vld [tilespmem:$0x1FAE0];
	v60 =	vadd.f32 v58, v24  }
0x326: {  	v32 =	vmul.f32 v6, v55;
	v55 =	vadd.f32 v8, v20;
	[tilespmem:s22+$0x70] =	vst v43;
	v43 =	vmul.f32 v47, v57;
	v57 =	vld [tilespmem:$0x1FAF0]  }
0x327: {  	v28 =	vmul.f32 v7, v54;
	v51 =	vmul.f32 v7, v39;
	v54 =	vadd.f32 v12, v22;
	[tilespmem:s22+$0x40] =	vst v60;
	v60 =	vld [tilespmem:$0x1FB00]  }
0x328: {  	s10 =	sadd.s32 $0x4, s10;
	[tilespmem:s22+$0x50] =	vst v4;
	v39 =	vmul.f32 v47, v13;
	v5 =	vadd.f32 v36, v23;
	v36 =	vmul.f32 v47, v62;
	v62 =	vld [tilespmem:$0x1FB10]  }
0x329: {  	p1 =	slt.u32 s10, $0x7C;
	v18 =	vmovc v23;
	v0 =	vmov v25;
	[tilespmem:s23+$0x90] =	vst v55;
	v23 =	vmul.f32 v47, v61;
	v47 =	vmul.f32 v11, v63;
	v63 =	vld [tilespmem:$0x1FB20]  }
.Ltmp2:
0x32a: {  	v25 =	vmul.f32 v6, v10;
	v58 =	vmul.f32 v6, v52;
	[tilespmem:s23+$0x80] =	vst v54;
	v4 =	vadd.f32 v56, v0;
	(pc) =	sbr.rel @p1 .LBB2_7-.Ltmp2, $4  }
0x32b: {  	v48 =	vmul.f32 v7, v59;
	v49 =	vmul.f32 v7, v15;
	[tilespmem:s22+$0x60] =	vst v5;
	v59 =	vadd.f32 v57, v1  }
0x32c: {  	v46 =	vmul.f32 v7, v16;
	v45 =	vmul.f32 v7, v17;
	[tilespmem:s22+$0xA0] =	vst v4;
	v61 =	vadd.f32 v60, v24  }
0x32d: {  	v3 =	vmov v21;
	v29 =	vmul.f32 v7, v53;
	v21 =	vmul.f32 v7, v9;
	[tilespmem:s22+$0xB0] =	vst v59  }
0x32e: {  	s11 =	sadd.s32 $0x200, s11;
	v22 =	vmul.f32 v14, v27;
	v24 =	vadd.f32 v62, v3;
	v20 =	vadd.f32 v63, v18;
	[tilespmem:s22+$0xC0] =	vst v61  }
0x32f: {  	_ = 	snop  }
0x330: {  	v3 =	vld [tilespmem:$0x1FEE0];
	[tilespmem:s22+$0xD0] =	vst v24  }
0x331: {  	v18 =	vld [tilespmem:$0x1FF40]  }
0x332: {  	v12 =	vld [tilespmem:$0x1FEF0];
	[tilespmem:s22+$0xE0] =	vst v20  }
0x333: {  	v17 =	vld [tilespmem:$0x1FF50];
	_ =	sdelay $0x2  }
0x334: {  	v5 =	vadd.f32 v47, v18;
	_ =	sdelay $0x1  }
0x335: {  	v13 =	vld [tilespmem:$0x1FF00];
	v7 =	vadd.f32 v22, v17;
	[tilespmem:s23+$0xFFFFFF00] =	vst v5  }
0x336: {  	v11 =	vld [tilespmem:$0x1FF60]  }
0x337: {  	v14 =	vld [tilespmem:$0x1FF10];
	[tilespmem:s23+$0xFFFFFF10] =	vst v7  }
0x338: {  	v10 =	vld [tilespmem:$0x1FF70]  }
0x339: {  	v4 =	vmul.f32 v38, v3;
	_ =	sdelay $0x1  }
0x33a: {  	v6 =	vmul.f32 v41, v12;
	v4 =	vadd.f32 v4, v11;
	_ =	sdelay $0x1  }
0x33b: {  	v15 =	vld [tilespmem:$0x1FF20];
	v6 =	vadd.f32 v6, v10;
	[tilespmem:s23+$0xFFFFFF20] =	vst v4  }
0x33c: {  	v9 =	vld [tilespmem:$0x1FF80]  }
0x33d: {  	v16 =	vld [tilespmem:$0x1FF30];
	[tilespmem:s23+$0xFFFFFF30] =	vst v6  }
0x33e: {  	v2 =	vld [tilespmem:$0x1FF90]  }
0x33f: {  	v8 =	vmul.f32 v34, v13;
	_ =	sdelay $0x1  }
0x340: {  	v57 =	vmul.f32 v37, v14;
	v60 =	vadd.f32 v8, v9  }
0x341: {  	v38 =	vmul.f32 v33, v3;
	v20 =	vld [tilespmem:$0x1FEC0]  }
0x342: {  	v47 =	vmul.f32 v58, v13;
	v5 =	vadd.f32 v57, v2;
	[tilespmem:s23+$0xFFFFFF40] =	vst v60  }
0x343: {  	v50 =	vadd.f32 v38, v11;
	v52 =	vmul.f32 v32, v14;
	v0 =	vld [tilespmem:$0x1FFA0]  }
0x344: {  	v32 =	vmul.f32 v46, v13;
	v55 =	vadd.f32 v47, v9;
	v19 =	vld [tilespmem:$0x1FED0];
	[tilespmem:s23+$0xFFFFFF50] =	vst v5  }
0x345: {  	v33 =	vmul.f32 v45, v14;
	v57 =	vadd.f32 v52, v2;
	v1 =	vld [tilespmem:$0x1FFB0];
	[tilespmem:s23+$0xFFFFFFA0] =	vst v50  }
0x346: {  	v6 =	vadd.f32 v32, v9;
	v62 =	vmul.f32 v42, v20;
	[tilespmem:s23+$0xFFFFFFC0] =	vst v55  }
0x347: {  	v42 =	vmul.f32 v40, v12;
	v38 =	vadd.f32 v33, v2;
	[tilespmem:s23+$0xFFFFFFD0] =	vst v57  }
0x348: {  	v58 =	vmul.f32 v28, v20;
	v41 =	vadd.f32 v62, v18;
	[tilespmem:s23+$0x40] =	vst v6  }
0x349: {  	v40 =	vmul.f32 v43, v3;
	v43 =	vmul.f32 v39, v13;
	v53 =	vadd.f32 v42, v10;
	[tilespmem:s23+$0x50] =	vst v38  }
0x34a: {  	v62 =	vmul.f32 v48, v3;
	v8 =	vadd.f32 v58, v18;
	[tilespmem:s23+$0xFFFFFF80] =	vst v41  }
0x34b: {  	v48 =	vadd.f32 v43, v9;
	[tilespmem:s23+$0xFFFFFFB0] =	vst v53;
	v41 =	vmul.f32 v23, v12  }
0x34c: {  	v59 =	vmul.f32 v31, v15;
	[tilespmem:s23+$0x0] =	vst v8;
	v7 =	vadd.f32 v62, v11  }
0x34d: {  	v54 =	vmul.f32 v26, v15;
	[tilespmem:s23+$0xC0] =	vst v48;
	v46 =	vadd.f32 v41, v10  }
0x34e: {  	v47 =	vmul.f32 v35, v15;
	[tilespmem:s23+$0x20] =	vst v7;
	v63 =	vadd.f32 v59, v0  }
0x34f: {  	v61 =	vmul.f32 v30, v16;
	v59 =	vadd.f32 v54, v0;
	[tilespmem:s23+$0xB0] =	vst v46  }
0x350: {  	v56 =	vmul.f32 v25, v16;
	v50 =	vadd.f32 v47, v0;
	[tilespmem:s23+$0xFFFFFF60] =	vst v63  }
0x351: {  	v34 =	vmul.f32 v44, v19;
	v37 =	vadd.f32 v61, v1;
	[tilespmem:s23+$0xFFFFFFE0] =	vst v59  }
0x352: {  	v60 =	vmul.f32 v51, v19;
	v61 =	vadd.f32 v56, v1;
	[tilespmem:s23+$0xE0] =	vst v50  }
0x353: {  	v45 =	vmul.f32 v36, v14;
	v44 =	vadd.f32 v34, v17;
	[tilespmem:s23+$0xFFFFFF70] =	vst v37  }
0x354: {  	v63 =	vmul.f32 v49, v12;
	v17 =	vadd.f32 v60, v17;
	[tilespmem:s23+$0xFFFFFFF0] =	vst v61  }
0x355: {  	v34 =	vmul.f32 v29, v15;
	v49 =	vadd.f32 v45, v2;
	[tilespmem:s23+$0xFFFFFF90] =	vst v44  }
0x356: {  	[tilespmem:s23+$0x10] =	vst v17;
	v4 =	vadd.f32 v63, v10  }
0x357: {  	v37 =	vmul.f32 v21, v16;
	v5 =	vadd.f32 v34, v0;
	[tilespmem:s23+$0xD0] =	vst v49  }
0x358: {  	v44 =	vadd.f32 v40, v11;
	[tilespmem:s23+$0x30] =	vst v4  }
0x359: {  	v42 =	vadd.f32 v37, v1;
	[tilespmem:s23+$0x60] =	vst v5  }
0x35a: {  	s2 =	sshll.u32 s4, $0xC;
	[tilespmem:s23+$0xA0] =	vst v44  }
0x35b: {  	p1 =	seq.s32 s4, $0x7;
	s2 =	sadd.s32 s2, s14;
	[tilespmem:s23+$0x70] =	vst v42  }
0x35c: {  	[hbm4b:s2+s8] =	stream.linear.scatter [tilespmem:s29], [sflag:$0x5], $0x4000, $0x38;
	[tilespmem:$0x1CA00] =	vst v63  }
0x35d: {  	s2 =	sshll.u32 @!p1 s18, $0x2  }
0x35e: {  	s2 =	sadd.s32 @!p1 $0x400, s2  }
0x35f: {  	s3 =	simm.s32 @!p1 $0x80;
	s5 =	simm.s32 @!p1 $0x2800;
	s2 =	sand.u32 @!p1 $0x3FFFFFFC, s2  }
0x360: {  	[tilespmem:s5], [sflag:$0x1] =	stream.indirect.gather @!p1 [hbm4b:s0+s3], $0x80, s2, s3, $0xb8;
	[tilespmem:$0x1CA00] =	vst v63  }
0x361: {  	s2 =	sadd.s32 @!p1 $0x2100, s18;
	s5 =	simm.s32 @!p1 $0x6800  }
0x362: {  	[tilespmem:s5], [sflag:$0x3] =	stream.indirect.gather @!p1 [spmem:s6], $0x80, s2, s3, $0xb8;
	[tilespmem:$0x1CA00] =	vst v63  }
0x363: {  	_ =	swait.ge [sflag:s30], $0x4000  }
0x364: {  	[sflag:s30] =	ssyncset.done $0x0  }
0x365: {  	[sflag:s30] =	ssyncadd.s32 $0xFFFFC000  }
0x366: {  	_ =	swait.ge [sflag:s31], $0x4000  }
0x367: {  	[sflag:s31] =	ssyncset.done $0x0  }
0x368: {  	s2 =	simm.s32 @!p0 $0x6;
	[sflag:s31] =	ssyncadd.s32 $0xFFFFC000  }
0x369: {  	_ =	swait.ge @!p0 [sflag:s2], $0x4000  }
0x36a: {  	v0 =	vld [tilespmem:$0x1FFD0]  }
0x36b: {  	[sflag:s2] =	ssyncset.done @!p0 $0x0;
	v1 =	vld [tilespmem:$0x1FFE0]  }
0x36c: {  	s11 =	simm.s32 $0xA900;
	v2 =	vld [tilespmem:$0x1FFF0];
	[sflag:s2] =	ssyncadd.s32 @!p0 $0xFFFFC000  }
0x36d: {  	v51 =	vld [tilespmem:s11+$0xA0]  }
0x36e: {  	s10 =	simm.s32 $0xE900;
	v52 =	vld [tilespmem:s11+$0x80]  }
0x36f: {  	v53 =	vld [tilespmem:s10+$0x80]  }
0x370: {  	v54 =	vld [tilespmem:s11+$0x90]  }
0x371: {  	v55 =	vld [tilespmem:s10+$0x90]  }
0x372: {  	v56 =	vld [tilespmem:s10+$0xA0]  }
0x373: {  	v57 =	vld [tilespmem:s11+$0xB0]  }
0x374: {  	v58 =	vld [tilespmem:s10+$0xB0]  }
0x375: {  	v59 =	vld [tilespmem:s11+$0xC0]  }
0x376: {  	v61 =	vld [tilespmem:s11+$0xD0]  }
0x377: {  	v62 =	vld [tilespmem:s10+$0xD0]  }
0x378: {  	v60 =	vld [tilespmem:s10+$0xC0]  }
0x379: {  	v63 =	vld [tilespmem:s11+$0xE0]  }
0x37a: {  	v32 =	vld [tilespmem:s10+$0xE0];
	v33 =	vadd.f32 v53, v52  }
0x37b: {  	v20 =	vld [tilespmem:s11+$0xF0]  }
0x37c: {  	v47 =	vadd.f32 v62, v61;
	v61 =	vld [tilespmem:$0x1FFC0];
	[tilespmem:$0x1F850] =	vst v33  }
0x37d: {  	v34 =	vld [tilespmem:s10+$0xF0]  }
0x37e: {  	v39 =	vadd.f32 v58, v57;
	v35 =	vld [tilespmem:s10+$0xFFFFFF00]  }
0x37f: {  	v37 =	vld [tilespmem:s11+$0xFFFFFF10]  }
0x380: {  	v21 =	vld [tilespmem:s10+$0xFFFFFF10];
	[tilespmem:$0x1F870] =	vst v39  }
0x381: {  	v18 =	vadd.f32 v55, v54;
	v41 =	vld [tilespmem:s11+$0xFFFFFF80]  }
0x382: {  	v43 =	vadd.f32 v60, v59;
	v42 =	vld [tilespmem:s10+$0xFFFFFF80]  }
0x383: {  	v19 =	vadd.f32 v56, v51;
	v36 =	vmul.f32 v33, v33;
	v7 =	vmul.f32 v18, v18;
	v45 =	vld [tilespmem:s11+$0xFFFFFF90]  }
0x384: {  	v38 =	vadd.f32 v18, v33;
	v46 =	vld [tilespmem:s10+$0xFFFFFF90];
	[tilespmem:$0x1F880] =	vst v43  }
0x385: {  	v40 =	vmul.f32 v19, v19;
	v4 =	vadd.f32 v7, v36;
	v49 =	vld [tilespmem:s11+$0x0]  }
0x386: {  	v51 =	vadd.f32 v32, v63;
	v9 =	vadd.f32 v19, v38;
	v50 =	vld [tilespmem:s10+$0x0];
	[tilespmem:$0x1F890] =	vst v47  }
0x387: {  	v44 =	vmul.f32 v39, v39;
	v4 =	vadd.f32 v40, v4;
	v53 =	vld [tilespmem:s11+$0x10]  }
0x388: {  	v9 =	vadd.f32 v39, v9;
	v54 =	vld [tilespmem:s10+$0x10];
	[tilespmem:$0x1F8A0] =	vst v51;
	v55 =	vadd.f32 v34, v20  }
0x389: {  	v48 =	vmul.f32 v43, v43;
	v57 =	vld [tilespmem:s11+$0xFFFFFF00];
	v4 =	vadd.f32 v44, v4  }
0x38a: {  	v9 =	vadd.f32 v43, v9;
	v20 =	vld [tilespmem:s11+$0xFFFFFF20];
	[tilespmem:$0x1F860] =	vst v55  }
0x38b: {  	v52 =	vmul.f32 v47, v47;
	v4 =	vadd.f32 v48, v4;
	v24 =	vld [tilespmem:s10+$0xFFFFFF20]  }
0x38c: {  	v9 =	vadd.f32 v47, v9;
	v26 =	vld [tilespmem:s11+$0xFFFFFFA0]  }
0x38d: {  	v56 =	vmul.f32 v51, v51;
	v63 =	vld [tilespmem:s11+$0xFFFFFF30];
	v4 =	vadd.f32 v52, v4  }
0x38e: {  	v43 =	vld [tilespmem:s10+$0xFFFFFF30];
	v9 =	vadd.f32 v51, v9  }
0x38f: {  	v23 =	vadd.f32 v42, v41;
	v58 =	vmul.f32 v55, v55;
	v59 =	vld [tilespmem:s10+$0xFFFFFFA0];
	v4 =	vadd.f32 v56, v4  }
0x390: {  	v22 =	vadd.f32 v46, v45;
	v28 =	vld [tilespmem:s11+$0x20];
	v9 =	vadd.f32 v55, v9  }
0x391: {  	v30 =	vld [tilespmem:s11+$0xFFFFFF40];
	v4 =	vadd.f32 v58, v4  }
0x392: {  	v42 =	vmul.f32 v23, v23;
	v45 =	vadd.f32 v22, v23;
	v55 =	vld [tilespmem:s11+$0xFFFFFFC0];
	v25 =	vperm.xlane v9, v61  }
0x393: {  	v31 =	vadd.f32 v35, v57;
	v56 =	vld [tilespmem:s10+$0xFFFFFFC0];
	v33 =	vadd.f32 v43, v63;
	v60 =	vperm.xlane v4, v61  }
0x394: {  	v27 =	vmul.f32 v22, v22;
	v63 =	vld [tilespmem:s10+$0xFFFFFF50];
	v9 =	vadd.f32 v9, v25;
	v25 =	vadd.f32 v21, v37  }
0x395: {  	v37 =	vadd.f32 v54, v53;
	v54 =	vld [tilespmem:s10+$0xFFFFFF40];
	v4 =	vadd.f32 v60, v4  }
0x396: {  	v8 =	vadd.f32 v27, v42;
	v29 =	vmul.f32 v31, v31;
	v44 =	vperm.xlane v9, v0;
	v60 =	vld [tilespmem:s11+$0xFFFFFF50]  }
0x397: {  	v62 =	vld [tilespmem:s10+$0x20];
	v32 =	vadd.f32 v24, v20;
	v21 =	vadd.f32 v50, v49;
	v47 =	vperm.xlane v4, v0  }
0x398: {  	v46 =	vld [tilespmem:s11+$0xFFFFFFB0];
	v34 =	vadd.f32 v56, v55;
	v50 =	vmul.f32 v25, v25;
	v9 =	vadd.f32 v9, v44  }
0x399: {  	v48 =	vld [tilespmem:s10+$0xFFFFFFB0];
	v52 =	vadd.f32 v37, v21;
	v4 =	vadd.f32 v47, v4  }
0x39a: {  	v51 =	vld [tilespmem:s10+$0x30];
	v53 =	vadd.f32 v25, v31;
	v7 =	vadd.f32 v50, v29;
	v27 =	vperm.xlane v9, v1  }
0x39b: {  	v55 =	vld [tilespmem:s10+$0xFFFFFF60];
	v42 =	vadd.f32 v54, v30;
	v10 =	vadd.f32 v63, v60;
	v20 =	vperm.xlane v4, v1  }
0x39c: {  	v24 =	vmul.f32 v21, v21;
	v60 =	vld [tilespmem:s11+$0xFFFFFF70];
	v9 =	vadd.f32 v9, v27;
	v27 =	vadd.f32 v59, v26  }
0x39d: {  	v29 =	vmul.f32 v37, v37;
	v63 =	vld [tilespmem:s10+$0xFFFFFF70];
	v26 =	vadd.f32 v32, v53;
	v4 =	vadd.f32 v20, v4  }
0x39e: {  	v53 =	vld [tilespmem:s11+$0xFFFFFF60];
	v57 =	vperm.xlane v9, v2;
	v20 =	vadd.f32 v62, v28;
	v14 =	vadd.f32 v27, v45  }
0x39f: {  	v49 =	vld [tilespmem:s11+$0x30];
	v28 =	vadd.f32 v29, v24;
	v29 =	vmul.f32 v32, v32;
	v47 =	vadd.f32 v33, v26  }
0x3a0: {  	v58 =	vld [tilespmem:s11+$0x40];
	v62 =	vmul.f32 v27, v27;
	v9 =	vadd.f32 v9, v57;
	v16 =	vadd.f32 v20, v52  }
0x3a1: {  	v59 =	vld [tilespmem:s10+$0x40];
	v7 =	vadd.f32 v29, v7;
	v29 =	vadd.f32 v48, v46  }
0x3a2: {  	v56 =	vld [tilespmem:s11+$0xFFFFFFE0];
	v24 =	vperm.xlane v4, v2;
	v8 =	vadd.f32 v62, v8;
	v54 =	vadd.f32 v42, v47  }
0x3a3: {  	v45 =	vld [tilespmem:s11+$0xFFFFFFD0];
	v46 =	vmul.f32 v20, v20;
	v11 =	vadd.f32 v63, v60;
	v17 =	vadd.f32 v55, v53  }
0x3a4: {  	v26 =	vmul.f32 v33, v33;
	v48 =	vld [tilespmem:s10+$0xFFFFFFD0];
	v4 =	vadd.f32 v24, v4;
	v24 =	vadd.f32 v51, v49  }
0x3a5: {  	v57 =	vld [tilespmem:s10+$0xFFFFFFE0];
	v62 =	vmul.f32 v10, v10;
	v49 =	vadd.f32 v29, v14;
	v51 =	vadd.f32 v46, v28  }
0x3a6: {  	v50 =	vld [tilespmem:s11+$0x50];
	v28 =	vmul.f32 v29, v29;
	v7 =	vadd.f32 v26, v7;
	v26 =	vadd.f32 v59, v58  }
0x3a7: {  	v52 =	vld [tilespmem:s10+$0x50];
	v5 =	vadd.f32 v10, v54;
	v55 =	vmul.f32 v11, v11;
	v16 =	vadd.f32 v24, v16  }
0x3a8: {  	v58 =	vld [tilespmem:s11+$0x60];
	v30 =	vmul.f32 v24, v24;
	v8 =	vadd.f32 v28, v8;
	v6 =	vadd.f32 v34, v49  }
0x3a9: {  	v59 =	vld [tilespmem:s10+$0x60];
	v28 =	vmul.f32 v42, v42;
	v5 =	vadd.f32 v17, v5;
	v38 =	vadd.f32 v48, v45  }
0x3aa: {  	v4 =	vmul.f32 $7.812500000e-03, v4;
	v41 =	vadd.f32 v57, v56;
	v14 =	vadd.f32 v30, v51  }
0x3ab: {  	v53 =	vld [tilespmem:s10+$0x70];
	v30 =	vmul.f32 v34, v34;
	v16 =	vadd.f32 v26, v16;
	v7 =	vadd.f32 v28, v7  }
0x3ac: {  	v28 =	vmul.f32 v26, v26;
	v51 =	vld [tilespmem:s11+$0x70];
	v5 =	vadd.f32 v11, v5;
	v6 =	vadd.f32 v38, v6  }
0x3ad: {  	v3 =	vmul.f32 v38, v38;
	v8 =	vadd.f32 v30, v8;
	v30 =	vadd.f32 v52, v50  }
0x3ae: {  	v48 =	vld [tilespmem:s11+$0xFFFFFFF0];
	v39 =	vadd.f32 v59, v58;
	v7 =	vadd.f32 v62, v7;
	v52 =	vmul.f32 v17, v17  }
0x3af: {  	v14 =	vadd.f32 v28, v14;
	v50 =	vld [tilespmem:s10+$0xFFFFFFF0];
	v6 =	vadd.f32 v41, v6;
	v49 =	vmul.f32 v30, v30  }
0x3b0: {  	v57 =	vperm.xlane v5, v61;
	v16 =	vadd.f32 v30, v16;
	v7 =	vadd.f32 v52, v7  }
0x3b1: {  	v54 =	vmul.f32 v39, v39;
	v40 =	vadd.f32 v53, v51;
	v14 =	vadd.f32 v49, v14  }
0x3b2: {  	v35 =	vmul.f32 v41, v41;
	v5 =	vadd.f32 v5, v57;
	v7 =	vadd.f32 v55, v7  }
0x3b3: {  	v12 =	vadd.f32 v39, v16;
	v15 =	vmul.f32 v40, v40;
	v13 =	vadd.f32 v54, v14  }
0x3b4: {  	v8 =	vadd.f32 v3, v8;
	v43 =	vadd.f32 v50, v48;
	v59 =	vperm.xlane v7, v61  }
0x3b5: {  	v62 =	vperm.xlane v5, v0;
	v12 =	vadd.f32 v40, v12;
	v13 =	vadd.f32 v15, v13  }
0x3b6: {  	v8 =	vadd.f32 v35, v8;
	v56 =	vmul.f32 v43, v43;
	v7 =	vadd.f32 v59, v7  }
0x3b7: {  	v5 =	vadd.f32 v5, v62;
	v60 =	vperm.xlane v12, v61;
	v36 =	vperm.xlane v13, v61  }
0x3b8: {  	v6 =	vadd.f32 v43, v6;
	v8 =	vadd.f32 v56, v8;
	v45 =	vperm.xlane v7, v0  }
0x3b9: {  	v47 =	vperm.xlane v5, v1;
	v12 =	vadd.f32 v12, v60;
	v13 =	vadd.f32 v36, v13  }
0x3ba: {  	v58 =	vperm.xlane v6, v61;
	v63 =	vperm.xlane v8, v61;
	v7 =	vadd.f32 v45, v7  }
0x3bb: {  	v5 =	vadd.f32 v5, v47;
	v46 =	vperm.xlane v12, v0;
	v50 =	vperm.xlane v13, v0  }
0x3bc: {  	v6 =	vadd.f32 v6, v58;
	v8 =	vadd.f32 v63, v8;
	v52 =	vperm.xlane v7, v1  }
0x3bd: {  	v28 =	vmul.f32 $7.812500000e-03, v9;
	v49 =	vadd.f32 v12, v46;
	v12 =	vadd.f32 v50, v13  }
0x3be: {  	v53 =	vperm.xlane v5, v2;
	v44 =	vperm.xlane v6, v0;
	v7 =	vadd.f32 v52, v7  }
0x3bf: {  	v48 =	vperm.xlane v8, v0;
	v55 =	vperm.xlane v12, v1  }
0x3c0: {  	v5 =	vadd.f32 v5, v53;
	v6 =	vadd.f32 v6, v44;
	v57 =	vperm.xlane v7, v2  }
0x3c1: {  	v16 =	vmul.f32 v28, v28;
	v8 =	vadd.f32 v48, v8;
	v12 =	vadd.f32 v55, v12  }
0x3c2: {  	s23 =	simm.s32 $0xAB00;
	v5 =	vmul.f32 $7.812500000e-03, v5;
	v51 =	vperm.xlane v6, v1;
	v7 =	vadd.f32 v57, v7  }
0x3c3: {  	v14 =	vld [tilespmem:s23+$0x80];
	v48 =	vsub.f32 v4, v16;
	v54 =	vperm.xlane v8, v1;
	v59 =	vperm.xlane v12, v2  }
0x3c4: {  	s18 =	simm.s32 $0xEB00;
	v45 =	vld [tilespmem:s23+$0x90];
	v60 =	vmul.f32 v5, v5;
	v6 =	vadd.f32 v6, v51;
	v7 =	vmul.f32 $7.812500000e-03, v7  }
0x3c5: {  	v16 =	vld [tilespmem:s18+$0x80];
	v8 =	vadd.f32 v54, v8;
	v12 =	vadd.f32 v59, v12  }
0x3c6: {  	v56 =	vperm.xlane v6, v2;
	v59 =	vsub.f32 v31, v5;
	v31 =	vsub.f32 v7, v60;
	v7 =	vld [tilespmem:s18+$0x90];
	_ =	sdelay $0x1  }
0x3c7: {  	v46 =	vld [tilespmem:s18+$0xB0];
	v6 =	vadd.f32 v6, v56;
	v58 =	vperm.xlane v8, v2  }
0x3c8: {  	v13 =	vld [tilespmem:s23+$0xA0]  }
0x3c9: {  	v4 =	vld [tilespmem:s18+$0xA0];
	v14 =	vadd.f32 v16, v14;
	v6 =	vmul.f32 $7.812500000e-03, v6;
	v8 =	vadd.f32 v58, v8  }
0x3ca: {  	v35 =	vperm.xlane v49, v1;
	v51 =	vld [tilespmem:s23+$0xC0];
	v53 =	vadd.f32 v7, v45  }
0x3cb: {  	v62 =	vmul.f32 $7.812500000e-03, v8;
	v8 =	vld [tilespmem:s23+$0xB0];
	[tilespmem:$0x1F8B0] =	vst v14;
	v56 =	vsub.f32 v23, v6  }
0x3cc: {  	v9 =	vadd.f32 v49, v35;
	[tilespmem:$0x1F8C0] =	vst v53  }
0x3cd: {  	v58 =	vsub.f32 v33, v5;
	v33 =	vsub.f32 v22, v6;
	v55 =	vld [tilespmem:s18+$0xC0];
	[tilespmem:$0x1F770] =	vst v56  }
0x3ce: {  	v52 =	vsub.f32 v32, v5;
	v35 =	vperm.xlane v9, v2;
	v57 =	vadd.f32 v4, v13;
	v4 =	vld [tilespmem:s23+$0xD0]  }
0x3cf: {  	v54 =	vsub.f32 v42, v5;
	v60 =	vsub.f32 v11, v5;
	v63 =	vmul.f32 v6, v6;
	v11 =	vld [tilespmem:s18+$0xD0];
	[tilespmem:$0x1F780] =	vst v33  }
0x3d0: {  	v9 =	vadd.f32 v9, v35;
	v50 =	vsub.f32 v27, v6;
	v44 =	vld [tilespmem:s23+$0xE0]  }
0x3d1: {  	v36 =	vsub.f32 v62, v63;
	v63 =	vadd.f32 v53, v14;
	v45 =	vld [tilespmem:s18+$0xE0];
	[tilespmem:$0x1F8D0] =	vst v57  }
0x3d2: {  	v9 =	vmul.f32 $7.812500000e-03, v9;
	v32 =	vmul.f32 v53, v53;
	v42 =	vadd.f32 v46, v8;
	[tilespmem:$0x1F790] =	vst v50  }
0x3d3: {  	v46 =	vmul.f32 v57, v57;
	v13 =	vadd.f32 v57, v63;
	v57 =	vsub.f32 v29, v6;
	v53 =	vld [tilespmem:s23+$0xF0]  }
0x3d4: {  	v12 =	vmul.f32 $7.812500000e-03, v12;
	v3 =	vmul.f32 v9, v9;
	v51 =	vadd.f32 v55, v51;
	v55 =	vld [tilespmem:s18+$0xF0];
	[tilespmem:$0x1F8E0] =	vst v42  }
0x3d5: {  	v34 =	vsub.f32 v34, v6;
	v62 =	vmul.f32 v14, v14;
	[tilespmem:$0x1F7A0] =	vst v57  }
0x3d6: {  	v35 =	vsub.f32 v25, v5;
	v25 =	vsub.f32 v12, v3;
	v15 =	vld [tilespmem:s18+$0xFFFFFF00]  }
0x3d7: {  	v12 =	vadd.f32 v32, v62;
	v62 =	vadd.f32 v11, v4;
	v4 =	vld [tilespmem:s23+$0xFFFFFF10];
	[tilespmem:$0x1F7B0] =	vst v34  }
0x3d8: {  	[tilespmem:$0x1F900] =	vst v51  }
0x3d9: {  	v50 =	vsub.f32 v38, v6;
	v14 =	vld [tilespmem:s18+$0xFFFFFF10]  }
0x3da: {  	v47 =	vsub.f32 v10, v5;
	v13 =	vadd.f32 v42, v13;
	v8 =	vld [tilespmem:s23+$0xFFFFFF80];
	[tilespmem:$0x1F910] =	vst v62  }
0x3db: {  	v56 =	vmul.f32 v42, v42;
	v12 =	vadd.f32 v46, v12;
	v42 =	vadd.f32 v45, v44;
	[tilespmem:$0x1F7C0] =	vst v50  }
0x3dc: {  	v57 =	vsub.f32 v43, v6;
	v32 =	vadd.f32 v51, v13;
	v13 =	vld [tilespmem:s18+$0xFFFFFF80]  }
0x3dd: {  	v49 =	vsub.f32 v17, v5;
	v63 =	vadd.f32 v56, v12;
	v33 =	vmul.f32 v51, v51;
	v5 =	vld [tilespmem:s23+$0xFFFFFF90];
	[tilespmem:$0x1F920] =	vst v42  }
0x3de: {  	v16 =	vsub.f32 v21, v9;
	v17 =	vsub.f32 v37, v9;
	[tilespmem:$0x1F7D0] =	vst v57  }
0x3df: {  	v44 =	vadd.f32 v33, v63;
	v63 =	vsub.f32 v41, v6;
	v6 =	vld [tilespmem:s18+$0xFFFFFF90]  }
0x3e0: {  	v46 =	vmul.f32 v62, v62;
	v45 =	vadd.f32 v62, v32;
	v32 =	vsub.f32 v20, v9;
	v12 =	vld [tilespmem:s23+$0x0];
	[tilespmem:$0x1F7E0] =	vst v16  }
0x3e1: {  	v37 =	vsub.f32 v30, v9;
	v34 =	vsub.f32 v24, v9;
	[tilespmem:$0x1F7F0] =	vst v17  }
0x3e2: {  	v50 =	vsub.f32 v39, v9;
	v56 =	vmul.f32 v42, v42;
	v51 =	vadd.f32 v46, v44;
	v16 =	vld [tilespmem:s18+$0x0];
	[tilespmem:$0x1F800] =	vst v32  }
0x3e3: {  	v53 =	vadd.f32 v55, v53;
	v55 =	vadd.f32 v42, v45;
	v17 =	vld [tilespmem:s23+$0x10];
	[tilespmem:$0x1F810] =	vst v34  }
0x3e4: {  	v7 =	vadd.f32 v56, v51;
	v20 =	vld [tilespmem:s18+$0x10];
	[tilespmem:$0x1F820] =	vst v37;
	v51 =	vsub.f32 v40, v9  }
0x3e5: {  	v21 =	vld [tilespmem:s23+$0xFFFFFF00];
	[tilespmem:$0x1F830] =	vst v50  }
0x3e6: {  	v62 =	vmul.f32 v53, v53;
	v10 =	vadd.f32 v53, v55;
	[tilespmem:$0x1F840] =	vst v51  }
0x3e7: {  	v55 =	vld [tilespmem:s23+$0xFFFFFF20]  }
0x3e8: {  	v38 =	vsub.f32 v26, v9;
	v7 =	vadd.f32 v62, v7;
	v33 =	vperm.xlane v10, v61;
	v56 =	vld [tilespmem:s18+$0xFFFFFF20]  }
0x3e9: {  	v40 =	vadd.f32 v13, v8;
	v3 =	vadd.f32 v6, v5;
	v5 =	vld [tilespmem:s23+$0xFFFFFFA0]  }
0x3ea: {  	v44 =	vadd.f32 v14, v4;
	v14 =	vld [tilespmem:s23+$0xFFFFFF30];
	v10 =	vadd.f32 v10, v33;
	v41 =	vperm.xlane v7, v61  }
0x3eb: {  	v13 =	vmul.f32 v40, v40;
	v37 =	vadd.f32 v16, v12;
	v50 =	vld [tilespmem:s18+$0xFFFFFF30];
	v33 =	vmul.f32 v3, v3  }
0x3ec: {  	v32 =	vld [tilespmem:s18+$0xFFFFFFA0];
	v39 =	vadd.f32 v20, v17;
	v57 =	vperm.xlane v10, v0;
	v7 =	vadd.f32 v41, v7  }
0x3ed: {  	v34 =	vld [tilespmem:s18+$0x20];
	v46 =	vadd.f32 v15, v21;
	v13 =	vadd.f32 v33, v13  }
0x3ee: {  	v62 =	vmul.f32 v44, v44;
	v15 =	vld [tilespmem:s23+$0x20];
	v41 =	vadd.f32 $9.999999740e-06, v48;
	v10 =	vadd.f32 v10, v57  }
0x3ef: {  	v9 =	vld [tilespmem:s23+$0x30];
	v11 =	vperm.xlane v7, v0;
	v43 =	vmul.f32 v46, v46;
	v45 =	vadd.f32 v56, v55  }
0x3f0: {  	v56 =	vmul.f32 v37, v37;
	v50 =	vadd.f32 v50, v14;
	v14 =	vld [tilespmem:s18+$0x30];
	v42 =	vperm.xlane v10, v1  }
0x3f1: {  	v57 =	vmul.f32 v39, v39;
	v7 =	vadd.f32 v11, v7;
	v6 =	vadd.f32 v62, v43  }
0x3f2: {  	v43 =	vadd.f32 v32, v5;
	v48 =	vmul.f32 v45, v45;
	v51 =	vadd.f32 v10, v42  }
0x3f3: {  	v22 =	vld [tilespmem:s23+$0xFFFFFFC0];
	v55 =	vperm.xlane v7, v1;
	v42 =	vadd.f32 v34, v15;
	v10 =	vadd.f32 v57, v56  }
0x3f4: {  	v23 =	vld [tilespmem:s18+$0xFFFFFFC0];
	v56 =	vadd.f32 $9.999999740e-06, v31;
	v4 =	vadd.f32 v48, v6  }
0x3f5: {  	v12 =	vmul.f32 $5.000000000e-01, v41;
	v32 =	vld [tilespmem:s23+$0xFFFFFFB0];
	v48 =	vadd.f32 v14, v9;
	v62 =	vadd.f32 v55, v7  }
0x3f6: {  	v34 =	vld [tilespmem:s18+$0xFFFFFFB0];
	v33 =	vperm.xlane v51, v2;
	v55 =	vshra.s32 v41, $0x1;
	v57 =	vshra.s32 v56, $0x1  }
0x3f7: {  	v27 =	vld [tilespmem:s23+$0xFFFFFF50];
	v17 =	vmul.f32 $5.000000000e-01, v56;
	v6 =	vsub.s32 $0x5F3759DF, v55;
	v55 =	vmul.f32 v50, v50  }
0x3f8: {  	v9 =	vld [tilespmem:s18+$0xFFFFFF50];
	v26 =	vmul.f32 v42, v42;
	v8 =	vadd.f32 v51, v33;
	v51 =	vperm.xlane v62, v2  }
0x3f9: {  	v20 =	vld [tilespmem:s23+$0xFFFFFF40];
	v16 =	vsub.s32 $0x5F3759DF, v57;
	v21 =	vmul.f32 v6, v12;
	v4 =	vadd.f32 v55, v4  }
0x3fa: {  	v15 =	vld [tilespmem:s18+$0xFFFFFF40];
	v33 =	vmul.f32 v16, v17;
	v55 =	vadd.f32 $9.999999740e-06, v36;
	v5 =	vadd.f32 v51, v62  }
0x3fb: {  	v41 =	vmul.f32 $7.812500000e-03, v8;
	v62 =	vmul.f32 v43, v43;
	v51 =	vadd.f32 v34, v32  }
0x3fc: {  	v24 =	vld [tilespmem:s18+$0x40];
	v32 =	vmul.f32 v6, v21;
	v11 =	vmul.f32 v16, v33;
	v33 =	vadd.f32 v23, v22  }
0x3fd: {  	v36 =	vld [tilespmem:s18+$0x60];
	v29 =	vadd.f32 v9, v27;
	v14 =	vmul.f32 $5.000000000e-01, v55;
	v8 =	vadd.f32 v62, v13  }
0x3fe: {  	v21 =	vld [tilespmem:s23+$0x40];
	v5 =	vmul.f32 $7.812500000e-03, v5;
	v34 =	vmul.f32 v41, v41;
	v7 =	vsub.f32 $1.500000000e+00, v32  }
0x3ff: {  	v23 =	vld [tilespmem:s18+$0xFFFFFF60];
	v57 =	vsub.f32 $1.500000000e+00, v11;
	v32 =	vadd.f32 v15, v20;
	v62 =	vmul.f32 v51, v51  }
0x400: {  	v11 =	vld [tilespmem:s23+$0xFFFFFFD0];
	v20 =	vshra.s32 v55, $0x1;
	v55 =	vadd.f32 $9.999999740e-06, v25;
	v25 =	vmul.f32 v33, v33  }
0x401: {  	v13 =	vld [tilespmem:s18+$0xFFFFFFD0];
	v20 =	vsub.s32 $0x5F3759DF, v20;
	v56 =	vsub.f32 v5, v34;
	v6 =	vmul.f32 v6, v7  }
0x402: {  	v15 =	vld [tilespmem:s23+$0x50];
	v7 =	vadd.f32 v26, v10;
	v10 =	vmul.f32 v16, v57;
	v57 =	vmul.f32 v48, v48  }
0x403: {  	v5 =	vadd.f32 v62, v8;
	v34 =	vld [tilespmem:s18+$0x50];
	v22 =	vmul.f32 v32, v32;
	v8 =	vmul.f32 $5.000000000e-01, v55  }
0x404: {  	v26 =	vld [tilespmem:s18+$0xFFFFFFE0];
	v62 =	vadd.f32 v24, v21;
	v24 =	vshra.s32 v55, $0x1;
	v7 =	vadd.f32 v57, v7  }
0x405: {  	v21 =	vld [tilespmem:s23+$0xFFFFFF60];
	v57 =	vmul.f32 v20, v14;
	v5 =	vadd.f32 v25, v5;
	v12 =	vmul.f32 v6, v12  }
0x406: {  	v16 =	vld [tilespmem:s23+$0xFFFFFF70];
	v30 =	vadd.f32 v13, v11;
	v11 =	vsub.s32 $0x5F3759DF, v24;
	v25 =	vmul.f32 v62, v62  }
0x407: {  	v4 =	vadd.f32 v22, v4;
	v22 =	vld [tilespmem:s23+$0xFFFFFFE0];
	v9 =	vmul.f32 v20, v57;
	v24 =	vmul.f32 v11, v8  }
0x408: {  	v13 =	vld [tilespmem:s23+$0x60];
	v12 =	vmul.f32 v12, v6;
	v31 =	vadd.f32 v34, v15;
	v34 =	vmul.f32 v29, v29  }
0x409: {  	v57 =	vld [tilespmem:s18+$0xFFFFFF70];
	v7 =	vadd.f32 v25, v7;
	v55 =	vmul.f32 v30, v30;
	v9 =	vsub.f32 $1.500000000e+00, v9  }
0x40a: {  	v15 =	vld [tilespmem:s23+$0xFFFFFFF0];
	v25 =	vmul.f32 v11, v24;
	v27 =	vadd.f32 v23, v21;
	v12 =	vsub.f32 $1.500000000e+00, v12  }
0x40b: {  	v23 =	vld [tilespmem:s18+$0xFFFFFFF0];
	v4 =	vadd.f32 v34, v4;
	v5 =	vadd.f32 v55, v5  }
0x40c: {  	v21 =	vmul.f32 v31, v31;
	v9 =	vmul.f32 v20, v9;
	v20 =	vsub.f32 $1.500000000e+00, v25  }
0x40d: {  	v25 =	vadd.f32 v26, v22;
	v22 =	vmul.f32 v27, v27;
	v26 =	vadd.f32 v36, v13  }
0x40e: {  	v36 =	vmul.f32 v10, v17;
	v7 =	vadd.f32 v21, v7;
	v11 =	vmul.f32 v11, v20  }
0x40f: {  	v21 =	vadd.f32 v57, v16;
	v34 =	vmul.f32 v25, v25;
	v55 =	vmul.f32 v26, v26  }
0x410: {  	v16 =	vld [tilespmem:s23+$0x70];
	v4 =	vadd.f32 v22, v4;
	v57 =	vmul.f32 v9, v14;
	v24 =	vadd.f32 v23, v15  }
0x411: {  	v22 =	vld [tilespmem:s18+$0x70];
	v5 =	vadd.f32 v34, v5;
	v7 =	vadd.f32 v55, v7;
	v34 =	vmul.f32 v36, v10  }
0x412: {  	v13 =	vmul.f32 v57, v9;
	v36 =	vadd.f32 v44, v46;
	v55 =	vadd.f32 v3, v40  }
0x413: {  	v8 =	vmul.f32 v11, v8;
	v57 =	vadd.f32 v39, v37;
	v14 =	vsub.f32 $1.500000000e+00, v34  }
0x414: {  	v13 =	vsub.f32 $1.500000000e+00, v13;
	v15 =	vadd.f32 v45, v36  }
0x415: {  	v8 =	vmul.f32 v8, v11;
	v17 =	vadd.f32 v43, v55;
	v55 =	vadd.f32 v42, v57  }
0x416: {  	v20 =	vmul.f32 v12, v6;
	v22 =	vadd.f32 v22, v16;
	v34 =	vadd.f32 v50, v15  }
0x417: {  	v6 =	vsub.f32 $1.500000000e+00, v8;
	v10 =	vmul.f32 v14, v10;
	v57 =	vadd.f32 v51, v17  }
0x418: {  	v17 =	vadd.f32 v48, v55;
	v8 =	vadd.f32 v32, v34  }
0x419: {  	v6 =	vmul.f32 v6, v11;
	v34 =	vadd.f32 v33, v57;
	v36 =	vmul.f32 v10, v59  }
0x41a: {  	v55 =	vmul.f32 v10, v35;
	v57 =	vmul.f32 v10, v52;
	v11 =	vadd.f32 v62, v17  }
0x41b: {  	v16 =	vmul.f32 v10, v54;
	v35 =	vmul.f32 v21, v21;
	v8 =	vadd.f32 v29, v8  }
0x41c: {  	v54 =	vmul.f32 v22, v22;
	v12 =	vadd.f32 v30, v34;
	v11 =	vadd.f32 v31, v11  }
0x41d: {  	v34 =	vmul.f32 v10, v49;
	v4 =	vadd.f32 v35, v4;
	v49 =	vmul.f32 v24, v24  }
0x41e: {  	v59 =	vmul.f32 v10, v58;
	[tilespmem:$0x1F8F0] =	vst v36;
	v7 =	vadd.f32 v54, v7;
	v12 =	vadd.f32 v25, v12  }
0x41f: {  	v17 =	vmul.f32 v10, v47;
	[tilespmem:$0x1F930] =	vst v55;
	v8 =	vadd.f32 v27, v8;
	v5 =	vadd.f32 v49, v5  }
0x420: {  	[tilespmem:$0x1F940] =	vst v57;
	v10 =	vmul.f32 v10, v60;
	v36 =	vadd.f32 v26, v11;
	v47 =	vadd.f32 v24, v12  }
0x421: {  	[tilespmem:$0x1F980] =	vst v34;
	v57 =	vperm.xlane v4, v61;
	v8 =	vadd.f32 v21, v8;
	v60 =	vperm.xlane v5, v61  }
0x422: {  	[tilespmem:$0x1F990] =	vst v10;
	v34 =	vperm.xlane v7, v61;
	v10 =	vadd.f32 v22, v36;
	v55 =	vperm.xlane v47, v61  }
0x423: {  	v4 =	vadd.f32 v57, v4;
	v52 =	vperm.xlane v8, v61;
	v5 =	vadd.f32 v60, v5  }
0x424: {  	v7 =	vadd.f32 v34, v7;
	v58 =	vperm.xlane v10, v61;
	v11 =	vadd.f32 v47, v55;
	v47 =	vld [tilespmem:$0x1F770]  }
0x425: {  	v35 =	vperm.xlane v4, v0;
	v8 =	vadd.f32 v8, v52;
	v52 =	vld [tilespmem:$0x1F780];
	v54 =	vperm.xlane v5, v0  }
0x426: {  	v9 =	vmul.f32 v13, v9;
	v57 =	vperm.xlane v7, v0;
	v10 =	vadd.f32 v10, v58;
	v55 =	vld [tilespmem:$0x1F790]  }
0x427: {  	[tilespmem:$0x1F950] =	vst v59;
	v4 =	vadd.f32 v35, v4;
	v58 =	vld [tilespmem:$0x1F7A0];
	v59 =	vperm.xlane v8, v0;
	v5 =	vadd.f32 v54, v5  }
0x428: {  	v7 =	vadd.f32 v57, v7;
	v15 =	vperm.xlane v11, v0;
	v36 =	vperm.xlane v10, v0  }
0x429: {  	v61 =	vperm.xlane v4, v1;
	v8 =	vadd.f32 v8, v59;
	v35 =	vperm.xlane v5, v1  }
0x42a: {  	v60 =	vld [tilespmem:$0x1F7B0];
	v10 =	vadd.f32 v10, v36;
	v36 =	vperm.xlane v7, v1;
	v34 =	vmul.f32 v9, v47  }
0x42b: {  	v11 =	vadd.f32 v11, v15;
	v15 =	vld [tilespmem:$0x1F7C0];
	v13 =	vmul.f32 v9, v52;
	v12 =	vmul.f32 v9, v55  }
0x42c: {  	v4 =	vadd.f32 v61, v4;
	v0 =	vmul.f32 v9, v58;
	v47 =	vld [tilespmem:$0x1F7D0];
	v49 =	vperm.xlane v8, v1  }
0x42d: {  	[tilespmem:$0x1F960] =	vst v16;
	v59 =	vperm.xlane v11, v1;
	v16 =	vperm.xlane v10, v1  }
0x42e: {  	v5 =	vadd.f32 v35, v5;
	v7 =	vadd.f32 v36, v7;
	v1 =	vperm.xlane v4, v2  }
0x42f: {  	[tilespmem:$0x1F9C0] =	vst v0;
	v0 =	vmul.f32 v9, v60;
	v8 =	vadd.f32 v8, v49;
	v49 =	vadd.f32 $9.999999740e-06, v56;
	v56 =	vld [tilespmem:$0x1F7E0]  }
0x430: {  	v11 =	vadd.f32 v11, v59;
	v59 =	vmul.f32 v9, v63;
	v63 =	vld [tilespmem:$0x1F7F0];
	v58 =	vmul.f32 v9, v15  }
0x431: {  	[tilespmem:$0x1F970] =	vst v17;
	v10 =	vadd.f32 v10, v16;
	v17 =	vperm.xlane v8, v2;
	v57 =	vmul.f32 v9, v47  }
0x432: {  	v60 =	vshra.s32 v49, $0x1;
	v9 =	vmul.f32 $5.000000000e-01, v49;
	v61 =	vperm.xlane v11, v2  }
0x433: {  	[tilespmem:$0x1F9B0] =	vst v12;
	v36 =	vperm.xlane v10, v2;
	v49 =	vperm.xlane v5, v2;
	v12 =	vsub.s32 $0x5F3759DF, v60  }
0x434: {  	v47 =	vld [tilespmem:$0x1F800];
	v8 =	vadd.f32 v8, v17;
	v11 =	vadd.f32 v11, v61;
	v35 =	vmul.f32 v12, v9  }
0x435: {  	v52 =	vld [tilespmem:$0x1F810];
	v10 =	vadd.f32 v10, v36;
	v55 =	vmul.f32 v6, v56;
	v54 =	vmul.f32 v6, v63  }
0x436: {  	v5 =	vadd.f32 v49, v5;
	v49 =	vld [tilespmem:$0x1F870];
	v56 =	vmul.f32 v6, v38;
	v63 =	vperm.xlane v7, v2  }
0x437: {  	[tilespmem:$0x1F9A0] =	vst v13;
	v13 =	vmul.f32 v12, v35;
	v35 =	vld [tilespmem:$0x1F850];
	v8 =	vmul.f32 $7.812500000e-03, v8  }
0x438: {  	v4 =	vadd.f32 v1, v4;
	v60 =	vld [tilespmem:$0x1F820];
	v11 =	vmul.f32 $7.812500000e-03, v11;
	v10 =	vmul.f32 $7.812500000e-03, v10  }
0x439: {  	[tilespmem:$0x1F9D0] =	vst v0;
	v15 =	vsub.f32 v19, v28;
	v38 =	vld [tilespmem:$0x1F860];
	v5 =	vmul.f32 $7.812500000e-03, v5;
	v0 =	vmul.f32 v6, v47  }
0x43a: {  	v61 =	vld [tilespmem:$0x1F830];
	[tilespmem:$0x1FA00] =	vst v56;
	v7 =	vadd.f32 v63, v7;
	v56 =	vmul.f32 $7.812500000e-03, v4;
	v13 =	vsub.f32 $1.500000000e+00, v13  }
0x43b: {  	v17 =	vld [tilespmem:$0x1F840];
	v45 =	vsub.f32 v45, v8;
	[tilespmem:$0x1F9E0] =	vst v0;
	v0 =	vmul.f32 v6, v52;
	v16 =	vsub.f32 v49, v28  }
0x43c: {  	v4 =	vld [tilespmem:$0x1F890];
	v7 =	vmul.f32 $7.812500000e-03, v7;
	v49 =	vmul.f32 v20, v15;
	v36 =	vsub.f32 v35, v28  }
0x43d: {  	v32 =	vsub.f32 v32, v8;
	v52 =	vld [tilespmem:$0x1F880];
	v12 =	vmul.f32 v12, v13;
	[tilespmem:$0x1F9F0] =	vst v0;
	v0 =	vmul.f32 v6, v60  }
0x43e: {  	v47 =	vsub.f32 v38, v28;
	v38 =	vmul.f32 v11, v11;
	v23 =	vmul.f32 v20, v36;
	v36 =	vld [tilespmem:$0x1F8A0]  }
0x43f: {  	v29 =	vsub.f32 v29, v8;
	v35 =	vmul.f32 v8, v8;
	[tilespmem:$0x1FA10] =	vst v0;
	v0 =	vmul.f32 v6, v61  }
0x440: {  	v13 =	vsub.f32 v18, v28;
	v14 =	vmul.f32 v20, v47;
	v47 =	vmul.f32 v10, v10  }
0x441: {  	v63 =	vsub.f32 v4, v28;
	[tilespmem:$0x1FA20] =	vst v0;
	v0 =	vmul.f32 v6, v17;
	v6 =	vsub.f32 v56, v35  }
0x442: {  	v13 =	vmul.f32 v20, v13;
	v17 =	vsub.f32 v52, v28;
	v52 =	vsub.f32 v7, v47  }
0x443: {  	v61 =	vmul.f32 v20, v63;
	v6 =	vadd.f32 $9.999999740e-06, v6;
	v28 =	vsub.f32 v36, v28  }
0x444: {  	v56 =	vmul.f32 v20, v16;
	v60 =	vmul.f32 v20, v17;
	v15 =	vadd.f32 $9.999999740e-06, v52  }
0x445: {  	v63 =	vmul.f32 v20, v28;
	v20 =	vshra.s32 v6, $0x1;
	v6 =	vmul.f32 $5.000000000e-01, v6  }
0x446: {  	v27 =	vsub.f32 v27, v8;
	v4 =	vsub.f32 v5, v38;
	v20 =	vsub.s32 $0x5F3759DF, v20  }
0x447: {  	[tilespmem:$0x1FA30] =	vst v0;
	v0 =	vshra.s32 v15, $0x1;
	v15 =	vmul.f32 $5.000000000e-01, v15;
	v1 =	vmul.f32 v20, v6  }
0x448: {  	v4 =	vadd.f32 $9.999999740e-06, v4;
	v17 =	vsub.f32 v44, v8;
	v44 =	vsub.s32 $0x5F3759DF, v0  }
0x449: {  	v38 =	vsub.f32 v46, v8;
	v16 =	vmul.f32 v44, v15;
	v46 =	vmul.f32 v20, v1  }
0x44a: {  	v18 =	vsub.f32 v43, v11;
	v5 =	vsub.f32 v50, v8;
	v28 =	vshra.s32 v4, $0x1  }
0x44b: {  	v4 =	vmul.f32 $5.000000000e-01, v4;
	v50 =	vmul.f32 v44, v16;
	v46 =	vsub.f32 $1.500000000e+00, v46  }
0x44c: {  	v43 =	vld [tilespmem:$0x1FF30];
	v9 =	vmul.f32 v12, v9;
	v8 =	vsub.f32 v21, v8;
	v28 =	vsub.s32 $0x5F3759DF, v28  }
0x44d: {  	[tilespmem:$0x1FA40] =	vst v49;
	v7 =	vld [tilespmem:$0x1FFB0];
	v2 =	vmul.f32 v28, v4;
	v21 =	vmul.f32 v20, v46;
	v20 =	vsub.f32 $1.500000000e+00, v50  }
0x44e: {  	v9 =	vmul.f32 v9, v12;
	v35 =	vld [tilespmem:$0x1F8B0];
	[tilespmem:$0x1FA80] =	vst v61;
	v16 =	vsub.f32 v22, v10  }
0x44f: {  	v61 =	vsub.f32 v39, v10;
	v39 =	vld [tilespmem:$0x1F8D0];
	[tilespmem:$0x1FA90] =	vst v63;
	v63 =	vmul.f32 v28, v2;
	v47 =	vmul.f32 v44, v20  }
0x450: {  	v62 =	vsub.f32 v62, v10;
	v9 =	vsub.f32 $1.500000000e+00, v9;
	[tilespmem:$0x1FA50] =	vst v16;
	v16 =	vld [tilespmem:$0x1FEC0]  }
0x451: {  	v49 =	vsub.f32 v48, v10;
	[tilespmem:$0x1FA70] =	vst v60;
	v60 =	vld [tilespmem:$0x1F910];
	v36 =	vsub.f32 $1.500000000e+00, v63;
	v15 =	vmul.f32 v47, v15  }
0x452: {  	v14 =	vmul.f32 v14, v43;
	v9 =	vmul.f32 v9, v12;
	v63 =	vsub.f32 v42, v10;
	v42 =	vld [tilespmem:$0x1F8E0]  }
0x453: {  	v12 =	vmul.f32 v28, v36;
	v36 =	vsub.f32 v37, v10;
	v37 =	vld [tilespmem:$0x1F8C0];
	v15 =	vmul.f32 v15, v47  }
0x454: {  	[tilespmem:$0x1FA60] =	vst v56;
	v52 =	vsub.f32 v31, v10;
	v56 =	vsub.f32 v26, v10;
	v10 =	vld [tilespmem:$0x1FED0]  }
0x455: {  	v14 =	vadd.f32 v14, v7;
	v22 =	vmul.f32 v23, v16;
	v23 =	vld [tilespmem:$0x1FF40];
	v15 =	vsub.f32 $1.500000000e+00, v15  }
0x456: {  	s19 =	simm.s32 $0x16900;
	v44 =	vld [tilespmem:$0x1F8F0]  }
0x457: {  	v15 =	vmul.f32 v15, v47;
	v47 =	vld [tilespmem:$0x1F900];
	[tilespmem:s19+$0xF0] =	vst v14  }
0x458: {  	v4 =	vmul.f32 v12, v4;
	v14 =	vld [tilespmem:$0x1F920]  }
0x459: {  	v40 =	vsub.f32 v40, v11  }
0x45a: {  	v19 =	vsub.f32 v3, v11;
	v25 =	vsub.f32 v25, v11;
	v4 =	vmul.f32 v4, v12  }
0x45b: {  	v46 =	vsub.f32 v51, v11;
	v50 =	vsub.f32 v33, v11;
	v6 =	vmul.f32 v21, v6  }
0x45c: {  	v51 =	vsub.f32 v30, v11;
	v4 =	vsub.f32 $1.500000000e+00, v4  }
0x45d: {  	v11 =	vsub.f32 v24, v11;
	v6 =	vmul.f32 v6, v21;
	v24 =	vsub.f32 v14, v41;
	v14 =	vld [tilespmem:$0x1FF50]  }
0x45e: {  	v4 =	vmul.f32 v4, v12;
	v12 =	vadd.f32 v22, v23  }
0x45f: {  	v6 =	vsub.f32 $1.500000000e+00, v6  }
0x460: {  	v13 =	vmul.f32 v13, v10;
	v33 =	vld [tilespmem:$0x1F930];
	[tilespmem:s19+$0x80] =	vst v12  }
0x461: {  	v48 =	vsub.f32 v37, v41;
	v6 =	vmul.f32 v6, v21;
	v21 =	vsub.f32 v35, v41;
	v28 =	vld [tilespmem:$0x1FEE0]  }
0x462: {  	v22 =	vsub.f32 v53, v41;
	v37 =	vld [tilespmem:$0x1F940];
	v13 =	vadd.f32 v13, v14  }
0x463: {  	v53 =	vsub.f32 v39, v41;
	v39 =	vsub.f32 v42, v41;
	v0 =	vld [tilespmem:$0x1FEF0]  }
0x464: {  	v26 =	vmul.f32 v44, v16;
	v35 =	vsub.f32 v47, v41;
	v47 =	vsub.f32 v60, v41;
	v41 =	vld [tilespmem:$0x1F950];
	[tilespmem:s19+$0x90] =	vst v13  }
0x465: {  	v3 =	vld [tilespmem:$0x1FF10]  }
0x466: {  	v26 =	vadd.f32 v26, v23;
	v12 =	vld [tilespmem:$0x1F970]  }
0x467: {  	v1 =	vld [tilespmem:$0x1FF00]  }
0x468: {  	v42 =	vld [tilespmem:$0x1F960];
	[tilespmem:s19+$0xFFFFFF00] =	vst v26  }
0x469: {  	v2 =	vld [tilespmem:$0x1FF20]  }
0x46a: {  	v30 =	vmul.f32 v33, v10;
	v44 =	vld [tilespmem:$0x1F980]  }
0x46b: {  	v31 =	vmul.f32 v41, v0;
	v41 =	vmul.f32 v12, v3;
	v12 =	vld [tilespmem:$0x1FF60];
	_ =	sdelay $0x1  }
0x46c: {  	v30 =	vadd.f32 v30, v14  }
0x46d: {  	v33 =	vmul.f32 v37, v28  }
0x46e: {  	v60 =	vmul.f32 v44, v2;
	v44 =	vld [tilespmem:$0x1F990];
	[tilespmem:s19+$0xFFFFFF10] =	vst v30  }
0x46f: {  	v26 =	vadd.f32 v33, v12;
	v33 =	vld [tilespmem:$0x1FF70];
	_ =	sdelay $0x1  }
0x470: {  	[tilespmem:s19+$0xFFFFFF20] =	vst v26  }
0x471: {  	v26 =	vld [tilespmem:$0x1FF80];
	_ =	sdelay $0x1  }
0x472: {  	v30 =	vadd.f32 v31, v33  }
0x473: {  	v13 =	vmul.f32 v42, v1  }
0x474: {  	[tilespmem:s19+$0xFFFFFF30] =	vst v30  }
0x475: {  	v20 =	vmul.f32 v6, v38;
	v38 =	vmul.f32 v6, v45;
	v31 =	vadd.f32 v13, v26;
	v45 =	vld [tilespmem:$0x1FF90];
	_ =	sdelay $0x1  }
0x476: {  	v42 =	vmul.f32 v44, v43;
	[tilespmem:s19+$0xFFFFFF40] =	vst v31  }
0x477: {  	v44 =	vmul.f32 v34, v16;
	v34 =	vmul.f32 v6, v32;
	v32 =	vld [tilespmem:$0x1FFA0];
	_ =	sdelay $0x1  }
0x478: {  	v13 =	vmul.f32 v6, v17;
	v17 =	vadd.f32 v41, v45;
	_ =	sdelay $0x1  }
0x479: {  	[tilespmem:s19+$0xFFFFFF50] =	vst v17  }
0x47a: {  	v60 =	vadd.f32 v60, v32;
	v17 =	vld [tilespmem:$0x1F9A0];
	_ =	sdelay $0x1  }
0x47b: {  	[tilespmem:s19+$0xFFFFFF60] =	vst v60  }
0x47c: {  	v30 =	vmul.f32 v6, v8;
	v8 =	vadd.f32 v42, v7;
	v41 =	vmul.f32 v6, v5;
	v5 =	vld [tilespmem:$0x1F9B0]  }
0x47d: {  	v37 =	vmul.f32 v6, v29  }
0x47e: {  	v31 =	vmul.f32 v6, v27;
	v6 =	vmul.f32 v17, v10;
	v17 =	vld [tilespmem:$0x1F9C0];
	[tilespmem:s19+$0xFFFFFF70] =	vst v8  }
0x47f: {  	v8 =	vld [tilespmem:$0x1F9D0]  }
0x480: {  	v44 =	vadd.f32 v44, v23  }
0x481: {  	v6 =	vadd.f32 v6, v14;
	v5 =	vmul.f32 v5, v28  }
0x482: {  	v27 =	vmul.f32 v58, v3;
	[tilespmem:s19+$0xFFFFFF80] =	vst v44  }
0x483: {  	[tilespmem:s19+$0xFFFFFF90] =	vst v6;
	v60 =	vmul.f32 v17, v0;
	v5 =	vadd.f32 v5, v12  }
0x484: {  	v17 =	vmul.f32 v59, v2;
	v59 =	vmovc v12;
	v12 =	vadd.f32 v27, v45;
	v8 =	vmul.f32 v8, v1  }
0x485: {  	v6 =	vmul.f32 v55, v16;
	v55 =	vmul.f32 v54, v10;
	v54 =	vadd.f32 v60, v33;
	[tilespmem:s19+$0xFFFFFFA0] =	vst v5  }
0x486: {  	v29 =	vmul.f32 v57, v43;
	[tilespmem:s19+$0xFFFFFFD0] =	vst v12;
	v60 =	vadd.f32 v8, v26  }
0x487: {  	v5 =	vadd.f32 v17, v32;
	[tilespmem:s19+$0xFFFFFFB0] =	vst v54  }
0x488: {  	[tilespmem:s19+$0xFFFFFFC0] =	vst v60;
	v60 =	vmul.f32 v4, v50;
	v50 =	vadd.f32 v29, v7  }
0x489: {  	v42 =	vmul.f32 v4, v40;
	v40 =	vmul.f32 v4, v46;
	[tilespmem:s19+$0xFFFFFFE0] =	vst v5  }
0x48a: {  	v58 =	vmov v33;
	v44 =	vmul.f32 v4, v19;
	v33 =	vmul.f32 v4, v18;
	[tilespmem:s19+$0xFFFFFFF0] =	vst v50  }
0x48b: {  	v57 =	vmov v26;
	v8 =	vmul.f32 v9, v22;
	v26 =	vmul.f32 v4, v25;
	v50 =	vld [tilespmem:$0x1F9E0]  }
0x48c: {  	v25 =	vmul.f32 v4, v11;
	v54 =	vmovc v32;
	v32 =	vmul.f32 v4, v51;
	v4 =	vadd.f32 v6, v23  }
0x48d: {  	v46 =	vmul.f32 v8, v43  }
0x48e: {  	v55 =	vadd.f32 v55, v14;
	v17 =	vmov v7;
	v51 =	vld [tilespmem:$0x1F9F0];
	[tilespmem:s19+$0x0] =	vst v4  }
0x48f: {  	v5 =	vadd.f32 v46, v17;
	v4 =	vld [tilespmem:$0x1FA00]  }
0x490: {  	s22 =	simm.s32 $0x16B00;
	v12 =	vld [tilespmem:$0x1FA10];
	[tilespmem:s19+$0x10] =	vst v55;
	v6 =	vmul.f32 v50, v28  }
0x491: {  	v46 =	vld [tilespmem:$0x1FA20];
	[tilespmem:s22+$0xF0] =	vst v5  }
0x492: {  	v5 =	vld [tilespmem:$0x1FA30];
	v6 =	vadd.f32 v6, v59;
	_ =	sdelay $0x1  }
0x493: {  	v8 =	vmul.f32 v51, v0;
	[tilespmem:s19+$0x20] =	vst v6  }
0x494: {  	v4 =	vmul.f32 v4, v1;
	v6 =	vld [tilespmem:$0x1FA40]  }
0x495: {  	v12 =	vmul.f32 v12, v3;
	v8 =	vadd.f32 v8, v58  }
0x496: {  	v51 =	vmul.f32 v9, v21;
	v5 =	vmul.f32 v5, v43;
	v4 =	vadd.f32 v4, v57  }
0x497: {  	v29 =	vmov v17;
	v50 =	vmul.f32 v46, v2;
	v12 =	vadd.f32 v12, v45;
	[tilespmem:s19+$0x30] =	vst v8  }
0x498: {  	v21 =	vmul.f32 v9, v48;
	v17 =	vmul.f32 v51, v16;
	[tilespmem:s19+$0x40] =	vst v4;
	v5 =	vadd.f32 v5, v29  }
0x499: {  	[tilespmem:s19+$0x50] =	vst v12;
	v6 =	vmul.f32 v6, v28;
	v28 =	vmul.f32 v15, v36;
	v36 =	vadd.f32 v50, v54  }
0x49a: {  	[tilespmem:s19+$0x70] =	vst v5  }
0x49b: {  	v55 =	vmul.f32 v21, v10;
	v43 =	vadd.f32 v17, v23;
	[tilespmem:s19+$0x60] =	vst v36  }
0x49c: {  	v5 =	vld [tilespmem:$0x1FA50]  }
0x49d: {  	v8 =	vadd.f32 v55, v14;
	v50 =	vld [tilespmem:$0x1FA60];
	[tilespmem:s22+$0x80] =	vst v43  }
0x49e: {  	v22 =	vmov v45;
	v45 =	vmul.f32 v15, v52;
	v52 =	vld [tilespmem:$0x1FA70]  }
0x49f: {  	v49 =	vmul.f32 v15, v49;
	v29 =	vmul.f32 v15, v56;
	v56 =	vld [tilespmem:$0x1FA80];
	[tilespmem:s22+$0x90] =	vst v8  }
0x4a0: {  	v48 =	vmul.f32 v15, v63;
	v46 =	vmul.f32 v15, v62;
	v62 =	vld [tilespmem:$0x1FA90]  }
0x4a1: {  	v51 =	vmul.f32 v15, v61;
	v23 =	vmul.f32 v9, v39  }
0x4a2: {  	v21 =	vmul.f32 v15, v5;
	v5 =	vmul.f32 v50, v0  }
0x4a3: {  	v39 =	vmul.f32 v9, v35;
	v6 =	vadd.f32 v6, v59;
	v55 =	vmul.f32 v52, v1  }
0x4a4: {  	v35 =	vmul.f32 v9, v24;
	v36 =	vmul.f32 v9, v47;
	v5 =	vadd.f32 v5, v58  }
0x4a5: {  	[tilespmem:s19+$0xA0] =	vst v6;
	v61 =	vmul.f32 v56, v3;
	v63 =	vmul.f32 v62, v2;
	v4 =	vadd.f32 v55, v57  }
0x4a6: {  	v47 =	vmul.f32 v20, v16;
	v43 =	vmul.f32 v9, v53;
	[tilespmem:s19+$0xB0] =	vst v5  }
0x4a7: {  	s11 =	simm.s32 $0xAD00;
	s10 =	simm.s32 $0x4;
	v24 =	vadd.f32 v61, v22;
	v22 =	vmul.f32 v13, v10;
	v20 =	vadd.f32 v63, v54;
	[tilespmem:s19+$0xC0] =	vst v4  }
.LBB2_9:
0x4a8: {  	v4 =	vld [tilespmem:s11+$0xA0]  }
0x4a9: {  	v50 =	vld [tilespmem:$0x1FEE0]  }
0x4aa: {  	v52 =	vld [tilespmem:$0x1FEF0]  }
0x4ab: {  	v2 =	vld [tilespmem:$0x1FF40]  }
0x4ac: {  	v53 =	vld [tilespmem:$0x1FF10]  }
0x4ad: {  	v3 =	vld [tilespmem:$0x1FF50]  }
0x4ae: {  	v54 =	vld [tilespmem:$0x1FF20]  }
0x4af: {  	v18 =	vld [tilespmem:$0x1FF30]  }
0x4b0: {  	v1 =	vld [tilespmem:$0x1FEC0]  }
0x4b1: {  	v27 =	vld [tilespmem:$0x1FED0]  }
0x4b2: {  	v55 =	vld [tilespmem:$0x1FF70]  }
0x4b3: {  	v56 =	vld [tilespmem:$0x1FF80]  }
0x4b4: {  	v57 =	vld [tilespmem:$0x1FF90]  }
0x4b5: {  	v19 =	vld [tilespmem:$0x1FFB0];
	[tilespmem:s19+$0xD0] =	vst v24  }
0x4b6: {  	s18 =	sadd.s32 $0x200, s18;
	v7 =	vld [tilespmem:s11+$0x80];
	[tilespmem:s19+$0xE0] =	vst v20  }
0x4b7: {  	v11 =	vld [tilespmem:s18+$0x80]  }
0x4b8: {  	v15 =	vld [tilespmem:s11+$0x90]  }
0x4b9: {  	v17 =	vld [tilespmem:s18+$0x90]  }
0x4ba: {  	v20 =	vld [tilespmem:s18+$0xA0]  }
0x4bb: {  	v24 =	vld [tilespmem:s18+$0xB0]  }
0x4bc: {  	v61 =	vld [tilespmem:s11+$0xC0];
	v5 =	vmul.f32 v38, v50;
	v6 =	vmul.f32 v41, v52  }
0x4bd: {  	v63 =	vld [tilespmem:s18+$0xC0];
	v10 =	vmul.f32 v37, v53;
	v13 =	vmul.f32 v31, v54  }
0x4be: {  	v8 =	vadd.f32 v47, v2;
	v41 =	vld [tilespmem:$0x1FF00];
	v14 =	vmul.f32 v30, v18;
	v16 =	vmul.f32 v44, v27  }
0x4bf: {  	v12 =	vadd.f32 v22, v3;
	v30 =	vld [tilespmem:$0x1FF60];
	v37 =	vmul.f32 v40, v52;
	v38 =	vmul.f32 v32, v53  }
0x4c0: {  	v22 =	vld [tilespmem:s11+$0xB0];
	v40 =	vmul.f32 v25, v18;
	v58 =	vmul.f32 v43, v50;
	[tilespmem:s22+$0xFFFFFF00] =	vst v8  }
0x4c1: {  	v25 =	vld [tilespmem:$0x1FFA0];
	v0 =	vmul.f32 v49, v52;
	v45 =	vmul.f32 v45, v53;
	[tilespmem:s22+$0xFFFFFF10] =	vst v12  }
0x4c2: {  	v8 =	vmul.f32 v42, v1;
	v6 =	vadd.f32 v6, v55;
	v12 =	vmul.f32 v33, v50;
	[tilespmem:$0x1F720] =	vst v58;
	v58 =	vld [tilespmem:s11+$0xFFFFFF80]  }
0x4c3: {  	v59 =	vadd.f32 v10, v57;
	v62 =	vadd.f32 v14, v19;
	[tilespmem:$0x1F6E0] =	vst v0;
	v0 =	vld [tilespmem:$0x1FFF0];
	v9 =	vmul.f32 v34, v41  }
0x4c4: {  	v42 =	vmul.f32 v51, v27;
	[tilespmem:$0x1F700] =	vst v45;
	v44 =	vadd.f32 v17, v15;
	v31 =	vadd.f32 v20, v4;
	v4 =	vld [tilespmem:s11+$0xD0]  }
0x4c5: {  	v15 =	vld [tilespmem:s11+$0xE0];
	v33 =	vadd.f32 v63, v61;
	v20 =	vmov v3;
	[tilespmem:s22+$0xFFFFFF50] =	vst v59;
	v47 =	vadd.f32 v9, v56  }
0x4c6: {  	[tilespmem:s22+$0xFFFFFF70] =	vst v62;
	v59 =	vld [tilespmem:s18+$0xE0];
	v5 =	vadd.f32 v5, v30;
	v34 =	vmul.f32 v46, v41;
	v46 =	vmul.f32 v29, v54  }
0x4c7: {  	v62 =	vld [tilespmem:s18+$0xF0];
	v61 =	vmul.f32 v39, v41;
	v9 =	vmul.f32 v60, v41;
	[tilespmem:s22+$0xFFFFFF40] =	vst v47;
	v47 =	vadd.f32 v11, v7  }
0x4c8: {  	[tilespmem:s22+$0xFFFFFF30] =	vst v6;
	v60 =	vadd.f32 v13, v25;
	v13 =	vmul.f32 v28, v1;
	v28 =	vmul.f32 v48, v50;
	v48 =	vld [tilespmem:s18+$0xD0]  }
0x4c9: {  	v51 =	vmul.f32 v44, v44;
	[tilespmem:$0x1F710] =	vst v46;
	v46 =	vld [tilespmem:s11+$0xF0];
	v49 =	vmul.f32 v47, v47;
	v11 =	vadd.f32 v44, v47  }
0x4ca: {  	v32 =	vadd.f32 v24, v22;
	v45 =	vmul.f32 v31, v31;
	[tilespmem:$0x1F740] =	vst v61;
	v61 =	vadd.f32 v16, v3;
	v3 =	vld [tilespmem:$0x1FFC0]  }
0x4cb: {  	[tilespmem:s22+$0xFFFFFF60] =	vst v60;
	v60 =	vmul.f32 v23, v52;
	v52 =	vld [tilespmem:s11+$0x10];
	v6 =	vadd.f32 v51, v49;
	v11 =	vadd.f32 v31, v11  }
0x4cc: {  	v8 =	vadd.f32 v8, v2;
	v22 =	vmov v2;
	[tilespmem:s22+$0xFFFFFF20] =	vst v5;
	v13 =	vadd.f32 v13, v2;
	v2 =	vld [tilespmem:$0x1FFD0]  }
0x4cd: {  	v63 =	vmul.f32 v32, v32;
	[tilespmem:$0x1F730] =	vst v60;
	v60 =	vld [tilespmem:s18+$0xFFFFFF80];
	v6 =	vadd.f32 v45, v6;
	v11 =	vadd.f32 v32, v11  }
0x4ce: {  	v10 =	vmul.f32 v26, v54;
	[tilespmem:$0x1F6F0] =	vst v34;
	v5 =	vmul.f32 v36, v53;
	v43 =	vld [tilespmem:s18+$0xFFFFFF00];
	v34 =	vadd.f32 v48, v4  }
0x4cf: {  	v50 =	vmul.f32 v33, v33;
	v41 =	vld [tilespmem:s11+$0xFFFFFF10];
	v48 =	vadd.f32 v63, v6;
	v49 =	vadd.f32 v33, v11  }
0x4d0: {  	v36 =	vmul.f32 v35, v54;
	[tilespmem:$0x1F750] =	vst v5;
	v35 =	vadd.f32 v59, v15;
	v17 =	vld [tilespmem:s18+$0xFFFFFF20];
	v54 =	vadd.f32 v62, v46  }
0x4d1: {  	[tilespmem:s22+$0xFFFFFF80] =	vst v8;
	v51 =	vld [tilespmem:s18+$0xFFFFFF10];
	v59 =	vmul.f32 v34, v34;
	v5 =	vadd.f32 v50, v48;
	v6 =	vadd.f32 v34, v49  }
0x4d2: {  	[tilespmem:$0x1F760] =	vst v36;
	v8 =	vld [tilespmem:s11+$0xFFFFFF90];
	v45 =	vadd.f32 v12, v30;
	v36 =	vadd.f32 v60, v58  }
0x4d3: {  	v62 =	vmul.f32 v35, v35;
	v58 =	vld [tilespmem:s18+$0x10];
	v5 =	vadd.f32 v59, v5;
	v6 =	vadd.f32 v35, v6  }
0x4d4: {  	v26 =	vmov v1;
	v10 =	vadd.f32 v10, v25;
	v46 =	vadd.f32 v37, v55;
	v63 =	vld [tilespmem:s18+$0xFFFFFF90];
	[tilespmem:s22+$0xFFFFFF90] =	vst v61  }
0x4d5: {  	[tilespmem:s22+$0xFFFFFFA0] =	vst v45;
	v48 =	vld [tilespmem:s11+$0x0];
	v49 =	vmul.f32 v54, v54;
	v5 =	vadd.f32 v62, v5;
	v6 =	vadd.f32 v54, v6  }
0x4d6: {  	v29 =	vmul.f32 v21, v18;
	v24 =	vmovc v55;
	v23 =	vmov v56;
	[tilespmem:s22+$0xFFFFFFB0] =	vst v46;
	v41 =	vadd.f32 v51, v41;
	v50 =	vld [tilespmem:s18+$0x0]  }
0x4d7: {  	v60 =	vld [tilespmem:s11+$0xFFFFFF00];
	[tilespmem:s22+$0xFFFFFFE0] =	vst v10;
	v51 =	vadd.f32 v9, v56;
	v5 =	vadd.f32 v49, v5;
	v56 =	vperm.xlane v6, v3  }
0x4d8: {  	v53 =	vadd.f32 v40, v19;
	v11 =	vld [tilespmem:s11+$0xFFFFFF20];
	v46 =	vmul.f32 v36, v36;
	[tilespmem:s22+$0x0] =	vst v13;
	v62 =	vadd.f32 v42, v20  }
0x4d9: {  	v1 =	vld [tilespmem:$0x1FFE0];
	[tilespmem:s22+$0xFFFFFFC0] =	vst v51;
	v59 =	vadd.f32 v38, v57;
	v6 =	vadd.f32 v6, v56;
	v45 =	vperm.xlane v5, v3  }
0x4da: {  	v12 =	vmul.f32 v41, v41;
	v13 =	vld [tilespmem:s11+$0x20];
	v39 =	vadd.f32 v58, v52;
	v38 =	vadd.f32 v63, v8;
	[tilespmem:s22+$0x10] =	vst v62  }
0x4db: {  	[tilespmem:s22+$0xFFFFFFD0] =	vst v59;
	v37 =	vadd.f32 v50, v48;
	v7 =	vld [tilespmem:s18+$0x20];
	v55 =	vperm.xlane v6, v2;
	v5 =	vadd.f32 v45, v5  }
0x4dc: {  	v10 =	vadd.f32 v38, v36;
	v61 =	vmul.f32 v38, v38;
	v49 =	vadd.f32 v43, v60;
	v56 =	vld [tilespmem:s11+$0xFFFFFFA0];
	[tilespmem:s22+$0xFFFFFFF0] =	vst v53  }
0x4dd: {  	v50 =	vadd.f32 v17, v11;
	v63 =	vld [tilespmem:s18+$0xFFFFFFA0];
	v4 =	vadd.f32 v6, v55;
	v52 =	vperm.xlane v5, v2  }
0x4de: {  	v16 =	vld [tilespmem:s11+$0xFFFFFF50];
	v60 =	vmul.f32 v39, v39;
	v9 =	vadd.f32 v61, v46;
	v58 =	vmul.f32 v49, v49  }
0x4df: {  	v21 =	vmovc v57;
	v11 =	vld [tilespmem:s18+$0xFFFFFF30];
	v59 =	vadd.f32 v41, v49;
	v57 =	vperm.xlane v4, v1;
	v5 =	vadd.f32 v52, v5  }
0x4e0: {  	v15 =	vadd.f32 v39, v37;
	v53 =	vmul.f32 v37, v37;
	v62 =	vld [tilespmem:s11+$0xFFFFFFB0];
	v12 =	vadd.f32 v12, v58  }
0x4e1: {  	v17 =	vadd.f32 v50, v59;
	v6 =	vld [tilespmem:s11+$0xFFFFFF30];
	v4 =	vadd.f32 v4, v57;
	v61 =	vperm.xlane v5, v1  }
0x4e2: {  	v58 =	vld [tilespmem:s18+$0x30];
	v42 =	vadd.f32 v7, v13;
	v43 =	vadd.f32 v63, v56  }
0x4e3: {  	v14 =	vadd.f32 v60, v53;
	v63 =	vld [tilespmem:s18+$0xFFFFFFB0];
	v55 =	vperm.xlane v4, v0;
	v5 =	vadd.f32 v61, v5  }
0x4e4: {  	v15 =	vadd.f32 v42, v15;
	v53 =	vmul.f32 v42, v42;
	v10 =	vadd.f32 v43, v10;
	v57 =	vld [tilespmem:s11+$0x30]  }
0x4e5: {  	v48 =	vld [tilespmem:s11+$0xFFFFFF40];
	v60 =	vmul.f32 v43, v43;
	v4 =	vadd.f32 v4, v55;
	v59 =	vperm.xlane v5, v0  }
0x4e6: {  	v14 =	vadd.f32 v53, v14;
	v51 =	vadd.f32 v11, v6;
	v6 =	vld [tilespmem:s18+$0xFFFFFF40]  }
0x4e7: {  	v8 =	vld [tilespmem:s11+$0xFFFFFFC0];
	v9 =	vadd.f32 v60, v9;
	v40 =	vmul.f32 $7.812500000e-03, v4;
	v61 =	vadd.f32 v59, v5  }
0x4e8: {  	v7 =	vld [tilespmem:s11+$0x40];
	v56 =	vmul.f32 v50, v50;
	v46 =	vadd.f32 v63, v62;
	v11 =	vadd.f32 v51, v17  }
0x4e9: {  	v60 =	vld [tilespmem:s18+$0x40];
	v45 =	vadd.f32 v58, v57;
	v4 =	vmul.f32 $7.812500000e-03, v61;
	v62 =	vmul.f32 v40, v40  }
0x4ea: {  	v17 =	vld [tilespmem:s18+$0x50];
	v10 =	vadd.f32 v46, v10;
	v13 =	vmul.f32 v46, v46;
	v5 =	vadd.f32 v56, v12  }
0x4eb: {  	v63 =	vmul.f32 v51, v51;
	v12 =	vld [tilespmem:s18+$0xFFFFFFC0];
	v55 =	vadd.f32 v6, v48;
	v4 =	vsub.f32 v4, v62  }
0x4ec: {  	v6 =	vld [tilespmem:s18+$0xFFFFFF50];
	v15 =	vadd.f32 v45, v15;
	v9 =	vadd.f32 v13, v9  }
0x4ed: {  	v61 =	vmul.f32 v45, v45;
	v5 =	vadd.f32 v63, v5;
	v63 =	vld [tilespmem:s18+$0xFFFFFFD0];
	v4 =	vadd.f32 $9.999999740e-06, v4  }
0x4ee: {  	v48 =	vadd.f32 v60, v7;
	v11 =	vadd.f32 v55, v11;
	v62 =	vld [tilespmem:s11+$0xFFFFFFD0]  }
0x4ef: {  	v57 =	vld [tilespmem:s11+$0xFFFFFF60];
	v14 =	vadd.f32 v61, v14;
	v59 =	vshra.s32 v4, $0x1;
	v4 =	vmul.f32 $5.000000000e-01, v4  }
0x4f0: {  	v7 =	vld [tilespmem:s11+$0x50];
	v61 =	vmul.f32 v55, v55;
	v52 =	vadd.f32 v12, v8;
	v13 =	vsub.s32 $0x5F3759DF, v59  }
0x4f1: {  	v35 =	vsub.f32 v35, v40;
	v15 =	vadd.f32 v48, v15;
	v8 =	vld [tilespmem:s11+$0xFFFFFFE0];
	v60 =	vmul.f32 v13, v4  }
0x4f2: {  	v58 =	vadd.f32 v6, v16;
	v5 =	vadd.f32 v61, v5;
	v61 =	vld [tilespmem:s18+$0xFFFFFFE0];
	v59 =	vmul.f32 v52, v52  }
0x4f3: {  	v6 =	vld [tilespmem:s18+$0xFFFFFF60];
	v10 =	vadd.f32 v52, v10;
	v56 =	vadd.f32 v63, v62;
	v53 =	vmul.f32 v13, v60  }
0x4f4: {  	v16 =	vmul.f32 v48, v48;
	v11 =	vadd.f32 v58, v11;
	v62 =	vld [tilespmem:s18+$0xFFFFFF70];
	v9 =	vadd.f32 v59, v9  }
0x4f5: {  	v59 =	vmul.f32 v56, v56;
	v60 =	vsub.f32 $1.500000000e+00, v53;
	v53 =	vadd.f32 v17, v7;
	v7 =	vld [tilespmem:s11+$0x60]  }
0x4f6: {  	v12 =	vmul.f32 v58, v58;
	v14 =	vadd.f32 v16, v14;
	v10 =	vadd.f32 v56, v10;
	v17 =	vld [tilespmem:s18+$0x60]  }
0x4f7: {  	v63 =	vld [tilespmem:s18+$0xFFFFFFF0];
	v9 =	vadd.f32 v59, v9;
	v59 =	vadd.f32 v61, v8;
	v13 =	vmul.f32 v13, v60  }
0x4f8: {  	v5 =	vadd.f32 v12, v5;
	v60 =	vadd.f32 v6, v57;
	v6 =	vld [tilespmem:s11+$0xFFFFFF70];
	v16 =	vmul.f32 v53, v53  }
0x4f9: {  	v8 =	vld [tilespmem:s11+$0xFFFFFFF0];
	v10 =	vadd.f32 v59, v10;
	v15 =	vadd.f32 v53, v15;
	v4 =	vmul.f32 v13, v4  }
0x4fa: {  	v11 =	vadd.f32 v60, v11;
	v12 =	vmul.f32 v60, v60;
	v14 =	vadd.f32 v16, v14  }
0x4fb: {  	v16 =	vsub.f32 v47, v40;
	v57 =	vadd.f32 v17, v7;
	v7 =	vld [tilespmem:s11+$0x70];
	v4 =	vmul.f32 v4, v13  }
0x4fc: {  	v47 =	vmul.f32 v59, v59;
	v17 =	vsub.f32 v54, v40;
	v5 =	vadd.f32 v12, v5;
	v12 =	vld [tilespmem:s18+$0x70]  }
0x4fd: {  	v61 =	vadd.f32 v62, v6;
	v4 =	vsub.f32 $1.500000000e+00, v4  }
0x4fe: {  	v54 =	vadd.f32 v63, v8;
	v9 =	vadd.f32 v47, v9;
	v62 =	vmul.f32 v57, v57  }
0x4ff: {  	v6 =	vadd.f32 v57, v15;
	v11 =	vadd.f32 v61, v11;
	v47 =	vmul.f32 v4, v13  }
0x500: {  	v63 =	vmul.f32 v54, v54;
	v62 =	vadd.f32 v62, v14;
	v14 =	vsub.f32 v44, v40  }
0x501: {  	v13 =	vmul.f32 v61, v61;
	v44 =	vadd.f32 v12, v7;
	v4 =	vmul.f32 v47, v17  }
0x502: {  	v10 =	vadd.f32 v54, v10;
	v9 =	vadd.f32 v63, v9;
	v17 =	vperm.xlane v11, v3  }
0x503: {  	v5 =	vadd.f32 v13, v5;
	v6 =	vadd.f32 v44, v6;
	v4 =	vmul.f32 v4, v18  }
0x504: {  	v12 =	vmul.f32 v44, v44;
	v7 =	vadd.f32 v11, v17;
	v11 =	vperm.xlane v10, v3  }
0x505: {  	v13 =	vperm.xlane v5, v3;
	v17 =	vperm.xlane v9, v3;
	v4 =	vadd.f32 v4, v19  }
0x506: {  	s19 =	smov.u32 s22;
	s22 =	sadd.s32 $0x200, s22;
	v8 =	vadd.f32 v12, v62;
	v62 =	vperm.xlane v6, v3;
	v63 =	vperm.xlane v7, v2  }
0x507: {  	v12 =	vmul.f32 v47, v14;
	v10 =	vadd.f32 v10, v11;
	[tilespmem:s22+$0xF0] =	vst v4;
	v4 =	vadd.f32 v13, v5  }
0x508: {  	v5 =	vadd.f32 v6, v62;
	v62 =	vperm.xlane v8, v3;
	v7 =	vadd.f32 v7, v63  }
0x509: {  	v9 =	vadd.f32 v17, v9;
	v63 =	vperm.xlane v10, v2;
	v3 =	vperm.xlane v4, v2  }
0x50a: {  	v17 =	vperm.xlane v5, v2;
	v6 =	vadd.f32 v62, v8;
	v62 =	vperm.xlane v7, v1  }
0x50b: {  	v10 =	vadd.f32 v10, v63;
	v63 =	vperm.xlane v9, v2;
	v4 =	vadd.f32 v3, v4  }
0x50c: {  	v5 =	vadd.f32 v5, v17;
	v3 =	vperm.xlane v6, v2;
	v7 =	vadd.f32 v7, v62  }
0x50d: {  	v17 =	vperm.xlane v10, v1;
	v9 =	vadd.f32 v63, v9;
	v62 =	vperm.xlane v4, v1  }
0x50e: {  	v13 =	vperm.xlane v5, v1;
	v6 =	vadd.f32 v3, v6;
	v63 =	vperm.xlane v7, v0  }
0x50f: {  	v8 =	vadd.f32 v10, v17;
	v2 =	vperm.xlane v9, v1;
	v4 =	vadd.f32 v62, v4  }
0x510: {  	v5 =	vadd.f32 v5, v13;
	v17 =	vperm.xlane v6, v1;
	v7 =	vadd.f32 v7, v63  }
0x511: {  	v62 =	vperm.xlane v8, v0;
	v9 =	vadd.f32 v2, v9;
	v63 =	vperm.xlane v4, v0  }
0x512: {  	v13 =	vperm.xlane v5, v0;
	v6 =	vadd.f32 v17, v6;
	v7 =	vmul.f32 $7.812500000e-03, v7  }
0x513: {  	v8 =	vadd.f32 v8, v62;
	v1 =	vperm.xlane v9, v0;
	v4 =	vadd.f32 v63, v4  }
0x514: {  	v5 =	vadd.f32 v5, v13;
	v2 =	vperm.xlane v6, v0;
	v17 =	vmul.f32 v7, v7  }
0x515: {  	v8 =	vmul.f32 $7.812500000e-03, v8;
	v9 =	vadd.f32 v1, v9;
	v10 =	vsub.f32 v49, v7  }
0x516: {  	v4 =	vmul.f32 $7.812500000e-03, v4;
	v5 =	vmul.f32 $7.812500000e-03, v5;
	v6 =	vadd.f32 v2, v6  }
0x517: {  	v13 =	vsub.f32 v41, v7;
	v9 =	vmul.f32 $7.812500000e-03, v9;
	v62 =	vmul.f32 v8, v8  }
0x518: {  	v4 =	vsub.f32 v4, v17;
	v6 =	vmul.f32 $7.812500000e-03, v6;
	v63 =	vmul.f32 v5, v5  }
0x519: {  	v0 =	vmul.f32 v47, v16;
	v14 =	vsub.f32 v50, v7;
	v9 =	vsub.f32 v9, v62  }
0x51a: {  	v4 =	vadd.f32 $9.999999740e-06, v4;
	v6 =	vsub.f32 v6, v63  }
0x51b: {  	v58 =	vsub.f32 v58, v7;
	v11 =	vmul.f32 v0, v26;
	v9 =	vadd.f32 $9.999999740e-06, v9  }
0x51c: {  	v1 =	vshra.s32 v4, $0x1;
	v4 =	vmul.f32 $5.000000000e-01, v4;
	v6 =	vadd.f32 $9.999999740e-06, v6  }
0x51d: {  	v2 =	vshra.s32 v9, $0x1;
	v9 =	vmul.f32 $5.000000000e-01, v9;
	v15 =	vsub.s32 $0x5F3759DF, v1  }
0x51e: {  	v16 =	vsub.s32 $0x5F3759DF, v2;
	v3 =	vshra.s32 v6, $0x1;
	v6 =	vmul.f32 $5.000000000e-01, v6  }
0x51f: {  	v62 =	vmul.f32 v15, v4;
	v0 =	vmul.f32 v16, v9;
	v17 =	vsub.s32 $0x5F3759DF, v3  }
0x520: {  	v60 =	vsub.f32 v60, v7;
	v36 =	vsub.f32 v36, v8;
	v3 =	vmul.f32 v17, v6  }
0x521: {  	v43 =	vsub.f32 v43, v8;
	v41 =	vmul.f32 v15, v62;
	v49 =	vmul.f32 v16, v0  }
0x522: {  	v46 =	vsub.f32 v46, v8;
	v2 =	vsub.f32 v55, v7;
	v55 =	vmul.f32 v17, v3  }
0x523: {  	v41 =	vsub.f32 $1.500000000e+00, v41;
	v49 =	vsub.f32 $1.500000000e+00, v49  }
0x524: {  	v52 =	vsub.f32 v52, v8;
	v55 =	vsub.f32 $1.500000000e+00, v55  }
0x525: {  	v39 =	vsub.f32 v39, v5;
	v15 =	vmul.f32 v15, v41;
	v16 =	vmul.f32 v16, v49  }
0x526: {  	v1 =	vsub.f32 v51, v7;
	v7 =	vsub.f32 v61, v7;
	v17 =	vmul.f32 v17, v55  }
0x527: {  	v61 =	vsub.f32 v32, v40;
	v4 =	vmul.f32 v15, v4;
	v9 =	vmul.f32 v16, v9  }
0x528: {  	v62 =	vsub.f32 v34, v40;
	v49 =	vsub.f32 v38, v8;
	v6 =	vmul.f32 v17, v6  }
0x529: {  	v55 =	vsub.f32 v56, v8;
	v4 =	vmul.f32 v4, v15;
	v9 =	vmul.f32 v9, v16  }
0x52a: {  	v56 =	vsub.f32 v59, v8;
	v8 =	vsub.f32 v54, v8;
	v6 =	vmul.f32 v6, v17  }
0x52b: {  	v35 =	vmul.f32 v47, v35;
	v4 =	vsub.f32 $1.500000000e+00, v4;
	v9 =	vsub.f32 $1.500000000e+00, v9  }
0x52c: {  	v12 =	vmul.f32 v12, v27;
	v54 =	vsub.f32 v37, v5;
	v6 =	vsub.f32 $1.500000000e+00, v6  }
0x52d: {  	v59 =	vsub.f32 v42, v5;
	v4 =	vmul.f32 v4, v15;
	v9 =	vmul.f32 v9, v16  }
0x52e: {  	v15 =	vsub.f32 v45, v5;
	v16 =	vsub.f32 v48, v5;
	v6 =	vmul.f32 v6, v17  }
0x52f: {  	v51 =	vld [tilespmem:$0x1F6F0];
	v17 =	vsub.f32 v53, v5;
	v10 =	vmul.f32 v4, v10;
	v53 =	vsub.f32 v57, v5  }
0x530: {  	v32 =	vld [tilespmem:$0x1F700];
	v5 =	vsub.f32 v44, v5;
	v13 =	vmul.f32 v4, v13;
	v38 =	vmul.f32 v4, v14  }
0x531: {  	v57 =	vsub.f32 v31, v40;
	v41 =	vmul.f32 v4, v1;
	v34 =	vmul.f32 v4, v2  }
0x532: {  	v14 =	vsub.f32 v33, v40;
	v37 =	vmul.f32 v4, v58;
	v31 =	vmul.f32 v4, v60  }
0x533: {  	v0 =	vmovc v30;
	v48 =	vld [tilespmem:$0x1F6E0];
	v60 =	vadd.f32 v28, v30;
	v30 =	vmul.f32 v4, v7;
	v42 =	vmul.f32 v9, v36  }
0x534: {  	v44 =	vmul.f32 v9, v49;
	v33 =	vmul.f32 v9, v43;
	v58 =	vadd.f32 v51, v23;
	v36 =	vld [tilespmem:$0x1F710]  }
0x535: {  	v4 =	vadd.f32 v32, v21;
	v32 =	vmul.f32 v9, v55;
	v43 =	vadd.f32 v29, v19;
	[tilespmem:s19+$0x20] =	vst v60  }
0x536: {  	v63 =	vmovc v26;
	v2 =	vmov v23;
	v26 =	vmul.f32 v9, v56;
	v56 =	vld [tilespmem:$0x1F720];
	v23 =	vmul.f32 v47, v61;
	[tilespmem:s19+$0x40] =	vst v58  }
0x537: {  	v55 =	vadd.f32 v12, v20;
	v28 =	vmul.f32 v6, v54;
	[tilespmem:s19+$0x70] =	vst v43;
	v43 =	vmul.f32 v47, v57;
	v57 =	vld [tilespmem:$0x1F730]  }
0x538: {  	[tilespmem:s19+$0x50] =	vst v4;
	v54 =	vadd.f32 v11, v22;
	v50 =	vadd.f32 v48, v24;
	v48 =	vmul.f32 v6, v59;
	v59 =	vld [tilespmem:$0x1F740]  }
0x539: {  	s10 =	sadd.s32 $0x4, s10;
	v51 =	vmul.f32 v6, v39;
	[tilespmem:s22+$0x90] =	vst v55;
	v7 =	vadd.f32 v36, v25;
	v36 =	vmul.f32 v47, v62;
	v62 =	vld [tilespmem:$0x1F750]  }
0x53a: {  	p0 =	slt.u32 s10, $0x7C;
	v39 =	vmul.f32 v47, v14;
	[tilespmem:s22+$0x80] =	vst v54;
	v47 =	vmul.f32 v10, v63;
	v63 =	vld [tilespmem:$0x1F760]  }
.Ltmp3:
0x53b: {  	v40 =	vmul.f32 v9, v46;
	v60 =	vmul.f32 v9, v52;
	[tilespmem:s19+$0x30] =	vst v50;
	v4 =	vadd.f32 v56, v0;
	(pc) =	sbr.rel @p0 .LBB2_9-.Ltmp3, $4  }
0x53c: {  	v49 =	vmul.f32 v6, v15;
	v46 =	vmul.f32 v6, v16;
	[tilespmem:s19+$0x60] =	vst v7;
	v58 =	vadd.f32 v57, v24  }
0x53d: {  	v45 =	vmul.f32 v6, v17;
	v29 =	vmul.f32 v6, v53;
	[tilespmem:s19+$0xA0] =	vst v4;
	v61 =	vadd.f32 v59, v2  }
0x53e: {  	v18 =	vmovc v25;
	v3 =	vmov v21;
	v21 =	vmul.f32 v6, v5;
	v22 =	vmul.f32 v13, v27;
	[tilespmem:s19+$0xB0] =	vst v58  }
0x53f: {  	s11 =	sadd.s32 $0x200, s11;
	v25 =	vmul.f32 v9, v8;
	v24 =	vadd.f32 v62, v3;
	[tilespmem:s19+$0xC0] =	vst v61;
	v20 =	vadd.f32 v63, v18  }
0x540: {  	_ = 	snop  }
0x541: {  	v11 =	vld [tilespmem:$0x1FEE0];
	[tilespmem:s19+$0xD0] =	vst v24  }
0x542: {  	v1 =	vld [tilespmem:$0x1FF40]  }
0x543: {  	v12 =	vld [tilespmem:$0x1FEF0];
	[tilespmem:s19+$0xE0] =	vst v20  }
0x544: {  	v2 =	vld [tilespmem:$0x1FF50];
	_ =	sdelay $0x2  }
0x545: {  	v5 =	vadd.f32 v47, v1;
	_ =	sdelay $0x1  }
0x546: {  	v13 =	vld [tilespmem:$0x1FF00];
	v7 =	vadd.f32 v22, v2;
	[tilespmem:s22+$0xFFFFFF00] =	vst v5  }
0x547: {  	v3 =	vld [tilespmem:$0x1FF60]  }
0x548: {  	v14 =	vld [tilespmem:$0x1FF10];
	[tilespmem:s22+$0xFFFFFF10] =	vst v7  }
0x549: {  	v16 =	vld [tilespmem:$0x1FF70]  }
0x54a: {  	v4 =	vmul.f32 v38, v11;
	_ =	sdelay $0x1  }
0x54b: {  	v6 =	vmul.f32 v41, v12;
	v4 =	vadd.f32 v4, v3;
	_ =	sdelay $0x1  }
0x54c: {  	v15 =	vld [tilespmem:$0x1FF20];
	v6 =	vadd.f32 v6, v16;
	[tilespmem:s22+$0xFFFFFF20] =	vst v4  }
0x54d: {  	v17 =	vld [tilespmem:$0x1FF80]  }
0x54e: {  	v0 =	vld [tilespmem:$0x1FF30];
	[tilespmem:s22+$0xFFFFFF30] =	vst v6  }
0x54f: {  	v18 =	vld [tilespmem:$0x1FF90]  }
0x550: {  	v8 =	vmul.f32 v34, v13;
	_ =	sdelay $0x1  }
0x551: {  	v5 =	vmul.f32 v37, v14;
	v4 =	vadd.f32 v8, v17;
	_ =	sdelay $0x1  }
0x552: {  	v9 =	vld [tilespmem:$0x1FEC0];
	v5 =	vadd.f32 v5, v18;
	[tilespmem:s22+$0xFFFFFF40] =	vst v4  }
0x553: {  	v19 =	vld [tilespmem:$0x1FFA0]  }
0x554: {  	v10 =	vld [tilespmem:$0x1FED0];
	[tilespmem:s22+$0xFFFFFF50] =	vst v5  }
0x555: {  	v20 =	vld [tilespmem:$0x1FFB0]  }
0x556: {  	v55 =	vmul.f32 v48, v11  }
0x557: {  	v31 =	vmul.f32 v31, v15  }
0x558: {  	v7 =	vadd.f32 v55, v3;
	v34 =	vmul.f32 v30, v0  }
0x559: {  	v37 =	vmul.f32 v42, v9;
	v4 =	vadd.f32 v31, v19  }
0x55a: {  	[tilespmem:s22+$0x20] =	vst v7;
	v38 =	vmul.f32 v44, v10;
	v5 =	vadd.f32 v34, v20  }
0x55b: {  	v41 =	vmul.f32 v33, v11;
	[tilespmem:s22+$0xFFFFFF60] =	vst v4;
	v4 =	vadd.f32 v37, v1  }
0x55c: {  	v42 =	vmul.f32 v40, v12;
	[tilespmem:s22+$0xFFFFFF70] =	vst v5;
	v5 =	vadd.f32 v38, v2  }
0x55d: {  	v44 =	vmul.f32 v60, v13;
	[tilespmem:s22+$0xFFFFFF80] =	vst v4;
	v4 =	vadd.f32 v41, v3  }
0x55e: {  	v47 =	vmul.f32 v32, v14;
	[tilespmem:s22+$0xFFFFFF90] =	vst v5;
	v5 =	vadd.f32 v42, v16  }
0x55f: {  	v50 =	vmul.f32 v26, v15;
	[tilespmem:s22+$0xFFFFFFA0] =	vst v4;
	v4 =	vadd.f32 v44, v17  }
0x560: {  	v52 =	vmul.f32 v25, v0;
	[tilespmem:s22+$0xFFFFFFB0] =	vst v5;
	v5 =	vadd.f32 v47, v18  }
0x561: {  	v56 =	vmul.f32 v46, v13;
	[tilespmem:s22+$0xFFFFFFC0] =	vst v4;
	v4 =	vadd.f32 v50, v19  }
0x562: {  	v54 =	vmul.f32 v51, v10;
	[tilespmem:s22+$0xFFFFFFD0] =	vst v5;
	v5 =	vadd.f32 v52, v20  }
0x563: {  	v6 =	vadd.f32 v56, v17;
	[tilespmem:s22+$0xFFFFFFE0] =	vst v4;
	v4 =	vmul.f32 v49, v12  }
0x564: {  	v53 =	vmul.f32 v28, v9;
	[tilespmem:s22+$0xFFFFFFF0] =	vst v5;
	v5 =	vadd.f32 v54, v2  }
0x565: {  	v57 =	vmul.f32 v45, v14;
	[tilespmem:s22+$0x40] =	vst v6;
	v4 =	vadd.f32 v4, v16  }
0x566: {  	v8 =	vadd.f32 v53, v1;
	[tilespmem:s22+$0x10] =	vst v5;
	v5 =	vmul.f32 v29, v15  }
0x567: {  	v58 =	vmul.f32 v21, v0;
	[tilespmem:s22+$0x30] =	vst v4;
	v4 =	vadd.f32 v57, v18  }
0x568: {  	v59 =	vmul.f32 v43, v11;
	[tilespmem:s22+$0x0] =	vst v8;
	v5 =	vadd.f32 v5, v19  }
0x569: {  	v60 =	vmul.f32 v23, v12;
	[tilespmem:s22+$0x50] =	vst v4;
	v4 =	vadd.f32 v58, v20  }
0x56a: {  	v61 =	vmul.f32 v39, v13;
	[tilespmem:s22+$0x60] =	vst v5;
	v5 =	vadd.f32 v59, v3  }
0x56b: {  	v62 =	vmul.f32 v36, v14;
	[tilespmem:s22+$0x70] =	vst v4;
	v4 =	vadd.f32 v60, v16  }
0x56c: {  	v63 =	vmul.f32 v35, v15;
	[tilespmem:s22+$0xA0] =	vst v5;
	v5 =	vadd.f32 v61, v17  }
0x56d: {  	[tilespmem:s22+$0xB0] =	vst v4;
	v4 =	vadd.f32 v62, v18  }
0x56e: {  	s4 =	sadd.s32 $0x1, s4;
	[tilespmem:s22+$0xC0] =	vst v5;
	v5 =	vadd.f32 v63, v19  }
0x56f: {  	p0 =	sne.s32 s4, $0x8;
	[tilespmem:s22+$0xD0] =	vst v4  }
.Ltmp4:
0x570: {  	[tilespmem:s22+$0xE0] =	vst v5;
	(pc) =	sbr.rel @p0 .LBB2_6-.Ltmp4, $4  }
0x571: {  	s2 =	sadd.s32 s9, s16;
	v1 =	vld [tilespmem:$0x1FFC0]  }
0x572: {  	s2 =	sshll.u32 s2, $0x4;
	v2 =	vld [tilespmem:$0x1FFD0]  }
0x573: {  	s2 =	sadd.s32 s7, s2;
	v3 =	vld [tilespmem:$0x1FFE0]  }
0x574: {  	[hbm4b:s2+s8] =	stream.linear.scatter [tilespmem:s1], [sflag:$0x6], $0x4000, $0x38;
	v15 =	vld [tilespmem:$0x1FFF0]  }
0x575: {  	s2 =	simm.s32 $0x5  }
0x576: {  	_ =	swait.ge [sflag:s2], $0x4000  }
0x577: {  	[sflag:s2] =	ssyncset.done $0x0  }
0x578: {  	s3 =	simm.s32 $0x6;
	[sflag:s2] =	ssyncadd.s32 $0xFFFFC000  }
0x579: {  	_ =	swait.ge [sflag:s3], $0x4000  }
0x57a: {  	s4 =	rddreg [dreg:$0xd]  }
0x57b: {  	s23 =	rddreg [dreg:$0xc];
	s4 =	sadd.s32 $0x1, s4  }
0x57c: {  	p0 =	sne.s32 s4, s23  }
.Ltmp5:
0x57d: {  	_ = 	snop;
	(pc) =	sbr.rel @p0 .LBB2_1-.Ltmp5, $3  }
0x57e: {  	_ =	sdelay $0x1  }
0x57f: {  	[sflag:s3] =	ssyncset.done $0x0  }
0x580: {  	s5 =	simm.s32 $0x7;
	[sflag:s3] =	ssyncadd.s32 $0xFFFFC000  }
0x581: {  	_ =	sfence.sel $0x180000  }
0x582: {  	[bflag:$0x0] =	sbarrier.arrive $0xFFFF  }
0x583: {  	_ =	strace $0x90000047  }
0x584: {  	s0 =	stileid.u32;
	[bflag:$0x2] =	sbarrier.arrive $0xFFFF  }
0x585: {  	p0 =	sne.s32 s0, $0x0;
	s0 =	rddreg [dreg:$0x8]  }
0x586: {  	s0 =	sadd.s32 @!p0 $0x100000, s0  }
0x587: {  	[sflag:s0] =	ssyncadd.tile.s32 @!p0 $0x1;
	_ =	shalt  }
.Lfunc_end2:
_tile_overlayer_lowered:
.L_overlay_start_2:
0x588: {  	(tag) =	ssettag $0x2  }
0x589: {  	s0 =	rddreg [dreg:$0x0];
	s2 =	stileid.u32  }
0x58a: {  	s1 =	rddreg [dreg:$0x1];
	p0 =	sne.s32 s2, $0x0  }
0x58b: {  	s3 =	rddreg [dreg:$0x2];
	[bflag:$0x3] =	sbarrier.arrive $0xFFFF;
	s2 =	simm.s32 @!p0 $0x1C07  }
0x58c: {  	[timem:s3], [sflag:s2] =	dma.local @!p0 [hbm:s0], s1  }
0x58d: {  	s0 =	simm.s32 @!p0 $0x7  }
0x58e: {  	_ =	swait.ge @!p0 [sflag:s0], s1  }
0x58f: {  	s1 =	ssub.s32 @!p0 $0x0, s1;
	[sflag:s0] =	ssyncset.done @!p0 $0x0  }
0x590: {  	[sflag:s0] =	ssyncadd.s32 @!p0 s1  }
0x591: {  	[bflag:$0x3] =	sbarrier.arrive $0xFFFF  }
0x592: {  	_ =	shalt  }

</sc_bundles>
